<compile_context>
chip_gen: v7x
topology: tpu7x:2x2x1
jax: 0.10.2.dev20260603
libtpu: 0.0.44.dev20260713+nightly
codegen_flags: <defaults>
</compile_context>

<pallas_src>
import dataclasses
import functools

import jax
import jax.numpy as jnp
from jax import lax
from jax.experimental import pallas as pl
from jax.experimental.pallas import tpu as pltpu
from jax.experimental.pallas import tpu_sc as plsc

N = 10000
E = 320000
FH = 128
FHALF = FH // 2

NC = 2
NS = 16
LANES = 16
NW = NC * NS
CHUNK1 = 400
CHUNK2 = 160
NCHUNK1 = E // NW // CHUNK1
NCHUNK2 = E // NS // CHUNK2
ROWS_PT = 624
ROWS_TAIL = N - ROWS_PT * NS

_mesh = plsc.VectorSubcoreMesh(core_axis_name="c", subcore_axis_name="s")

_sc_params = pltpu.CompilerParams()
if "needs_layout_passes" in pltpu.CompilerParams.__dataclass_fields__:
    _sc_params = dataclasses.replace(_sc_params, needs_layout_passes=False)
_sc_params_untiled = _sc_params
if "use_tc_tiling_on_sc" in pltpu.CompilerParams.__dataclass_fields__:
    _sc_params_untiled = dataclasses.replace(
        _sc_params, use_tc_tiling_on_sc=False)


def _deg_body(src_hbm, dst_hbm, outdeg_hbm, indeg_hbm,
              src_v, dst_v, outdeg_v, indeg_v, sem):
    cid = lax.axis_index("c")
    sid = lax.axis_index("s")
    wid = cid * NS + sid
    pltpu.async_copy(src_hbm.at[wid], src_v, sem).wait()
    pltpu.async_copy(dst_hbm.at[wid], dst_v, sem).wait()

    zero16 = jnp.zeros((LANES,), jnp.float32)
    ones16 = jnp.full((LANES,), 1.0, jnp.float32)

    @pl.loop(0, N, step=LANES)
    def _(j):
        outdeg_v[pl.ds(j, LANES)] = zero16
        indeg_v[pl.ds(j, LANES)] = zero16

    lane_masks = [jnp.arange(LANES, dtype=jnp.int32) == l for l in range(LANES)]

    @pl.loop(0, NCHUNK1)
    def _(c):
        @pl.loop(0, CHUNK1, step=LANES)
        def _(i):
            s16 = src_v[c, 0, pl.ds(i, LANES)]
            d16 = dst_v[c, 0, pl.ds(i, LANES)]
            for l in range(LANES):
                plsc.addupdate_scatter(outdeg_v, [s16], ones16,
                                       mask=lane_masks[l])
                plsc.addupdate_scatter(indeg_v, [d16], ones16,
                                       mask=lane_masks[l])

    pltpu.async_copy(outdeg_v, outdeg_hbm.at[wid, 0], sem).wait()
    pltpu.async_copy(indeg_v, indeg_hbm.at[wid, 0], sem).wait()


_deg_call = pl.kernel(
    _deg_body,
    out_type=[
        jax.ShapeDtypeStruct((NW, 1, N), jnp.float32),
        jax.ShapeDtypeStruct((NW, 1, N), jnp.float32),
    ],
    mesh=_mesh,
    scratch_types=[
        pltpu.VMEM((NCHUNK1, 1, CHUNK1), jnp.int32),
        pltpu.VMEM((NCHUNK1, 1, CHUNK1), jnp.int32),
        pltpu.VMEM((N,), jnp.float32),
        pltpu.VMEM((N,), jnp.float32),
        pltpu.SemaphoreType.DMA,
    ],
    compiler_params=_sc_params,
)


def _mm0_body(x_ref, w1_ref, h1_ref):
    h1_ref[...] = jnp.dot(x_ref[...], w1_ref[...],
                          preferred_element_type=jnp.float32,
                          precision=lax.Precision.HIGHEST)


def _mm0_call(x, w1):
    return pl.pallas_call(
        _mm0_body,
        out_shape=jax.ShapeDtypeStruct((N, FH), jnp.float32),
    )(x, w1)


def _mm1_body(outdeg_ref, indeg_ref, h1_ref, h1lo_ref, h1hi_ref, nsrc_ref,
              ndst_ref):
    dsrc = jnp.sum(outdeg_ref[...], axis=(0, 1))
    ddst = jnp.sum(indeg_ref[...], axis=(0, 1))
    nsrc = 1.0 / jnp.sqrt(jnp.maximum(dsrc, 1.0))
    ndst = 1.0 / jnp.sqrt(jnp.maximum(ddst, 1.0))
    nsrc_ref[...] = nsrc[None, :]
    ndst_ref[...] = ndst[None, :]
    h1s = h1_ref[...] * nsrc[:, None]
    h1lo_ref[...] = h1s[:, :FHALF]
    h1hi_ref[...] = h1s[:, FHALF:]


def _mm1_call(outdeg_p, indeg_p, h1):
    return pl.pallas_call(
        _mm1_body,
        out_shape=[
            jax.ShapeDtypeStruct((N, FHALF), jnp.float32),
            jax.ShapeDtypeStruct((N, FHALF), jnp.float32),
            jax.ShapeDtypeStruct((1, N), jnp.float32),
            jax.ShapeDtypeStruct((1, N), jnp.float32),
        ],
    )(outdeg_p, indeg_p, h1)


def _agg_body(src_hbm, dst_hbm, h1lo_hbm, h1hi_hbm, zeros_hbm,
              agg_hbm, src_v, dst_v, rows0_v,
              postab_v, dmod_v, rep_v, shared_agg, sem, gsem0, ssem):
    cid = lax.axis_index("c")
    sid = lax.axis_index("s")
    iota16 = jnp.arange(LANES, dtype=jnp.int32)
    trash16 = jnp.full((LANES,), N, jnp.int32)

    pltpu.async_copy(src_hbm.at[sid], src_v, sem).wait()
    pltpu.async_copy(dst_hbm.at[sid], dst_v, sem).wait()

    pltpu.async_copy(
        zeros_hbm.at[pl.ds(sid * ROWS_PT, ROWS_PT)],
        shared_agg.at[pl.ds(sid * ROWS_PT, ROWS_PT)],
        sem,
    ).wait()

    @pl.when(sid == NS - 1)
    def _():
        pltpu.async_copy(
            zeros_hbm.at[pl.ds(ROWS_PT * NS, ROWS_TAIL)],
            shared_agg.at[pl.ds(ROWS_PT * NS, ROWS_TAIL)],
            sem,
        ).wait()

    plsc.subcore_barrier()

    def gather_start(c, buf, gsem):
        @pl.when(cid == 0)
        def _():
            pltpu.async_copy(h1lo_hbm.at[src_v.at[c, 0]], buf, gsem)

        @pl.when(cid == 1)
        def _():
            pltpu.async_copy(h1hi_hbm.at[src_v.at[c, 0]], buf, gsem)

    def gather_wait(c, buf, gsem):
        pltpu.make_async_copy(h1lo_hbm.at[src_v.at[c, 0]], buf, gsem).wait()

    def dedup_chunk(c):
        @pl.loop(0, CHUNK2, step=LANES)
        def _(i):
            d16 = dst_v[c, 0, pl.ds(i, LANES)]
            plsc.store_scatter(postab_v, [d16], iota16 + i)

        @pl.loop(0, CHUNK2, step=LANES)
        def _(i):
            d16 = dst_v[c, 0, pl.ds(i, LANES)]
            rep16 = plsc.load_gather(postab_v, [d16])
            dup16 = rep16 != (iota16 + i)
            dmod_v[0, pl.ds(i, LANES)] = jnp.where(dup16, trash16, d16)
            rep_v[pl.ds(i, LANES)] = rep16

        @pl.loop(0, CHUNK2)
        def _(i):
            i16 = jnp.zeros((LANES,), jnp.int32) + i
            rep_spl = plsc.load_gather(rep_v, [i16])
            dup_spl = rep_spl != i16

            @pl.loop(0, FHALF, step=LANES)
            def _(g):
                cols = iota16 + g
                vals = plsc.load_gather(rows0_v, [i16, cols])
                plsc.addupdate_scatter(rows0_v, [rep_spl, cols], vals,
                                       mask=dup_spl)

    @pl.loop(0, NCHUNK2)
    def _(c):
        gather_start(c, rows0_v, gsem0)
        gather_wait(c, rows0_v, gsem0)
        dedup_chunk(c)
        for phase in range(NS):
            @pl.when(sid == phase)
            def _():
                pltpu.async_copy(rows0_v, shared_agg.at[dmod_v.at[0]], ssem,
                                 add=True).wait()
            plsc.subcore_barrier()

    plsc.subcore_barrier()
    pltpu.async_copy(
        shared_agg.at[pl.ds(sid * ROWS_PT, ROWS_PT)],
        agg_hbm.at[cid, pl.ds(sid * ROWS_PT, ROWS_PT)],
        sem,
    ).wait()

    @pl.when(sid == NS - 1)
    def _():
        pltpu.async_copy(
            shared_agg.at[pl.ds(ROWS_PT * NS, ROWS_TAIL)],
            agg_hbm.at[cid, pl.ds(ROWS_PT * NS, ROWS_TAIL)],
            sem,
        ).wait()


_agg_call = pl.kernel(
    _agg_body,
    out_type=[
        jax.ShapeDtypeStruct((NC, N, FHALF), jnp.float32),
    ],
    mesh=_mesh,
    scratch_types=[
        pltpu.VMEM((NCHUNK2, 1, CHUNK2), jnp.int32),
        pltpu.VMEM((NCHUNK2, 1, CHUNK2), jnp.int32),
        pltpu.VMEM((CHUNK2, FHALF), jnp.float32),
        pltpu.VMEM((N,), jnp.int32),
        pltpu.VMEM((1, CHUNK2), jnp.int32),
        pltpu.VMEM((CHUNK2,), jnp.int32),
        pltpu.VMEM_SHARED((N + 16, FHALF), jnp.float32),
        pltpu.SemaphoreType.DMA,
        pltpu.SemaphoreType.DMA,
        pltpu.SemaphoreType.DMA,
    ],
    compiler_params=_sc_params_untiled,
)


def _mid_body(agg_ref, nsrc_ref, ndst_ref, b1_ref, w2_ref, zs_ref):
    agg = jnp.concatenate([agg_ref[0], agg_ref[1]], axis=1)
    h = jnp.maximum(agg * ndst_ref[0][:, None] + b1_ref[...], 0.0)
    z = jnp.dot(h, w2_ref[...])
    zs_ref[...] = (z[:, 0] * nsrc_ref[0])[None, :]


def _mid_call(aggp, nsrc, ndst, b1r, w2r):
    return pl.pallas_call(
        _mid_body,
        out_shape=jax.ShapeDtypeStruct((1, N), jnp.float32),
    )(aggp, nsrc, ndst, b1r, w2r)


def _zagg_body(src_hbm, dst_hbm, zs_hbm, zagg_hbm,
               src_v, dst_v, zs_v, zagg_v, sem):
    cid = lax.axis_index("c")
    sid = lax.axis_index("s")
    wid = cid * NS + sid
    half = NCHUNK2 // NC
    clo = cid * half

    pltpu.async_copy(src_hbm.at[sid], src_v, sem).wait()
    pltpu.async_copy(dst_hbm.at[sid], dst_v, sem).wait()
    pltpu.async_copy(zs_hbm.at[0], zs_v, sem).wait()

    zero16 = jnp.zeros((LANES,), jnp.float32)
    lane_masks = [jnp.arange(LANES, dtype=jnp.int32) == l
                  for l in range(LANES)]

    @pl.loop(0, N, step=LANES)
    def _(j):
        zagg_v[pl.ds(j, LANES)] = zero16

    @pl.loop(clo, clo + half)
    def _(c):
        @pl.loop(0, CHUNK2, step=LANES)
        def _(i):
            s16 = src_v[c, 0, pl.ds(i, LANES)]
            d16 = dst_v[c, 0, pl.ds(i, LANES)]
            vals = plsc.load_gather(zs_v, [s16])
            for l in range(LANES):
                plsc.addupdate_scatter(zagg_v, [d16], vals,
                                       mask=lane_masks[l])

    pltpu.async_copy(zagg_v, zagg_hbm.at[wid, 0], sem).wait()


_zagg_call = pl.kernel(
    _zagg_body,
    out_type=[
        jax.ShapeDtypeStruct((NW, 1, N), jnp.float32),
    ],
    mesh=_mesh,
    scratch_types=[
        pltpu.VMEM((NCHUNK2, 1, CHUNK2), jnp.int32),
        pltpu.VMEM((NCHUNK2, 1, CHUNK2), jnp.int32),
        pltpu.VMEM((N,), jnp.float32),
        pltpu.VMEM((N,), jnp.float32),
        pltpu.SemaphoreType.DMA,
    ],
    compiler_params=_sc_params,
)


def _final_body(zaggp_ref, ndst_ref, b2_ref, out_ref):
    zagg = jnp.sum(zaggp_ref[...], axis=(0, 1))
    h2 = zagg * ndst_ref[0]
    out_ref[...] = jnp.mean(h2) + b2_ref[...]


def _final_call(zaggp, ndst, b2r):
    return pl.pallas_call(
        _final_body,
        out_shape=jax.ShapeDtypeStruct((1, 1), jnp.float32),
    )(zaggp, ndst, b2r)


@jax.jit
def _gcn(x, edge_index, W1, b1, W2, b2):
    ei = edge_index.astype(jnp.int32)
    src1 = ei[0].reshape(NW, NCHUNK1, 1, CHUNK1)
    dst1 = ei[1].reshape(NW, NCHUNK1, 1, CHUNK1)
    src2 = ei[0].reshape(NS, NCHUNK2, 1, CHUNK2)
    dst2 = ei[1].reshape(NS, NCHUNK2, 1, CHUNK2)
    outdeg_p, indeg_p = _deg_call(src1, dst1)
    h1 = _mm0_call(x, W1)
    h1lo, h1hi, nsrc, ndst = _mm1_call(outdeg_p, indeg_p, h1)
    zeros = jnp.zeros((N, FHALF), jnp.float32)
    b1r = b1.reshape(1, FH)
    w2r = W2.reshape(FH, 1)
    b2r = b2.reshape(1, 1)
    (aggp,) = _agg_call(src2, dst2, h1lo, h1hi, zeros)
    zs = _mid_call(aggp, nsrc, ndst, b1r, w2r)
    (zaggp,) = _zagg_call(src2, dst2, zs)
    return _final_call(zaggp, ndst, b2r)


def kernel(x, edge_index, W1, b1, W2, b2):
    return _gcn(x, edge_index, W1, b1, W2, b2)

# --- scband reference (transcript-rebuilt; emitter-appended) ---
"""Pipeline reference for scband-gcn-88124138979416 (READ-ONLY COPY).

The authoritative reference and input builder live on the scoring server;
editing this copy changes nothing except your own understanding.
"""

import jax, jax.numpy as jnp
import numpy as np

N, E, F_IN, H, C = 10000, 320000, 128, 128, 1

def setup_inputs(seed: int = 0) -> dict:
    key = jax.random.key(seed)
    k1, k2, k3, k4 = jax.random.split(key, 4)
    x = jax.random.normal(k1, (N, F_IN), dtype=jnp.float32)
    edge_index = jax.random.randint(k2, (2, E), 0, N)
    W1 = jax.random.normal(k3, (F_IN, H), dtype=jnp.float32) * (1.0 / np.sqrt(F_IN))
    b1 = jnp.zeros((H,), dtype=jnp.float32)
    W2 = jax.random.normal(k4, (H, C), dtype=jnp.float32) * (1.0 / np.sqrt(H))
    b2 = jnp.zeros((C,), dtype=jnp.float32)
    return {"x": x, "edge_index": edge_index, "W1": W1, "b1": b1, "W2": W2, "b2": b2}

def reference(x, edge_index, W1, b1, W2, b2):
    # DGL GraphConv with norm='both', allow_zero_in_degree=True:
    #   h' = D_in^{-1/2} * A^T * (D_out^{-1/2} * (X W)) + b  (degrees clamped to min 1)
    src = edge_index[0]
    dst = edge_index[1]
    n = x.shape[0]
    ones = jnp.ones((src.shape[0],), dtype=jnp.float32)
    out_deg = jnp.clip(jnp.zeros((n,), jnp.float32).at[src].add(ones), 1.0, None)
    in_deg = jnp.clip(jnp.zeros((n,), jnp.float32).at[dst].add(ones), 1.0, None)
    norm_src = out_deg ** -0.5
    norm_dst = in_deg ** -0.5

    def gconv(h, W, b):
        h = h @ W
        h = h * norm_src[:, None]
        msgs = jnp.take(h, src, axis=0)  # gather source features per edge
        agg = jnp.zeros((n, h.shape[1]), h.dtype).at[dst].add(msgs)  # scatter-add to dst
        return agg * norm_dst[:, None] + b

    h = jax.nn.relu(gconv(x, W1, b1))
    h = gconv(h, W2, b2)
    # dgl.mean_nodes over a single batched graph -> [1, num_classes]
    return jnp.mean(h, axis=0, keepdims=True)

if __name__ == "__main__":
    import jax
    _d = setup_inputs()
    print(jax.jit(kernel)(*tuple(_d.values())))

</pallas_src>

<mosaic_0001>
#map = affine_map<(d0, d1) -> (0, 0, 0, 0)>
#map1 = affine_map<(d0, d1) -> (0, 0)>
#map2 = affine_map<(d0, d1) -> (0, 0, 0)>
module attributes {stable_mosaic.version = 14 : i64} {
  func.func @_zagg_body(%arg0: i32, %arg1: i32, %arg2: memref<16x125x1x160xi32, #tpu.memory_space<hbm>>, %arg3: memref<16x125x1x160xi32, #tpu.memory_space<hbm>>, %arg4: memref<1x10000xf32, #tpu.memory_space<hbm>>, %arg5: memref<32x1x10000xf32, #tpu.memory_space<hbm>>, %arg6: memref<125x1x160xi32, #tpu.memory_space<vmem>>, %arg7: memref<125x1x160xi32, #tpu.memory_space<vmem>>, %arg8: memref<10000xf32, #tpu.memory_space<vmem>>, %arg9: memref<10000xf32, #tpu.memory_space<vmem>>, %arg10: memref<!tpu.dma_semaphore, #tpu.memory_space<semaphore_mem>>) attributes {dimension_semantics = [#tpu.dimension_semantics<core_parallel>, #tpu.dimension_semantics<subcore_parallel>], iteration_bounds = array<i64: 2, 16>, scalar_prefetch = 0 : i64, scratch_operands = 5 : i64, tpu.core_type = #tpu.core_type<sc_vector_subcore>, window_params = [{transform_indices = #map}, {transform_indices = #map}, {transform_indices = #map1}, {transform_indices = #map2}]} {
    %mul3A = arith.constant 16 : i32
    %mul3A_0 = arith.muli %arg0, %mul3A : i32
    %add3A = arith.addi %mul3A_0, %arg1 : i32
    %mul3A_1 = arith.constant 62 : i32
    %mul3A_2 = arith.muli %arg0, %mul3A_1 : i32
    %dma_start3A = arith.constant 0 : i32
    %dma_start3A_3 = arith.constant 0 : i32
    %dma_start3A_4 = arith.constant 0 : i32
    %dma_start3A_5 = tpu.memref_slice %arg2[%arg1, %dma_start3A, %dma_start3A_3, %dma_start3A_4] : memref<16x125x1x160xi32, #tpu.memory_space<hbm>> -> memref<1x125x1x160xi32, #tpu.memory_space<hbm>>
    %dma_start3A_6 = tpu.memref_squeeze %dma_start3A_5 : memref<1x125x1x160xi32, #tpu.memory_space<hbm>> -> memref<125x1x160xi32, #tpu.memory_space<hbm>>
    %dma_start3A_7 = arith.constant 0 : i32
    %dma_start3A_8 = arith.constant 0 : i32
    %dma_start3A_9 = arith.constant 0 : i32
    %dma_start3A_10 = tpu.memref_slice %arg2[%arg1, %dma_start3A_7, %dma_start3A_8, %dma_start3A_9] : memref<16x125x1x160xi32, #tpu.memory_space<hbm>> -> memref<1x125x1x160xi32, #tpu.memory_space<hbm>>
    %dma_start3A_11 = tpu.memref_squeeze %dma_start3A_10 : memref<1x125x1x160xi32, #tpu.memory_space<hbm>> -> memref<125x1x160xi32, #tpu.memory_space<hbm>>
    tpu.enqueue_dma source(%dma_start3A_11 : memref<125x1x160xi32, #tpu.memory_space<hbm>>) target(%arg6 : memref<125x1x160xi32, #tpu.memory_space<vmem>>) target_semaphore(%arg10 : memref<!tpu.dma_semaphore, #tpu.memory_space<semaphore_mem>>)
    %dma_wait3A = arith.constant 0 : i32
    %dma_wait3A_12 = arith.constant 0 : i32
    %dma_wait3A_13 = arith.constant 0 : i32
    %dma_wait3A_14 = tpu.memref_slice %arg2[%arg1, %dma_wait3A, %dma_wait3A_12, %dma_wait3A_13] : memref<16x125x1x160xi32, #tpu.memory_space<hbm>> -> memref<1x125x1x160xi32, #tpu.memory_space<hbm>>
    %dma_wait3A_15 = tpu.memref_squeeze %dma_wait3A_14 : memref<1x125x1x160xi32, #tpu.memory_space<hbm>> -> memref<125x1x160xi32, #tpu.memory_space<hbm>>
    %dma_wait3A_16 = arith.constant 0 : i32
    %dma_wait3A_17 = arith.constant 0 : i32
    %dma_wait3A_18 = arith.constant 0 : i32
    %dma_wait3A_19 = tpu.memref_slice %arg2[%arg1, %dma_wait3A_16, %dma_wait3A_17, %dma_wait3A_18] : memref<16x125x1x160xi32, #tpu.memory_space<hbm>> -> memref<1x125x1x160xi32, #tpu.memory_space<hbm>>
    %dma_wait3A_20 = tpu.memref_squeeze %dma_wait3A_19 : memref<1x125x1x160xi32, #tpu.memory_space<hbm>> -> memref<125x1x160xi32, #tpu.memory_space<hbm>>
    tpu.wait_dma2 semaphore(%arg10 : memref<!tpu.dma_semaphore, #tpu.memory_space<semaphore_mem>>) src(%dma_wait3A_20 : memref<125x1x160xi32, #tpu.memory_space<hbm>>) dst(%arg6 : memref<125x1x160xi32, #tpu.memory_space<vmem>>)
    %dma_start3A_21 = arith.constant 0 : i32
    %dma_start3A_22 = arith.constant 0 : i32
    %dma_start3A_23 = arith.constant 0 : i32
    %dma_start3A_24 = tpu.memref_slice %arg3[%arg1, %dma_start3A_21, %dma_start3A_22, %dma_start3A_23] : memref<16x125x1x160xi32, #tpu.memory_space<hbm>> -> memref<1x125x1x160xi32, #tpu.memory_space<hbm>>
    %dma_start3A_25 = tpu.memref_squeeze %dma_start3A_24 : memref<1x125x1x160xi32, #tpu.memory_space<hbm>> -> memref<125x1x160xi32, #tpu.memory_space<hbm>>
    %dma_start3A_26 = arith.constant 0 : i32
    %dma_start3A_27 = arith.constant 0 : i32
    %dma_start3A_28 = arith.constant 0 : i32
    %dma_start3A_29 = tpu.memref_slice %arg3[%arg1, %dma_start3A_26, %dma_start3A_27, %dma_start3A_28] : memref<16x125x1x160xi32, #tpu.memory_space<hbm>> -> memref<1x125x1x160xi32, #tpu.memory_space<hbm>>
    %dma_start3A_30 = tpu.memref_squeeze %dma_start3A_29 : memref<1x125x1x160xi32, #tpu.memory_space<hbm>> -> memref<125x1x160xi32, #tpu.memory_space<hbm>>
    tpu.enqueue_dma source(%dma_start3A_30 : memref<125x1x160xi32, #tpu.memory_space<hbm>>) target(%arg7 : memref<125x1x160xi32, #tpu.memory_space<vmem>>) target_semaphore(%arg10 : memref<!tpu.dma_semaphore, #tpu.memory_space<semaphore_mem>>)
    %dma_wait3A_31 = arith.constant 0 : i32
    %dma_wait3A_32 = arith.constant 0 : i32
    %dma_wait3A_33 = arith.constant 0 : i32
    %dma_wait3A_34 = tpu.memref_slice %arg3[%arg1, %dma_wait3A_31, %dma_wait3A_32, %dma_wait3A_33] : memref<16x125x1x160xi32, #tpu.memory_space<hbm>> -> memref<1x125x1x160xi32, #tpu.memory_space<hbm>>
    %dma_wait3A_35 = tpu.memref_squeeze %dma_wait3A_34 : memref<1x125x1x160xi32, #tpu.memory_space<hbm>> -> memref<125x1x160xi32, #tpu.memory_space<hbm>>
    %dma_wait3A_36 = arith.constant 0 : i32
    %dma_wait3A_37 = arith.constant 0 : i32
    %dma_wait3A_38 = arith.constant 0 : i32
    %dma_wait3A_39 = tpu.memref_slice %arg3[%arg1, %dma_wait3A_36, %dma_wait3A_37, %dma_wait3A_38] : memref<16x125x1x160xi32, #tpu.memory_space<hbm>> -> memref<1x125x1x160xi32, #tpu.memory_space<hbm>>
    %dma_wait3A_40 = tpu.memref_squeeze %dma_wait3A_39 : memref<1x125x1x160xi32, #tpu.memory_space<hbm>> -> memref<125x1x160xi32, #tpu.memory_space<hbm>>
    tpu.wait_dma2 semaphore(%arg10 : memref<!tpu.dma_semaphore, #tpu.memory_space<semaphore_mem>>) src(%dma_wait3A_40 : memref<125x1x160xi32, #tpu.memory_space<hbm>>) dst(%arg7 : memref<125x1x160xi32, #tpu.memory_space<vmem>>)
    %dma_start3A_41 = arith.constant 0 : i32
    %dma_start3A_42 = arith.constant 0 : i32
    %dma_start3A_43 = tpu.memref_slice %arg4[%dma_start3A_41, %dma_start3A_42] : memref<1x10000xf32, #tpu.memory_space<hbm>> -> memref<1x10000xf32, #tpu.memory_space<hbm>>
    %dma_start3A_44 = tpu.memref_squeeze %dma_start3A_43 : memref<1x10000xf32, #tpu.memory_space<hbm>> -> memref<10000xf32, #tpu.memory_space<hbm>>
    %dma_start3A_45 = arith.constant 0 : i32
    %dma_start3A_46 = tpu.memref_slice %arg4[%dma_start3A_41, %dma_start3A_45] : memref<1x10000xf32, #tpu.memory_space<hbm>> -> memref<1x10000xf32, #tpu.memory_space<hbm>>
    %dma_start3A_47 = tpu.memref_squeeze %dma_start3A_46 : memref<1x10000xf32, #tpu.memory_space<hbm>> -> memref<10000xf32, #tpu.memory_space<hbm>>
    tpu.enqueue_dma source(%dma_start3A_47 : memref<10000xf32, #tpu.memory_space<hbm>>) target(%arg8 : memref<10000xf32, #tpu.memory_space<vmem>>) target_semaphore(%arg10 : memref<!tpu.dma_semaphore, #tpu.memory_space<semaphore_mem>>)
    %dma_wait3A_48 = arith.constant 0 : i32
    %dma_wait3A_49 = arith.constant 0 : i32
    %dma_wait3A_50 = tpu.memref_slice %arg4[%dma_wait3A_48, %dma_wait3A_49] : memref<1x10000xf32, #tpu.memory_space<hbm>> -> memref<1x10000xf32, #tpu.memory_space<hbm>>
    %dma_wait3A_51 = tpu.memref_squeeze %dma_wait3A_50 : memref<1x10000xf32, #tpu.memory_space<hbm>> -> memref<10000xf32, #tpu.memory_space<hbm>>
    %dma_wait3A_52 = arith.constant 0 : i32
    %dma_wait3A_53 = tpu.memref_slice %arg4[%dma_wait3A_48, %dma_wait3A_52] : memref<1x10000xf32, #tpu.memory_space<hbm>> -> memref<1x10000xf32, #tpu.memory_space<hbm>>
    %dma_wait3A_54 = tpu.memref_squeeze %dma_wait3A_53 : memref<1x10000xf32, #tpu.memory_space<hbm>> -> memref<10000xf32, #tpu.memory_space<hbm>>
    tpu.wait_dma2 semaphore(%arg10 : memref<!tpu.dma_semaphore, #tpu.memory_space<semaphore_mem>>) src(%dma_wait3A_54 : memref<10000xf32, #tpu.memory_space<hbm>>) dst(%arg8 : memref<10000xf32, #tpu.memory_space<vmem>>)
    %broadcast_in_dim3A = arith.constant 0.000000e+00 : f32
    %broadcast_in_dim3A_55 = vector.broadcast %broadcast_in_dim3A : f32 to vector<16xf32>
    %iota3A = tpu.iota {dimensions = array<i32: 0>} : vector<16xi32>
    %eq3A = arith.constant 0 : i32
    %eq3A_56 = vector.broadcast %eq3A : i32 to vector<16xi32>
    %eq3A_57 = arith.cmpi eq, %iota3A, %eq3A_56 : vector<16xi32>
    %iota3A_58 = tpu.iota {dimensions = array<i32: 0>} : vector<16xi32>
    %eq3A_59 = arith.constant 1 : i32
    %eq3A_60 = vector.broadcast %eq3A_59 : i32 to vector<16xi32>
    %eq3A_61 = arith.cmpi eq, %iota3A_58, %eq3A_60 : vector<16xi32>
    %iota3A_62 = tpu.iota {dimensions = array<i32: 0>} : vector<16xi32>
    %eq3A_63 = arith.constant 2 : i32
    %eq3A_64 = vector.broadcast %eq3A_63 : i32 to vector<16xi32>
    %eq3A_65 = arith.cmpi eq, %iota3A_62, %eq3A_64 : vector<16xi32>
    %iota3A_66 = tpu.iota {dimensions = array<i32: 0>} : vector<16xi32>
    %eq3A_67 = arith.constant 3 : i32
    %eq3A_68 = vector.broadcast %eq3A_67 : i32 to vector<16xi32>
    %eq3A_69 = arith.cmpi eq, %iota3A_66, %eq3A_68 : vector<16xi32>
    %iota3A_70 = tpu.iota {dimensions = array<i32: 0>} : vector<16xi32>
    %eq3A_71 = arith.constant 4 : i32
    %eq3A_72 = vector.broadcast %eq3A_71 : i32 to vector<16xi32>
    %eq3A_73 = arith.cmpi eq, %iota3A_70, %eq3A_72 : vector<16xi32>
    %iota3A_74 = tpu.iota {dimensions = array<i32: 0>} : vector<16xi32>
    %eq3A_75 = arith.constant 5 : i32
    %eq3A_76 = vector.broadcast %eq3A_75 : i32 to vector<16xi32>
    %eq3A_77 = arith.cmpi eq, %iota3A_74, %eq3A_76 : vector<16xi32>
    %iota3A_78 = tpu.iota {dimensions = array<i32: 0>} : vector<16xi32>
    %eq3A_79 = arith.constant 6 : i32
    %eq3A_80 = vector.broadcast %eq3A_79 : i32 to vector<16xi32>
    %eq3A_81 = arith.cmpi eq, %iota3A_78, %eq3A_80 : vector<16xi32>
    %iota3A_82 = tpu.iota {dimensions = array<i32: 0>} : vector<16xi32>
    %eq3A_83 = arith.constant 7 : i32
    %eq3A_84 = vector.broadcast %eq3A_83 : i32 to vector<16xi32>
    %eq3A_85 = arith.cmpi eq, %iota3A_82, %eq3A_84 : vector<16xi32>
    %iota3A_86 = tpu.iota {dimensions = array<i32: 0>} : vector<16xi32>
    %eq3A_87 = arith.constant 8 : i32
    %eq3A_88 = vector.broadcast %eq3A_87 : i32 to vector<16xi32>
    %eq3A_89 = arith.cmpi eq, %iota3A_86, %eq3A_88 : vector<16xi32>
    %iota3A_90 = tpu.iota {dimensions = array<i32: 0>} : vector<16xi32>
    %eq3A_91 = arith.constant 9 : i32
    %eq3A_92 = vector.broadcast %eq3A_91 : i32 to vector<16xi32>
    %eq3A_93 = arith.cmpi eq, %iota3A_90, %eq3A_92 : vector<16xi32>
    %iota3A_94 = tpu.iota {dimensions = array<i32: 0>} : vector<16xi32>
    %eq3A_95 = arith.constant 10 : i32
    %eq3A_96 = vector.broadcast %eq3A_95 : i32 to vector<16xi32>
    %eq3A_97 = arith.cmpi eq, %iota3A_94, %eq3A_96 : vector<16xi32>
    %iota3A_98 = tpu.iota {dimensions = array<i32: 0>} : vector<16xi32>
    %eq3A_99 = arith.constant 11 : i32
    %eq3A_100 = vector.broadcast %eq3A_99 : i32 to vector<16xi32>
    %eq3A_101 = arith.cmpi eq, %iota3A_98, %eq3A_100 : vector<16xi32>
    %iota3A_102 = tpu.iota {dimensions = array<i32: 0>} : vector<16xi32>
    %eq3A_103 = arith.constant 12 : i32
    %eq3A_104 = vector.broadcast %eq3A_103 : i32 to vector<16xi32>
    %eq3A_105 = arith.cmpi eq, %iota3A_102, %eq3A_104 : vector<16xi32>
    %iota3A_106 = tpu.iota {dimensions = array<i32: 0>} : vector<16xi32>
    %eq3A_107 = arith.constant 13 : i32
    %eq3A_108 = vector.broadcast %eq3A_107 : i32 to vector<16xi32>
    %eq3A_109 = arith.cmpi eq, %iota3A_106, %eq3A_108 : vector<16xi32>
    %iota3A_110 = tpu.iota {dimensions = array<i32: 0>} : vector<16xi32>
    %eq3A_111 = arith.constant 14 : i32
    %eq3A_112 = vector.broadcast %eq3A_111 : i32 to vector<16xi32>
    %eq3A_113 = arith.cmpi eq, %iota3A_110, %eq3A_112 : vector<16xi32>
    %iota3A_114 = tpu.iota {dimensions = array<i32: 0>} : vector<16xi32>
    %eq3A_115 = arith.constant 15 : i32
    %eq3A_116 = vector.broadcast %eq3A_115 : i32 to vector<16xi32>
    %eq3A_117 = arith.cmpi eq, %iota3A_114, %eq3A_116 : vector<16xi32>
    %scan3A = arith.constant 0 : i32
    %scan3A_118 = arith.constant 625 : i32
    %scan3A_119 = arith.addi %scan3A, %scan3A_118 : i32
    %scan3A_120 = arith.constant 1 : i32
    scf.for %scan3A_152 = %scan3A to %scan3A_119 step %scan3A_120  : i32 {
      %mul3A_153 = arith.constant 16 : i32
      %mul3A_154 = arith.muli %scan3A_152, %mul3A_153 : i32
      %add3A_155 = arith.constant 0 : i32
      %add3A_156 = arith.addi %add3A_155, %mul3A_154 : i32
      %swap3A = arith.index_cast %add3A_156 : i32 to index
      %swap3A_157 = tpu.vector_load %arg9[%swap3A] {strides = array<i32>} : memref<10000xf32, #tpu.memory_space<vmem>>, vector<16xf32>,
      tpu.vector_store %arg9[%swap3A], %broadcast_in_dim3A_55 {strides = array<i32>} : memref<10000xf32, #tpu.memory_space<vmem>>, vector<16xf32>,
    }
    %scan3A_121 = arith.constant 625 : i32
    %add3A_122 = arith.constant 62 : i32
    %add3A_123 = arith.addi %mul3A_2, %add3A_122 : i32
    %sub3A = arith.subi %add3A_123, %mul3A_2 : i32
    %sub3A_124 = arith.constant 1 : i32
    %sub3A_125 = arith.constant 1 : i32
    %sub3A_126 = arith.subi %sub3A_124, %sub3A_125 : i32
    %add3A_127 = arith.addi %sub3A, %sub3A_126 : i32
    %div3A = arith.constant 1 : i32
    %div3A_128 = arith.divsi %add3A_127, %div3A : i32
    %while3A = arith.constant 1 : i32
    %while3A_129 = arith.constant 0 : i32
    %while3A_130 = arith.subi %div3A_128, %while3A_129 : i32
    %while3A_131 = arith.addi %while3A_129, %while3A_130 : i32
    %while3A_132 = arith.constant 1 : i32
    %while3A_133 = arith.divsi %while3A_130, %while3A_132 : i32
    %while3A_134 = arith.muli %while3A_133, %while3A_132 : i32
    %while3A_135 = arith.addi %while3A_129, %while3A_134 : i32
    %while3A_136 = arith.constant 1 : i32
    scf.for %while3A_152 = %while3A_129 to %while3A_135 step %while3A_136  : i32 {
      %mul3A_153 = arith.muli %while3A_152, %while3A : i32
      %add3A_154 = arith.addi %mul3A_2, %mul3A_153 : i32
      %scan3A_155 = arith.constant 0 : i32
      %scan3A_156 = arith.constant 10 : i32
      %scan3A_157 = arith.addi %scan3A_155, %scan3A_156 : i32
      %scan3A_158 = arith.constant 1 : i32
      scf.for %scan3A_160 = %scan3A_155 to %scan3A_157 step %scan3A_158  : i32 {
        %mul3A_161 = arith.constant 16 : i32
        %mul3A_162 = arith.muli %scan3A_160, %mul3A_161 : i32
        %add3A_163 = arith.constant 0 : i32
        %add3A_164 = arith.addi %add3A_163, %mul3A_162 : i32
        %get3A = arith.constant 0 : i32
        %get3A_165 = arith.index_cast %add3A_154 : i32 to index
        %get3A_166 = arith.index_cast %get3A : i32 to index
        %get3A_167 = arith.index_cast %add3A_164 : i32 to index
        %get3A_168 = tpu.vector_load %arg6[%get3A_165, %get3A_166, %get3A_167] {strides = array<i32>} : memref<125x1x160xi32, #tpu.memory_space<vmem>>, vector<16xi32>,
        %get3A_169 = arith.constant 0 : i32
        %get3A_170 = arith.index_cast %add3A_154 : i32 to index
        %get3A_171 = arith.index_cast %get3A_169 : i32 to index
        %get3A_172 = arith.index_cast %add3A_164 : i32 to index
        %get3A_173 = tpu.vector_load %arg7[%get3A_170, %get3A_171, %get3A_172] {strides = array<i32>} : memref<125x1x160xi32, #tpu.memory_space<vmem>>, vector<16xi32>,
        %gather3A = tpu.vector_load_idx %arg8[%get3A_168] : memref<10000xf32, #tpu.memory_space<vmem>>[vector<16xi32>], vector<16xf32>,
        tpu.vector_store_idx %arg9[%get3A_173], %gather3A masked %eq3A_57 {add = true} : memref<10000xf32, #tpu.memory_space<vmem>>[vector<16xi32>], vector<16xf32>, vector<16xi1>
        tpu.vector_store_idx %arg9[%get3A_173], %gather3A masked %eq3A_61 {add = true} : memref<10000xf32, #tpu.memory_space<vmem>>[vector<16xi32>], vector<16xf32>, vector<16xi1>
        tpu.vector_store_idx %arg9[%get3A_173], %gather3A masked %eq3A_65 {add = true} : memref<10000xf32, #tpu.memory_space<vmem>>[vector<16xi32>], vector<16xf32>, vector<16xi1>
        tpu.vector_store_idx %arg9[%get3A_173], %gather3A masked %eq3A_69 {add = true} : memref<10000xf32, #tpu.memory_space<vmem>>[vector<16xi32>], vector<16xf32>, vector<16xi1>
        tpu.vector_store_idx %arg9[%get3A_173], %gather3A masked %eq3A_73 {add = true} : memref<10000xf32, #tpu.memory_space<vmem>>[vector<16xi32>], vector<16xf32>, vector<16xi1>
        tpu.vector_store_idx %arg9[%get3A_173], %gather3A masked %eq3A_77 {add = true} : memref<10000xf32, #tpu.memory_space<vmem>>[vector<16xi32>], vector<16xf32>, vector<16xi1>
        tpu.vector_store_idx %arg9[%get3A_173], %gather3A masked %eq3A_81 {add = true} : memref<10000xf32, #tpu.memory_space<vmem>>[vector<16xi32>], vector<16xf32>, vector<16xi1>
        tpu.vector_store_idx %arg9[%get3A_173], %gather3A masked %eq3A_85 {add = true} : memref<10000xf32, #tpu.memory_space<vmem>>[vector<16xi32>], vector<16xf32>, vector<16xi1>
        tpu.vector_store_idx %arg9[%get3A_173], %gather3A masked %eq3A_89 {add = true} : memref<10000xf32, #tpu.memory_space<vmem>>[vector<16xi32>], vector<16xf32>, vector<16xi1>
        tpu.vector_store_idx %arg9[%get3A_173], %gather3A masked %eq3A_93 {add = true} : memref<10000xf32, #tpu.memory_space<vmem>>[vector<16xi32>], vector<16xf32>, vector<16xi1>
        tpu.vector_store_idx %arg9[%get3A_173], %gather3A masked %eq3A_97 {add = true} : memref<10000xf32, #tpu.memory_space<vmem>>[vector<16xi32>], vector<16xf32>, vector<16xi1>
        tpu.vector_store_idx %arg9[%get3A_173], %gather3A masked %eq3A_101 {add = true} : memref<10000xf32, #tpu.memory_space<vmem>>[vector<16xi32>], vector<16xf32>, vector<16xi1>
        tpu.vector_store_idx %arg9[%get3A_173], %gather3A masked %eq3A_105 {add = true} : memref<10000xf32, #tpu.memory_space<vmem>>[vector<16xi32>], vector<16xf32>, vector<16xi1>
        tpu.vector_store_idx %arg9[%get3A_173], %gather3A masked %eq3A_109 {add = true} : memref<10000xf32, #tpu.memory_space<vmem>>[vector<16xi32>], vector<16xf32>, vector<16xi1>
        tpu.vector_store_idx %arg9[%get3A_173], %gather3A masked %eq3A_113 {add = true} : memref<10000xf32, #tpu.memory_space<vmem>>[vector<16xi32>], vector<16xf32>, vector<16xi1>
        tpu.vector_store_idx %arg9[%get3A_173], %gather3A masked %eq3A_117 {add = true} : memref<10000xf32, #tpu.memory_space<vmem>>[vector<16xi32>], vector<16xf32>, vector<16xi1>
      }
      %scan3A_159 = arith.constant 10 : i32
    }
    %while3A_137 = arith.constant 1 : i32
    scf.for %while3A_152 = %while3A_135 to %while3A_131 step %while3A_137  : i32 {
      %mul3A_153 = arith.muli %while3A_152, %while3A : i32
      %add3A_154 = arith.addi %mul3A_2, %mul3A_153 : i32
      %scan3A_155 = arith.constant 0 : i32
      %scan3A_156 = arith.constant 10 : i32
      %scan3A_157 = arith.addi %scan3A_155, %scan3A_156 : i32
      %scan3A_158 = arith.constant 1 : i32
      scf.for %scan3A_160 = %scan3A_155 to %scan3A_157 step %scan3A_158  : i32 {
        %mul3A_161 = arith.constant 16 : i32
        %mul3A_162 = arith.muli %scan3A_160, %mul3A_161 : i32
        %add3A_163 = arith.constant 0 : i32
        %add3A_164 = arith.addi %add3A_163, %mul3A_162 : i32
        %get3A = arith.constant 0 : i32
        %get3A_165 = arith.index_cast %add3A_154 : i32 to index
        %get3A_166 = arith.index_cast %get3A : i32 to index
        %get3A_167 = arith.index_cast %add3A_164 : i32 to index
        %get3A_168 = tpu.vector_load %arg6[%get3A_165, %get3A_166, %get3A_167] {strides = array<i32>} : memref<125x1x160xi32, #tpu.memory_space<vmem>>, vector<16xi32>,
        %get3A_169 = arith.constant 0 : i32
        %get3A_170 = arith.index_cast %add3A_154 : i32 to index
        %get3A_171 = arith.index_cast %get3A_169 : i32 to index
        %get3A_172 = arith.index_cast %add3A_164 : i32 to index
        %get3A_173 = tpu.vector_load %arg7[%get3A_170, %get3A_171, %get3A_172] {strides = array<i32>} : memref<125x1x160xi32, #tpu.memory_space<vmem>>, vector<16xi32>,
        %gather3A = tpu.vector_load_idx %arg8[%get3A_168] : memref<10000xf32, #tpu.memory_space<vmem>>[vector<16xi32>], vector<16xf32>,
        tpu.vector_store_idx %arg9[%get3A_173], %gather3A masked %eq3A_57 {add = true} : memref<10000xf32, #tpu.memory_space<vmem>>[vector<16xi32>], vector<16xf32>, vector<16xi1>
        tpu.vector_store_idx %arg9[%get3A_173], %gather3A masked %eq3A_61 {add = true} : memref<10000xf32, #tpu.memory_space<vmem>>[vector<16xi32>], vector<16xf32>, vector<16xi1>
        tpu.vector_store_idx %arg9[%get3A_173], %gather3A masked %eq3A_65 {add = true} : memref<10000xf32, #tpu.memory_space<vmem>>[vector<16xi32>], vector<16xf32>, vector<16xi1>
        tpu.vector_store_idx %arg9[%get3A_173], %gather3A masked %eq3A_69 {add = true} : memref<10000xf32, #tpu.memory_space<vmem>>[vector<16xi32>], vector<16xf32>, vector<16xi1>
        tpu.vector_store_idx %arg9[%get3A_173], %gather3A masked %eq3A_73 {add = true} : memref<10000xf32, #tpu.memory_space<vmem>>[vector<16xi32>], vector<16xf32>, vector<16xi1>
        tpu.vector_store_idx %arg9[%get3A_173], %gather3A masked %eq3A_77 {add = true} : memref<10000xf32, #tpu.memory_space<vmem>>[vector<16xi32>], vector<16xf32>, vector<16xi1>
        tpu.vector_store_idx %arg9[%get3A_173], %gather3A masked %eq3A_81 {add = true} : memref<10000xf32, #tpu.memory_space<vmem>>[vector<16xi32>], vector<16xf32>, vector<16xi1>
        tpu.vector_store_idx %arg9[%get3A_173], %gather3A masked %eq3A_85 {add = true} : memref<10000xf32, #tpu.memory_space<vmem>>[vector<16xi32>], vector<16xf32>, vector<16xi1>
        tpu.vector_store_idx %arg9[%get3A_173], %gather3A masked %eq3A_89 {add = true} : memref<10000xf32, #tpu.memory_space<vmem>>[vector<16xi32>], vector<16xf32>, vector<16xi1>
        tpu.vector_store_idx %arg9[%get3A_173], %gather3A masked %eq3A_93 {add = true} : memref<10000xf32, #tpu.memory_space<vmem>>[vector<16xi32>], vector<16xf32>, vector<16xi1>
        tpu.vector_store_idx %arg9[%get3A_173], %gather3A masked %eq3A_97 {add = true} : memref<10000xf32, #tpu.memory_space<vmem>>[vector<16xi32>], vector<16xf32>, vector<16xi1>
        tpu.vector_store_idx %arg9[%get3A_173], %gather3A masked %eq3A_101 {add = true} : memref<10000xf32, #tpu.memory_space<vmem>>[vector<16xi32>], vector<16xf32>, vector<16xi1>
        tpu.vector_store_idx %arg9[%get3A_173], %gather3A masked %eq3A_105 {add = true} : memref<10000xf32, #tpu.memory_space<vmem>>[vector<16xi32>], vector<16xf32>, vector<16xi1>
        tpu.vector_store_idx %arg9[%get3A_173], %gather3A masked %eq3A_109 {add = true} : memref<10000xf32, #tpu.memory_space<vmem>>[vector<16xi32>], vector<16xf32>, vector<16xi1>
        tpu.vector_store_idx %arg9[%get3A_173], %gather3A masked %eq3A_113 {add = true} : memref<10000xf32, #tpu.memory_space<vmem>>[vector<16xi32>], vector<16xf32>, vector<16xi1>
        tpu.vector_store_idx %arg9[%get3A_173], %gather3A masked %eq3A_117 {add = true} : memref<10000xf32, #tpu.memory_space<vmem>>[vector<16xi32>], vector<16xf32>, vector<16xi1>
      }
      %scan3A_159 = arith.constant 10 : i32
    }
    %dma_start3A_138 = arith.constant 0 : i32
    %dma_start3A_139 = arith.constant 0 : i32
    %dma_start3A_140 = tpu.memref_slice %arg5[%add3A, %dma_start3A_138, %dma_start3A_139] : memref<32x1x10000xf32, #tpu.memory_space<hbm>> -> memref<1x1x10000xf32, #tpu.memory_space<hbm>>
    %dma_start3A_141 = tpu.memref_squeeze %dma_start3A_140 : memref<1x1x10000xf32, #tpu.memory_space<hbm>> -> memref<10000xf32, #tpu.memory_space<hbm>>
    %dma_start3A_142 = arith.constant 0 : i32
    %dma_start3A_143 = tpu.memref_slice %arg5[%add3A, %dma_start3A_138, %dma_start3A_142] : memref<32x1x10000xf32, #tpu.memory_space<hbm>> -> memref<1x1x10000xf32, #tpu.memory_space<hbm>>
    %dma_start3A_144 = tpu.memref_squeeze %dma_start3A_143 : memref<1x1x10000xf32, #tpu.memory_space<hbm>> -> memref<10000xf32, #tpu.memory_space<hbm>>
    tpu.enqueue_dma source(%arg9 : memref<10000xf32, #tpu.memory_space<vmem>>) target(%dma_start3A_144 : memref<10000xf32, #tpu.memory_space<hbm>>) target_semaphore(%arg10 : memref<!tpu.dma_semaphore, #tpu.memory_space<semaphore_mem>>)
    %dma_wait3A_145 = arith.constant 0 : i32
    %dma_wait3A_146 = arith.constant 0 : i32
    %dma_wait3A_147 = tpu.memref_slice %arg5[%add3A, %dma_wait3A_145, %dma_wait3A_146] : memref<32x1x10000xf32, #tpu.memory_space<hbm>> -> memref<1x1x10000xf32, #tpu.memory_space<hbm>>
    %dma_wait3A_148 = tpu.memref_squeeze %dma_wait3A_147 : memref<1x1x10000xf32, #tpu.memory_space<hbm>> -> memref<10000xf32, #tpu.memory_space<hbm>>
    %dma_wait3A_149 = arith.constant 0 : i32
    %dma_wait3A_150 = tpu.memref_slice %arg5[%add3A, %dma_wait3A_145, %dma_wait3A_149] : memref<32x1x10000xf32, #tpu.memory_space<hbm>> -> memref<1x1x10000xf32, #tpu.memory_space<hbm>>
    %dma_wait3A_151 = tpu.memref_squeeze %dma_wait3A_150 : memref<1x1x10000xf32, #tpu.memory_space<hbm>> -> memref<10000xf32, #tpu.memory_space<hbm>>
    tpu.wait_dma2 semaphore(%arg10 : memref<!tpu.dma_semaphore, #tpu.memory_space<semaphore_mem>>) src(%arg9 : memref<10000xf32, #tpu.memory_space<vmem>>) dst(%dma_wait3A_151 : memref<10000xf32, #tpu.memory_space<hbm>>)
    return
  }
}

#map = affine_map<(d0, d1) -> (0, 0, 0, 0)>
#map1 = affine_map<(d0, d1) -> (0, 0, 0)>
module attributes {stable_mosaic.version = 14 : i64} {
  func.func @_deg_body(%arg0: i32, %arg1: i32, %arg2: memref<32x25x1x400xi32, #tpu.memory_space<hbm>>, %arg3: memref<32x25x1x400xi32, #tpu.memory_space<hbm>>, %arg4: memref<32x1x10000xf32, #tpu.memory_space<hbm>>, %arg5: memref<32x1x10000xf32, #tpu.memory_space<hbm>>, %arg6: memref<25x1x400xi32, #tpu.memory_space<vmem>>, %arg7: memref<25x1x400xi32, #tpu.memory_space<vmem>>, %arg8: memref<10000xf32, #tpu.memory_space<vmem>>, %arg9: memref<10000xf32, #tpu.memory_space<vmem>>, %arg10: memref<!tpu.dma_semaphore, #tpu.memory_space<semaphore_mem>>) attributes {dimension_semantics = [#tpu.dimension_semantics<core_parallel>, #tpu.dimension_semantics<subcore_parallel>], iteration_bounds = array<i64: 2, 16>, scalar_prefetch = 0 : i64, scratch_operands = 5 : i64, tpu.core_type = #tpu.core_type<sc_vector_subcore>, window_params = [{transform_indices = #map}, {transform_indices = #map}, {transform_indices = #map1}, {transform_indices = #map1}]} {
    %mul3A = arith.constant 16 : i32
    %mul3A_0 = arith.muli %arg0, %mul3A : i32
    %add3A = arith.addi %mul3A_0, %arg1 : i32
    %dma_start3A = arith.constant 0 : i32
    %dma_start3A_1 = arith.constant 0 : i32
    %dma_start3A_2 = arith.constant 0 : i32
    %dma_start3A_3 = tpu.memref_slice %arg2[%add3A, %dma_start3A, %dma_start3A_1, %dma_start3A_2] : memref<32x25x1x400xi32, #tpu.memory_space<hbm>> -> memref<1x25x1x400xi32, #tpu.memory_space<hbm>>
    %dma_start3A_4 = tpu.memref_squeeze %dma_start3A_3 : memref<1x25x1x400xi32, #tpu.memory_space<hbm>> -> memref<25x1x400xi32, #tpu.memory_space<hbm>>
    %dma_start3A_5 = arith.constant 0 : i32
    %dma_start3A_6 = arith.constant 0 : i32
    %dma_start3A_7 = arith.constant 0 : i32
    %dma_start3A_8 = tpu.memref_slice %arg2[%add3A, %dma_start3A_5, %dma_start3A_6, %dma_start3A_7] : memref<32x25x1x400xi32, #tpu.memory_space<hbm>> -> memref<1x25x1x400xi32, #tpu.memory_space<hbm>>
    %dma_start3A_9 = tpu.memref_squeeze %dma_start3A_8 : memref<1x25x1x400xi32, #tpu.memory_space<hbm>> -> memref<25x1x400xi32, #tpu.memory_space<hbm>>
    tpu.enqueue_dma source(%dma_start3A_9 : memref<25x1x400xi32, #tpu.memory_space<hbm>>) target(%arg6 : memref<25x1x400xi32, #tpu.memory_space<vmem>>) target_semaphore(%arg10 : memref<!tpu.dma_semaphore, #tpu.memory_space<semaphore_mem>>)
    %dma_wait3A = arith.constant 0 : i32
    %dma_wait3A_10 = arith.constant 0 : i32
    %dma_wait3A_11 = arith.constant 0 : i32
    %dma_wait3A_12 = tpu.memref_slice %arg2[%add3A, %dma_wait3A, %dma_wait3A_10, %dma_wait3A_11] : memref<32x25x1x400xi32, #tpu.memory_space<hbm>> -> memref<1x25x1x400xi32, #tpu.memory_space<hbm>>
    %dma_wait3A_13 = tpu.memref_squeeze %dma_wait3A_12 : memref<1x25x1x400xi32, #tpu.memory_space<hbm>> -> memref<25x1x400xi32, #tpu.memory_space<hbm>>
    %dma_wait3A_14 = arith.constant 0 : i32
    %dma_wait3A_15 = arith.constant 0 : i32
    %dma_wait3A_16 = arith.constant 0 : i32
    %dma_wait3A_17 = tpu.memref_slice %arg2[%add3A, %dma_wait3A_14, %dma_wait3A_15, %dma_wait3A_16] : memref<32x25x1x400xi32, #tpu.memory_space<hbm>> -> memref<1x25x1x400xi32, #tpu.memory_space<hbm>>
    %dma_wait3A_18 = tpu.memref_squeeze %dma_wait3A_17 : memref<1x25x1x400xi32, #tpu.memory_space<hbm>> -> memref<25x1x400xi32, #tpu.memory_space<hbm>>
    tpu.wait_dma2 semaphore(%arg10 : memref<!tpu.dma_semaphore, #tpu.memory_space<semaphore_mem>>) src(%dma_wait3A_18 : memref<25x1x400xi32, #tpu.memory_space<hbm>>) dst(%arg6 : memref<25x1x400xi32, #tpu.memory_space<vmem>>)
    %dma_start3A_19 = arith.constant 0 : i32
    %dma_start3A_20 = arith.constant 0 : i32
    %dma_start3A_21 = arith.constant 0 : i32
    %dma_start3A_22 = tpu.memref_slice %arg3[%add3A, %dma_start3A_19, %dma_start3A_20, %dma_start3A_21] : memref<32x25x1x400xi32, #tpu.memory_space<hbm>> -> memref<1x25x1x400xi32, #tpu.memory_space<hbm>>
    %dma_start3A_23 = tpu.memref_squeeze %dma_start3A_22 : memref<1x25x1x400xi32, #tpu.memory_space<hbm>> -> memref<25x1x400xi32, #tpu.memory_space<hbm>>
    %dma_start3A_24 = arith.constant 0 : i32
    %dma_start3A_25 = arith.constant 0 : i32
    %dma_start3A_26 = arith.constant 0 : i32
    %dma_start3A_27 = tpu.memref_slice %arg3[%add3A, %dma_start3A_24, %dma_start3A_25, %dma_start3A_26] : memref<32x25x1x400xi32, #tpu.memory_space<hbm>> -> memref<1x25x1x400xi32, #tpu.memory_space<hbm>>
    %dma_start3A_28 = tpu.memref_squeeze %dma_start3A_27 : memref<1x25x1x400xi32, #tpu.memory_space<hbm>> -> memref<25x1x400xi32, #tpu.memory_space<hbm>>
    tpu.enqueue_dma source(%dma_start3A_28 : memref<25x1x400xi32, #tpu.memory_space<hbm>>) target(%arg7 : memref<25x1x400xi32, #tpu.memory_space<vmem>>) target_semaphore(%arg10 : memref<!tpu.dma_semaphore, #tpu.memory_space<semaphore_mem>>)
    %dma_wait3A_29 = arith.constant 0 : i32
    %dma_wait3A_30 = arith.constant 0 : i32
    %dma_wait3A_31 = arith.constant 0 : i32
    %dma_wait3A_32 = tpu.memref_slice %arg3[%add3A, %dma_wait3A_29, %dma_wait3A_30, %dma_wait3A_31] : memref<32x25x1x400xi32, #tpu.memory_space<hbm>> -> memref<1x25x1x400xi32, #tpu.memory_space<hbm>>
    %dma_wait3A_33 = tpu.memref_squeeze %dma_wait3A_32 : memref<1x25x1x400xi32, #tpu.memory_space<hbm>> -> memref<25x1x400xi32, #tpu.memory_space<hbm>>
    %dma_wait3A_34 = arith.constant 0 : i32
    %dma_wait3A_35 = arith.constant 0 : i32
    %dma_wait3A_36 = arith.constant 0 : i32
    %dma_wait3A_37 = tpu.memref_slice %arg3[%add3A, %dma_wait3A_34, %dma_wait3A_35, %dma_wait3A_36] : memref<32x25x1x400xi32, #tpu.memory_space<hbm>> -> memref<1x25x1x400xi32, #tpu.memory_space<hbm>>
    %dma_wait3A_38 = tpu.memref_squeeze %dma_wait3A_37 : memref<1x25x1x400xi32, #tpu.memory_space<hbm>> -> memref<25x1x400xi32, #tpu.memory_space<hbm>>
    tpu.wait_dma2 semaphore(%arg10 : memref<!tpu.dma_semaphore, #tpu.memory_space<semaphore_mem>>) src(%dma_wait3A_38 : memref<25x1x400xi32, #tpu.memory_space<hbm>>) dst(%arg7 : memref<25x1x400xi32, #tpu.memory_space<vmem>>)
    %broadcast_in_dim3A = arith.constant 0.000000e+00 : f32
    %broadcast_in_dim3A_39 = vector.broadcast %broadcast_in_dim3A : f32 to vector<16xf32>
    %broadcast_in_dim3A_40 = arith.constant 1.000000e+00 : f32
    %broadcast_in_dim3A_41 = vector.broadcast %broadcast_in_dim3A_40 : f32 to vector<16xf32>
    %scan3A = arith.constant 0 : i32
    %scan3A_42 = arith.constant 625 : i32
    %scan3A_43 = arith.addi %scan3A, %scan3A_42 : i32
    %scan3A_44 = arith.constant 1 : i32
    scf.for %scan3A_141 = %scan3A to %scan3A_43 step %scan3A_44  : i32 {
      %mul3A_142 = arith.constant 16 : i32
      %mul3A_143 = arith.muli %scan3A_141, %mul3A_142 : i32
      %add3A_144 = arith.constant 0 : i32
      %add3A_145 = arith.addi %add3A_144, %mul3A_143 : i32
      %swap3A = arith.index_cast %add3A_145 : i32 to index
      %swap3A_146 = tpu.vector_load %arg8[%swap3A] {strides = array<i32>} : memref<10000xf32, #tpu.memory_space<vmem>>, vector<16xf32>,
      tpu.vector_store %arg8[%swap3A], %broadcast_in_dim3A_39 {strides = array<i32>} : memref<10000xf32, #tpu.memory_space<vmem>>, vector<16xf32>,
      %swap3A_147 = arith.index_cast %add3A_145 : i32 to index
      %swap3A_148 = tpu.vector_load %arg9[%swap3A_147] {strides = array<i32>} : memref<10000xf32, #tpu.memory_space<vmem>>, vector<16xf32>,
      tpu.vector_store %arg9[%swap3A_147], %broadcast_in_dim3A_39 {strides = array<i32>} : memref<10000xf32, #tpu.memory_space<vmem>>, vector<16xf32>,
    }
    %scan3A_45 = arith.constant 625 : i32
    %iota3A = tpu.iota {dimensions = array<i32: 0>} : vector<16xi32>
    %eq3A = arith.constant 0 : i32
    %eq3A_46 = vector.broadcast %eq3A : i32 to vector<16xi32>
    %eq3A_47 = arith.cmpi eq, %iota3A, %eq3A_46 : vector<16xi32>
    %iota3A_48 = tpu.iota {dimensions = array<i32: 0>} : vector<16xi32>
    %eq3A_49 = arith.constant 1 : i32
    %eq3A_50 = vector.broadcast %eq3A_49 : i32 to vector<16xi32>
    %eq3A_51 = arith.cmpi eq, %iota3A_48, %eq3A_50 : vector<16xi32>
    %iota3A_52 = tpu.iota {dimensions = array<i32: 0>} : vector<16xi32>
    %eq3A_53 = arith.constant 2 : i32
    %eq3A_54 = vector.broadcast %eq3A_53 : i32 to vector<16xi32>
    %eq3A_55 = arith.cmpi eq, %iota3A_52, %eq3A_54 : vector<16xi32>
    %iota3A_56 = tpu.iota {dimensions = array<i32: 0>} : vector<16xi32>
    %eq3A_57 = arith.constant 3 : i32
    %eq3A_58 = vector.broadcast %eq3A_57 : i32 to vector<16xi32>
    %eq3A_59 = arith.cmpi eq, %iota3A_56, %eq3A_58 : vector<16xi32>
    %iota3A_60 = tpu.iota {dimensions = array<i32: 0>} : vector<16xi32>
    %eq3A_61 = arith.constant 4 : i32
    %eq3A_62 = vector.broadcast %eq3A_61 : i32 to vector<16xi32>
    %eq3A_63 = arith.cmpi eq, %iota3A_60, %eq3A_62 : vector<16xi32>
    %iota3A_64 = tpu.iota {dimensions = array<i32: 0>} : vector<16xi32>
    %eq3A_65 = arith.constant 5 : i32
    %eq3A_66 = vector.broadcast %eq3A_65 : i32 to vector<16xi32>
    %eq3A_67 = arith.cmpi eq, %iota3A_64, %eq3A_66 : vector<16xi32>
    %iota3A_68 = tpu.iota {dimensions = array<i32: 0>} : vector<16xi32>
    %eq3A_69 = arith.constant 6 : i32
    %eq3A_70 = vector.broadcast %eq3A_69 : i32 to vector<16xi32>
    %eq3A_71 = arith.cmpi eq, %iota3A_68, %eq3A_70 : vector<16xi32>
    %iota3A_72 = tpu.iota {dimensions = array<i32: 0>} : vector<16xi32>
    %eq3A_73 = arith.constant 7 : i32
    %eq3A_74 = vector.broadcast %eq3A_73 : i32 to vector<16xi32>
    %eq3A_75 = arith.cmpi eq, %iota3A_72, %eq3A_74 : vector<16xi32>
    %iota3A_76 = tpu.iota {dimensions = array<i32: 0>} : vector<16xi32>
    %eq3A_77 = arith.constant 8 : i32
    %eq3A_78 = vector.broadcast %eq3A_77 : i32 to vector<16xi32>
    %eq3A_79 = arith.cmpi eq, %iota3A_76, %eq3A_78 : vector<16xi32>
    %iota3A_80 = tpu.iota {dimensions = array<i32: 0>} : vector<16xi32>
    %eq3A_81 = arith.constant 9 : i32
    %eq3A_82 = vector.broadcast %eq3A_81 : i32 to vector<16xi32>
    %eq3A_83 = arith.cmpi eq, %iota3A_80, %eq3A_82 : vector<16xi32>
    %iota3A_84 = tpu.iota {dimensions = array<i32: 0>} : vector<16xi32>
    %eq3A_85 = arith.constant 10 : i32
    %eq3A_86 = vector.broadcast %eq3A_85 : i32 to vector<16xi32>
    %eq3A_87 = arith.cmpi eq, %iota3A_84, %eq3A_86 : vector<16xi32>
    %iota3A_88 = tpu.iota {dimensions = array<i32: 0>} : vector<16xi32>
    %eq3A_89 = arith.constant 11 : i32
    %eq3A_90 = vector.broadcast %eq3A_89 : i32 to vector<16xi32>
    %eq3A_91 = arith.cmpi eq, %iota3A_88, %eq3A_90 : vector<16xi32>
    %iota3A_92 = tpu.iota {dimensions = array<i32: 0>} : vector<16xi32>
    %eq3A_93 = arith.constant 12 : i32
    %eq3A_94 = vector.broadcast %eq3A_93 : i32 to vector<16xi32>
    %eq3A_95 = arith.cmpi eq, %iota3A_92, %eq3A_94 : vector<16xi32>
    %iota3A_96 = tpu.iota {dimensions = array<i32: 0>} : vector<16xi32>
    %eq3A_97 = arith.constant 13 : i32
    %eq3A_98 = vector.broadcast %eq3A_97 : i32 to vector<16xi32>
    %eq3A_99 = arith.cmpi eq, %iota3A_96, %eq3A_98 : vector<16xi32>
    %iota3A_100 = tpu.iota {dimensions = array<i32: 0>} : vector<16xi32>
    %eq3A_101 = arith.constant 14 : i32
    %eq3A_102 = vector.broadcast %eq3A_101 : i32 to vector<16xi32>
    %eq3A_103 = arith.cmpi eq, %iota3A_100, %eq3A_102 : vector<16xi32>
    %iota3A_104 = tpu.iota {dimensions = array<i32: 0>} : vector<16xi32>
    %eq3A_105 = arith.constant 15 : i32
    %eq3A_106 = vector.broadcast %eq3A_105 : i32 to vector<16xi32>
    %eq3A_107 = arith.cmpi eq, %iota3A_104, %eq3A_106 : vector<16xi32>
    %scan3A_108 = arith.constant 0 : i32
    %scan3A_109 = arith.constant 25 : i32
    %scan3A_110 = arith.addi %scan3A_108, %scan3A_109 : i32
    %scan3A_111 = arith.constant 1 : i32
    scf.for %scan3A_141 = %scan3A_108 to %scan3A_110 step %scan3A_111  : i32 {
      %mul3A_142 = arith.constant 1 : i32
      %mul3A_143 = arith.muli %scan3A_141, %mul3A_142 : i32
      %add3A_144 = arith.constant 0 : i32
      %add3A_145 = arith.addi %add3A_144, %mul3A_143 : i32
      %scan3A_146 = arith.constant 0 : i32
      %scan3A_147 = arith.constant 25 : i32
      %scan3A_148 = arith.addi %scan3A_146, %scan3A_147 : i32
      %scan3A_149 = arith.constant 1 : i32
      scf.for %scan3A_151 = %scan3A_146 to %scan3A_148 step %scan3A_149  : i32 {
        %mul3A_152 = arith.constant 16 : i32
        %mul3A_153 = arith.muli %scan3A_151, %mul3A_152 : i32
        %add3A_154 = arith.constant 0 : i32
        %add3A_155 = arith.addi %add3A_154, %mul3A_153 : i32
        %get3A = arith.constant 0 : i32
        %get3A_156 = arith.index_cast %add3A_145 : i32 to index
        %get3A_157 = arith.index_cast %get3A : i32 to index
        %get3A_158 = arith.index_cast %add3A_155 : i32 to index
        %get3A_159 = tpu.vector_load %arg6[%get3A_156, %get3A_157, %get3A_158] {strides = array<i32>} : memref<25x1x400xi32, #tpu.memory_space<vmem>>, vector<16xi32>,
        %get3A_160 = arith.constant 0 : i32
        %get3A_161 = arith.index_cast %add3A_145 : i32 to index
        %get3A_162 = arith.index_cast %get3A_160 : i32 to index
        %get3A_163 = arith.index_cast %add3A_155 : i32 to index
        %get3A_164 = tpu.vector_load %arg7[%get3A_161, %get3A_162, %get3A_163] {strides = array<i32>} : memref<25x1x400xi32, #tpu.memory_space<vmem>>, vector<16xi32>,
        tpu.vector_store_idx %arg8[%get3A_159], %broadcast_in_dim3A_41 masked %eq3A_47 {add = true} : memref<10000xf32, #tpu.memory_space<vmem>>[vector<16xi32>], vector<16xf32>, vector<16xi1>
        tpu.vector_store_idx %arg9[%get3A_164], %broadcast_in_dim3A_41 masked %eq3A_47 {add = true} : memref<10000xf32, #tpu.memory_space<vmem>>[vector<16xi32>], vector<16xf32>, vector<16xi1>
        tpu.vector_store_idx %arg8[%get3A_159], %broadcast_in_dim3A_41 masked %eq3A_51 {add = true} : memref<10000xf32, #tpu.memory_space<vmem>>[vector<16xi32>], vector<16xf32>, vector<16xi1>
        tpu.vector_store_idx %arg9[%get3A_164], %broadcast_in_dim3A_41 masked %eq3A_51 {add = true} : memref<10000xf32, #tpu.memory_space<vmem>>[vector<16xi32>], vector<16xf32>, vector<16xi1>
        tpu.vector_store_idx %arg8[%get3A_159], %broadcast_in_dim3A_41 masked %eq3A_55 {add = true} : memref<10000xf32, #tpu.memory_space<vmem>>[vector<16xi32>], vector<16xf32>, vector<16xi1>
        tpu.vector_store_idx %arg9[%get3A_164], %broadcast_in_dim3A_41 masked %eq3A_55 {add = true} : memref<10000xf32, #tpu.memory_space<vmem>>[vector<16xi32>], vector<16xf32>, vector<16xi1>
        tpu.vector_store_idx %arg8[%get3A_159], %broadcast_in_dim3A_41 masked %eq3A_59 {add = true} : memref<10000xf32, #tpu.memory_space<vmem>>[vector<16xi32>], vector<16xf32>, vector<16xi1>
        tpu.vector_store_idx %arg9[%get3A_164], %broadcast_in_dim3A_41 masked %eq3A_59 {add = true} : memref<10000xf32, #tpu.memory_space<vmem>>[vector<16xi32>], vector<16xf32>, vector<16xi1>
        tpu.vector_store_idx %arg8[%get3A_159], %broadcast_in_dim3A_41 masked %eq3A_63 {add = true} : memref<10000xf32, #tpu.memory_space<vmem>>[vector<16xi32>], vector<16xf32>, vector<16xi1>
        tpu.vector_store_idx %arg9[%get3A_164], %broadcast_in_dim3A_41 masked %eq3A_63 {add = true} : memref<10000xf32, #tpu.memory_space<vmem>>[vector<16xi32>], vector<16xf32>, vector<16xi1>
        tpu.vector_store_idx %arg8[%get3A_159], %broadcast_in_dim3A_41 masked %eq3A_67 {add = true} : memref<10000xf32, #tpu.memory_space<vmem>>[vector<16xi32>], vector<16xf32>, vector<16xi1>
        tpu.vector_store_idx %arg9[%get3A_164], %broadcast_in_dim3A_41 masked %eq3A_67 {add = true} : memref<10000xf32, #tpu.memory_space<vmem>>[vector<16xi32>], vector<16xf32>, vector<16xi1>
        tpu.vector_store_idx %arg8[%get3A_159], %broadcast_in_dim3A_41 masked %eq3A_71 {add = true} : memref<10000xf32, #tpu.memory_space<vmem>>[vector<16xi32>], vector<16xf32>, vector<16xi1>
        tpu.vector_store_idx %arg9[%get3A_164], %broadcast_in_dim3A_41 masked %eq3A_71 {add = true} : memref<10000xf32, #tpu.memory_space<vmem>>[vector<16xi32>], vector<16xf32>, vector<16xi1>
        tpu.vector_store_idx %arg8[%get3A_159], %broadcast_in_dim3A_41 masked %eq3A_75 {add = true} : memref<10000xf32, #tpu.memory_space<vmem>>[vector<16xi32>], vector<16xf32>, vector<16xi1>
        tpu.vector_store_idx %arg9[%get3A_164], %broadcast_in_dim3A_41 masked %eq3A_75 {add = true} : memref<10000xf32, #tpu.memory_space<vmem>>[vector<16xi32>], vector<16xf32>, vector<16xi1>
        tpu.vector_store_idx %arg8[%get3A_159], %broadcast_in_dim3A_41 masked %eq3A_79 {add = true} : memref<10000xf32, #tpu.memory_space<vmem>>[vector<16xi32>], vector<16xf32>, vector<16xi1>
        tpu.vector_store_idx %arg9[%get3A_164], %broadcast_in_dim3A_41 masked %eq3A_79 {add = true} : memref<10000xf32, #tpu.memory_space<vmem>>[vector<16xi32>], vector<16xf32>, vector<16xi1>
        tpu.vector_store_idx %arg8[%get3A_159], %broadcast_in_dim3A_41 masked %eq3A_83 {add = true} : memref<10000xf32, #tpu.memory_space<vmem>>[vector<16xi32>], vector<16xf32>, vector<16xi1>
        tpu.vector_store_idx %arg9[%get3A_164], %broadcast_in_dim3A_41 masked %eq3A_83 {add = true} : memref<10000xf32, #tpu.memory_space<vmem>>[vector<16xi32>], vector<16xf32>, vector<16xi1>
        tpu.vector_store_idx %arg8[%get3A_159], %broadcast_in_dim3A_41 masked %eq3A_87 {add = true} : memref<10000xf32, #tpu.memory_space<vmem>>[vector<16xi32>], vector<16xf32>, vector<16xi1>
        tpu.vector_store_idx %arg9[%get3A_164], %broadcast_in_dim3A_41 masked %eq3A_87 {add = true} : memref<10000xf32, #tpu.memory_space<vmem>>[vector<16xi32>], vector<16xf32>, vector<16xi1>
        tpu.vector_store_idx %arg8[%get3A_159], %broadcast_in_dim3A_41 masked %eq3A_91 {add = true} : memref<10000xf32, #tpu.memory_space<vmem>>[vector<16xi32>], vector<16xf32>, vector<16xi1>
        tpu.vector_store_idx %arg9[%get3A_164], %broadcast_in_dim3A_41 masked %eq3A_91 {add = true} : memref<10000xf32, #tpu.memory_space<vmem>>[vector<16xi32>], vector<16xf32>, vector<16xi1>
        tpu.vector_store_idx %arg8[%get3A_159], %broadcast_in_dim3A_41 masked %eq3A_95 {add = true} : memref<10000xf32, #tpu.memory_space<vmem>>[vector<16xi32>], vector<16xf32>, vector<16xi1>
        tpu.vector_store_idx %arg9[%get3A_164], %broadcast_in_dim3A_41 masked %eq3A_95 {add = true} : memref<10000xf32, #tpu.memory_space<vmem>>[vector<16xi32>], vector<16xf32>, vector<16xi1>
        tpu.vector_store_idx %arg8[%get3A_159], %broadcast_in_dim3A_41 masked %eq3A_99 {add = true} : memref<10000xf32, #tpu.memory_space<vmem>>[vector<16xi32>], vector<16xf32>, vector<16xi1>
        tpu.vector_store_idx %arg9[%get3A_164], %broadcast_in_dim3A_41 masked %eq3A_99 {add = true} : memref<10000xf32, #tpu.memory_space<vmem>>[vector<16xi32>], vector<16xf32>, vector<16xi1>
        tpu.vector_store_idx %arg8[%get3A_159], %broadcast_in_dim3A_41 masked %eq3A_103 {add = true} : memref<10000xf32, #tpu.memory_space<vmem>>[vector<16xi32>], vector<16xf32>, vector<16xi1>
        tpu.vector_store_idx %arg9[%get3A_164], %broadcast_in_dim3A_41 masked %eq3A_103 {add = true} : memref<10000xf32, #tpu.memory_space<vmem>>[vector<16xi32>], vector<16xf32>, vector<16xi1>
        tpu.vector_store_idx %arg8[%get3A_159], %broadcast_in_dim3A_41 masked %eq3A_107 {add = true} : memref<10000xf32, #tpu.memory_space<vmem>>[vector<16xi32>], vector<16xf32>, vector<16xi1>
        tpu.vector_store_idx %arg9[%get3A_164], %broadcast_in_dim3A_41 masked %eq3A_107 {add = true} : memref<10000xf32, #tpu.memory_space<vmem>>[vector<16xi32>], vector<16xf32>, vector<16xi1>
      }
      %scan3A_150 = arith.constant 25 : i32
    }
    %scan3A_112 = arith.constant 25 : i32
    %dma_start3A_113 = arith.constant 0 : i32
    %dma_start3A_114 = arith.constant 0 : i32
    %dma_start3A_115 = tpu.memref_slice %arg4[%add3A, %dma_start3A_113, %dma_start3A_114] : memref<32x1x10000xf32, #tpu.memory_space<hbm>> -> memref<1x1x10000xf32, #tpu.memory_space<hbm>>
    %dma_start3A_116 = tpu.memref_squeeze %dma_start3A_115 : memref<1x1x10000xf32, #tpu.memory_space<hbm>> -> memref<10000xf32, #tpu.memory_space<hbm>>
    %dma_start3A_117 = arith.constant 0 : i32
    %dma_start3A_118 = tpu.memref_slice %arg4[%add3A, %dma_start3A_113, %dma_start3A_117] : memref<32x1x10000xf32, #tpu.memory_space<hbm>> -> memref<1x1x10000xf32, #tpu.memory_space<hbm>>
    %dma_start3A_119 = tpu.memref_squeeze %dma_start3A_118 : memref<1x1x10000xf32, #tpu.memory_space<hbm>> -> memref<10000xf32, #tpu.memory_space<hbm>>
    tpu.enqueue_dma source(%arg8 : memref<10000xf32, #tpu.memory_space<vmem>>) target(%dma_start3A_119 : memref<10000xf32, #tpu.memory_space<hbm>>) target_semaphore(%arg10 : memref<!tpu.dma_semaphore, #tpu.memory_space<semaphore_mem>>)
    %dma_wait3A_120 = arith.constant 0 : i32
    %dma_wait3A_121 = arith.constant 0 : i32
    %dma_wait3A_122 = tpu.memref_slice %arg4[%add3A, %dma_wait3A_120, %dma_wait3A_121] : memref<32x1x10000xf32, #tpu.memory_space<hbm>> -> memref<1x1x10000xf32, #tpu.memory_space<hbm>>
    %dma_wait3A_123 = tpu.memref_squeeze %dma_wait3A_122 : memref<1x1x10000xf32, #tpu.memory_space<hbm>> -> memref<10000xf32, #tpu.memory_space<hbm>>
    %dma_wait3A_124 = arith.constant 0 : i32
    %dma_wait3A_125 = tpu.memref_slice %arg4[%add3A, %dma_wait3A_120, %dma_wait3A_124] : memref<32x1x10000xf32, #tpu.memory_space<hbm>> -> memref<1x1x10000xf32, #tpu.memory_space<hbm>>
    %dma_wait3A_126 = tpu.memref_squeeze %dma_wait3A_125 : memref<1x1x10000xf32, #tpu.memory_space<hbm>> -> memref<10000xf32, #tpu.memory_space<hbm>>
    tpu.wait_dma2 semaphore(%arg10 : memref<!tpu.dma_semaphore, #tpu.memory_space<semaphore_mem>>) src(%arg8 : memref<10000xf32, #tpu.memory_space<vmem>>) dst(%dma_wait3A_126 : memref<10000xf32, #tpu.memory_space<hbm>>)
    %dma_start3A_127 = arith.constant 0 : i32
    %dma_start3A_128 = arith.constant 0 : i32
    %dma_start3A_129 = tpu.memref_slice %arg5[%add3A, %dma_start3A_127, %dma_start3A_128] : memref<32x1x10000xf32, #tpu.memory_space<hbm>> -> memref<1x1x10000xf32, #tpu.memory_space<hbm>>
    %dma_start3A_130 = tpu.memref_squeeze %dma_start3A_129 : memref<1x1x10000xf32, #tpu.memory_space<hbm>> -> memref<10000xf32, #tpu.memory_space<hbm>>
    %dma_start3A_131 = arith.constant 0 : i32
    %dma_start3A_132 = tpu.memref_slice %arg5[%add3A, %dma_start3A_127, %dma_start3A_131] : memref<32x1x10000xf32, #tpu.memory_space<hbm>> -> memref<1x1x10000xf32, #tpu.memory_space<hbm>>
    %dma_start3A_133 = tpu.memref_squeeze %dma_start3A_132 : memref<1x1x10000xf32, #tpu.memory_space<hbm>> -> memref<10000xf32, #tpu.memory_space<hbm>>
    tpu.enqueue_dma source(%arg9 : memref<10000xf32, #tpu.memory_space<vmem>>) target(%dma_start3A_133 : memref<10000xf32, #tpu.memory_space<hbm>>) target_semaphore(%arg10 : memref<!tpu.dma_semaphore, #tpu.memory_space<semaphore_mem>>)
    %dma_wait3A_134 = arith.constant 0 : i32
    %dma_wait3A_135 = arith.constant 0 : i32
    %dma_wait3A_136 = tpu.memref_slice %arg5[%add3A, %dma_wait3A_134, %dma_wait3A_135] : memref<32x1x10000xf32, #tpu.memory_space<hbm>> -> memref<1x1x10000xf32, #tpu.memory_space<hbm>>
    %dma_wait3A_137 = tpu.memref_squeeze %dma_wait3A_136 : memref<1x1x10000xf32, #tpu.memory_space<hbm>> -> memref<10000xf32, #tpu.memory_space<hbm>>
    %dma_wait3A_138 = arith.constant 0 : i32
    %dma_wait3A_139 = tpu.memref_slice %arg5[%add3A, %dma_wait3A_134, %dma_wait3A_138] : memref<32x1x10000xf32, #tpu.memory_space<hbm>> -> memref<1x1x10000xf32, #tpu.memory_space<hbm>>
    %dma_wait3A_140 = tpu.memref_squeeze %dma_wait3A_139 : memref<1x1x10000xf32, #tpu.memory_space<hbm>> -> memref<10000xf32, #tpu.memory_space<hbm>>
    tpu.wait_dma2 semaphore(%arg10 : memref<!tpu.dma_semaphore, #tpu.memory_space<semaphore_mem>>) src(%arg9 : memref<10000xf32, #tpu.memory_space<vmem>>) dst(%dma_wait3A_140 : memref<10000xf32, #tpu.memory_space<hbm>>)
    return
  }
}

#map = affine_map<(d0, d1) -> (0, 0, 0, 0)>
#map1 = affine_map<(d0, d1) -> (0, 0)>
#map2 = affine_map<(d0, d1) -> (0, 0, 0)>
module attributes {stable_mosaic.version = 14 : i64} {
  func.func @_agg_body(%arg0: i32, %arg1: i32, %arg2: memref<16x125x1x160xi32, #tpu.memory_space<hbm>>, %arg3: memref<16x125x1x160xi32, #tpu.memory_space<hbm>>, %arg4: memref<10000x64xf32, #tpu.memory_space<hbm>>, %arg5: memref<10000x64xf32, #tpu.memory_space<hbm>>, %arg6: memref<10000x64xf32, #tpu.memory_space<hbm>>, %arg7: memref<2x10000x64xf32, #tpu.memory_space<hbm>>, %arg8: memref<125x1x160xi32, #tpu.memory_space<vmem>>, %arg9: memref<125x1x160xi32, #tpu.memory_space<vmem>>, %arg10: memref<160x64xf32, #tpu.memory_space<vmem>>, %arg11: memref<10000xi32, #tpu.memory_space<vmem>>, %arg12: memref<1x160xi32, #tpu.memory_space<vmem>>, %arg13: memref<160xi32, #tpu.memory_space<vmem>>, %arg14: memref<10016x64xf32, #tpu.memory_space<vmem_shared>>, %arg15: memref<!tpu.dma_semaphore, #tpu.memory_space<semaphore_mem>>, %arg16: memref<!tpu.dma_semaphore, #tpu.memory_space<semaphore_mem>>, %arg17: memref<!tpu.dma_semaphore, #tpu.memory_space<semaphore_mem>>) attributes {dimension_semantics = [#tpu.dimension_semantics<core_parallel>, #tpu.dimension_semantics<subcore_parallel>], iteration_bounds = array<i64: 2, 16>, scalar_prefetch = 0 : i64, scratch_operands = 10 : i64, tpu.core_type = #tpu.core_type<sc_vector_subcore>, window_params = [{transform_indices = #map}, {transform_indices = #map}, {transform_indices = #map1}, {transform_indices = #map1}, {transform_indices = #map1}, {transform_indices = #map2}]} {
    %iota3A = tpu.iota {dimensions = array<i32: 0>} : vector<16xi32>
    %broadcast_in_dim3A = arith.constant 10000 : i32
    %broadcast_in_dim3A_0 = vector.broadcast %broadcast_in_dim3A : i32 to vector<16xi32>
    %dma_start3A = arith.constant 0 : i32
    %dma_start3A_1 = arith.constant 0 : i32
    %dma_start3A_2 = arith.constant 0 : i32
    %dma_start3A_3 = tpu.memref_slice %arg2[%arg1, %dma_start3A, %dma_start3A_1, %dma_start3A_2] : memref<16x125x1x160xi32, #tpu.memory_space<hbm>> -> memref<1x125x1x160xi32, #tpu.memory_space<hbm>>
    %dma_start3A_4 = tpu.memref_squeeze %dma_start3A_3 : memref<1x125x1x160xi32, #tpu.memory_space<hbm>> -> memref<125x1x160xi32, #tpu.memory_space<hbm>>
    %dma_start3A_5 = arith.constant 0 : i32
    %dma_start3A_6 = arith.constant 0 : i32
    %dma_start3A_7 = arith.constant 0 : i32
    %dma_start3A_8 = tpu.memref_slice %arg2[%arg1, %dma_start3A_5, %dma_start3A_6, %dma_start3A_7] : memref<16x125x1x160xi32, #tpu.memory_space<hbm>> -> memref<1x125x1x160xi32, #tpu.memory_space<hbm>>
    %dma_start3A_9 = tpu.memref_squeeze %dma_start3A_8 : memref<1x125x1x160xi32, #tpu.memory_space<hbm>> -> memref<125x1x160xi32, #tpu.memory_space<hbm>>
    tpu.enqueue_dma source(%dma_start3A_9 : memref<125x1x160xi32, #tpu.memory_space<hbm>>) target(%arg8 : memref<125x1x160xi32, #tpu.memory_space<vmem>>) target_semaphore(%arg15 : memref<!tpu.dma_semaphore, #tpu.memory_space<semaphore_mem>>)
    %dma_wait3A = arith.constant 0 : i32
    %dma_wait3A_10 = arith.constant 0 : i32
    %dma_wait3A_11 = arith.constant 0 : i32
    %dma_wait3A_12 = tpu.memref_slice %arg2[%arg1, %dma_wait3A, %dma_wait3A_10, %dma_wait3A_11] : memref<16x125x1x160xi32, #tpu.memory_space<hbm>> -> memref<1x125x1x160xi32, #tpu.memory_space<hbm>>
    %dma_wait3A_13 = tpu.memref_squeeze %dma_wait3A_12 : memref<1x125x1x160xi32, #tpu.memory_space<hbm>> -> memref<125x1x160xi32, #tpu.memory_space<hbm>>
    %dma_wait3A_14 = arith.constant 0 : i32
    %dma_wait3A_15 = arith.constant 0 : i32
    %dma_wait3A_16 = arith.constant 0 : i32
    %dma_wait3A_17 = tpu.memref_slice %arg2[%arg1, %dma_wait3A_14, %dma_wait3A_15, %dma_wait3A_16] : memref<16x125x1x160xi32, #tpu.memory_space<hbm>> -> memref<1x125x1x160xi32, #tpu.memory_space<hbm>>
    %dma_wait3A_18 = tpu.memref_squeeze %dma_wait3A_17 : memref<1x125x1x160xi32, #tpu.memory_space<hbm>> -> memref<125x1x160xi32, #tpu.memory_space<hbm>>
    tpu.wait_dma2 semaphore(%arg15 : memref<!tpu.dma_semaphore, #tpu.memory_space<semaphore_mem>>) src(%dma_wait3A_18 : memref<125x1x160xi32, #tpu.memory_space<hbm>>) dst(%arg8 : memref<125x1x160xi32, #tpu.memory_space<vmem>>)
    %dma_start3A_19 = arith.constant 0 : i32
    %dma_start3A_20 = arith.constant 0 : i32
    %dma_start3A_21 = arith.constant 0 : i32
    %dma_start3A_22 = tpu.memref_slice %arg3[%arg1, %dma_start3A_19, %dma_start3A_20, %dma_start3A_21] : memref<16x125x1x160xi32, #tpu.memory_space<hbm>> -> memref<1x125x1x160xi32, #tpu.memory_space<hbm>>
    %dma_start3A_23 = tpu.memref_squeeze %dma_start3A_22 : memref<1x125x1x160xi32, #tpu.memory_space<hbm>> -> memref<125x1x160xi32, #tpu.memory_space<hbm>>
    %dma_start3A_24 = arith.constant 0 : i32
    %dma_start3A_25 = arith.constant 0 : i32
    %dma_start3A_26 = arith.constant 0 : i32
    %dma_start3A_27 = tpu.memref_slice %arg3[%arg1, %dma_start3A_24, %dma_start3A_25, %dma_start3A_26] : memref<16x125x1x160xi32, #tpu.memory_space<hbm>> -> memref<1x125x1x160xi32, #tpu.memory_space<hbm>>
    %dma_start3A_28 = tpu.memref_squeeze %dma_start3A_27 : memref<1x125x1x160xi32, #tpu.memory_space<hbm>> -> memref<125x1x160xi32, #tpu.memory_space<hbm>>
    tpu.enqueue_dma source(%dma_start3A_28 : memref<125x1x160xi32, #tpu.memory_space<hbm>>) target(%arg9 : memref<125x1x160xi32, #tpu.memory_space<vmem>>) target_semaphore(%arg15 : memref<!tpu.dma_semaphore, #tpu.memory_space<semaphore_mem>>)
    %dma_wait3A_29 = arith.constant 0 : i32
    %dma_wait3A_30 = arith.constant 0 : i32
    %dma_wait3A_31 = arith.constant 0 : i32
    %dma_wait3A_32 = tpu.memref_slice %arg3[%arg1, %dma_wait3A_29, %dma_wait3A_30, %dma_wait3A_31] : memref<16x125x1x160xi32, #tpu.memory_space<hbm>> -> memref<1x125x1x160xi32, #tpu.memory_space<hbm>>
    %dma_wait3A_33 = tpu.memref_squeeze %dma_wait3A_32 : memref<1x125x1x160xi32, #tpu.memory_space<hbm>> -> memref<125x1x160xi32, #tpu.memory_space<hbm>>
    %dma_wait3A_34 = arith.constant 0 : i32
    %dma_wait3A_35 = arith.constant 0 : i32
    %dma_wait3A_36 = arith.constant 0 : i32
    %dma_wait3A_37 = tpu.memref_slice %arg3[%arg1, %dma_wait3A_34, %dma_wait3A_35, %dma_wait3A_36] : memref<16x125x1x160xi32, #tpu.memory_space<hbm>> -> memref<1x125x1x160xi32, #tpu.memory_space<hbm>>
    %dma_wait3A_38 = tpu.memref_squeeze %dma_wait3A_37 : memref<1x125x1x160xi32, #tpu.memory_space<hbm>> -> memref<125x1x160xi32, #tpu.memory_space<hbm>>
    tpu.wait_dma2 semaphore(%arg15 : memref<!tpu.dma_semaphore, #tpu.memory_space<semaphore_mem>>) src(%dma_wait3A_38 : memref<125x1x160xi32, #tpu.memory_space<hbm>>) dst(%arg9 : memref<125x1x160xi32, #tpu.memory_space<vmem>>)
    %mul3A = arith.constant 624 : i32
    %mul3A_39 = arith.muli %arg1, %mul3A : i32
    %mul3A_40 = arith.constant 624 : i32
    %mul3A_41 = arith.muli %arg1, %mul3A_40 : i32
    %dma_start3A_42 = arith.constant 0 : i32
    %dma_start3A_43 = tpu.memref_slice %arg14[%mul3A_41, %dma_start3A_42] : memref<10016x64xf32, #tpu.memory_space<vmem_shared>> -> memref<624x64xf32, #tpu.memory_space<vmem_shared>>
    %dma_start3A_44 = arith.constant 0 : i32
    %dma_start3A_45 = tpu.memref_slice %arg6[%mul3A_39, %dma_start3A_44] : memref<10000x64xf32, #tpu.memory_space<hbm>> -> memref<624x64xf32, #tpu.memory_space<hbm>>
    tpu.enqueue_dma source(%dma_start3A_45 : memref<624x64xf32, #tpu.memory_space<hbm>>) target(%dma_start3A_43 : memref<624x64xf32, #tpu.memory_space<vmem_shared>>) target_semaphore(%arg15 : memref<!tpu.dma_semaphore, #tpu.memory_space<semaphore_mem>>)
    %dma_wait3A_46 = arith.constant 0 : i32
    %dma_wait3A_47 = tpu.memref_slice %arg14[%mul3A_41, %dma_wait3A_46] : memref<10016x64xf32, #tpu.memory_space<vmem_shared>> -> memref<624x64xf32, #tpu.memory_space<vmem_shared>>
    %dma_wait3A_48 = arith.constant 0 : i32
    %dma_wait3A_49 = tpu.memref_slice %arg6[%mul3A_39, %dma_wait3A_48] : memref<10000x64xf32, #tpu.memory_space<hbm>> -> memref<624x64xf32, #tpu.memory_space<hbm>>
    tpu.wait_dma2 semaphore(%arg15 : memref<!tpu.dma_semaphore, #tpu.memory_space<semaphore_mem>>) src(%dma_wait3A_49 : memref<624x64xf32, #tpu.memory_space<hbm>>) dst(%dma_wait3A_47 : memref<624x64xf32, #tpu.memory_space<vmem_shared>>)
    %eq3A = arith.constant 15 : i32
    %eq3A_50 = arith.cmpi eq, %arg1, %eq3A : i32
    %convert_element_type3A = arith.extui %eq3A_50 : i1 to i32
    %cond3A = arith.constant 0 : i32
    %cond3A_51 = arith.cmpi ne, %convert_element_type3A, %cond3A : i32
    scf.if %cond3A_51 {
      %dma_start3A_76 = arith.constant 9984 : i32
      %dma_start3A_77 = arith.constant 0 : i32
      %dma_start3A_78 = tpu.memref_slice %arg14[%dma_start3A_76, %dma_start3A_77] : memref<10016x64xf32, #tpu.memory_space<vmem_shared>> -> memref<16x64xf32, #tpu.memory_space<vmem_shared>>
      %dma_start3A_79 = arith.constant 9984 : i32
      %dma_start3A_80 = arith.constant 0 : i32
      %dma_start3A_81 = tpu.memref_slice %arg6[%dma_start3A_79, %dma_start3A_80] : memref<10000x64xf32, #tpu.memory_space<hbm>> -> memref<16x64xf32, #tpu.memory_space<hbm>>
      tpu.enqueue_dma source(%dma_start3A_81 : memref<16x64xf32, #tpu.memory_space<hbm>>) target(%dma_start3A_78 : memref<16x64xf32, #tpu.memory_space<vmem_shared>>) target_semaphore(%arg15 : memref<!tpu.dma_semaphore, #tpu.memory_space<semaphore_mem>>)
      %dma_wait3A_82 = arith.constant 9984 : i32
      %dma_wait3A_83 = arith.constant 0 : i32
      %dma_wait3A_84 = tpu.memref_slice %arg14[%dma_wait3A_82, %dma_wait3A_83] : memref<10016x64xf32, #tpu.memory_space<vmem_shared>> -> memref<16x64xf32, #tpu.memory_space<vmem_shared>>
      %dma_wait3A_85 = arith.constant 9984 : i32
      %dma_wait3A_86 = arith.constant 0 : i32
      %dma_wait3A_87 = tpu.memref_slice %arg6[%dma_wait3A_85, %dma_wait3A_86] : memref<10000x64xf32, #tpu.memory_space<hbm>> -> memref<16x64xf32, #tpu.memory_space<hbm>>
      tpu.wait_dma2 semaphore(%arg15 : memref<!tpu.dma_semaphore, #tpu.memory_space<semaphore_mem>>) src(%dma_wait3A_87 : memref<16x64xf32, #tpu.memory_space<hbm>>) dst(%dma_wait3A_84 : memref<16x64xf32, #tpu.memory_space<vmem_shared>>)
    } else {
    }
    %barrier3A = arith.constant 0 : index
    tpu.barrier barrier_id(%barrier3A)
    %scan3A = arith.constant 0 : i32
    %scan3A_52 = arith.constant 125 : i32
    %scan3A_53 = arith.addi %scan3A, %scan3A_52 : i32
    %scan3A_54 = arith.constant 1 : i32
    scf.for %scan3A_76 = %scan3A to %scan3A_53 step %scan3A_54  : i32 {
      %mul3A_77 = arith.constant 1 : i32
      %mul3A_78 = arith.muli %scan3A_76, %mul3A_77 : i32
      %add3A = arith.constant 0 : i32
      %add3A_79 = arith.addi %add3A, %mul3A_78 : i32
      %eq3A_80 = arith.constant 0 : i32
      %eq3A_81 = arith.cmpi eq, %arg0, %eq3A_80 : i32
      %convert_element_type3A_82 = arith.extui %eq3A_81 : i1 to i32
      %cond3A_83 = arith.constant 0 : i32
      %cond3A_84 = arith.cmpi ne, %convert_element_type3A_82, %cond3A_83 : i32
      scf.if %cond3A_84 {
        %dma_start3A_208 = arith.constant 0 : i32
        %dma_start3A_209 = arith.constant 0 : i32
        %dma_start3A_210 = tpu.memref_slice %arg8[%add3A_79, %dma_start3A_208, %dma_start3A_209] : memref<125x1x160xi32, #tpu.memory_space<vmem>> -> memref<1x1x160xi32, #tpu.memory_space<vmem>>
        %dma_start3A_211 = tpu.memref_squeeze %dma_start3A_210 : memref<1x1x160xi32, #tpu.memory_space<vmem>> -> memref<160xi32, #tpu.memory_space<vmem>>
        %dma_start3A_212 = arith.constant 0 : i32
        %dma_start3A_213 = arith.constant 0 : i32
        %dma_start3A_214 = tpu.memref_slice %arg4[%dma_start3A_212, %dma_start3A_213] : memref<10000x64xf32, #tpu.memory_space<hbm>> -> memref<10000x64xf32, #tpu.memory_space<hbm>>
        tpu.enqueue_indirect_dma source(%dma_start3A_214 : memref<10000x64xf32, #tpu.memory_space<hbm>>) target(%arg10 : memref<160x64xf32, #tpu.memory_space<vmem>>) offsets(%dma_start3A_211 : memref<160xi32, #tpu.memory_space<vmem>>) semaphore(%arg16 : memref<!tpu.dma_semaphore, #tpu.memory_space<semaphore_mem>>)
      } else {
      }
      %eq3A_85 = arith.constant 1 : i32
      %eq3A_86 = arith.cmpi eq, %arg0, %eq3A_85 : i32
      %convert_element_type3A_87 = arith.extui %eq3A_86 : i1 to i32
      %cond3A_88 = arith.constant 0 : i32
      %cond3A_89 = arith.cmpi ne, %convert_element_type3A_87, %cond3A_88 : i32
      scf.if %cond3A_89 {
        %dma_start3A_208 = arith.constant 0 : i32
        %dma_start3A_209 = arith.constant 0 : i32
        %dma_start3A_210 = tpu.memref_slice %arg8[%add3A_79, %dma_start3A_208, %dma_start3A_209] : memref<125x1x160xi32, #tpu.memory_space<vmem>> -> memref<1x1x160xi32, #tpu.memory_space<vmem>>
        %dma_start3A_211 = tpu.memref_squeeze %dma_start3A_210 : memref<1x1x160xi32, #tpu.memory_space<vmem>> -> memref<160xi32, #tpu.memory_space<vmem>>
        %dma_start3A_212 = arith.constant 0 : i32
        %dma_start3A_213 = arith.constant 0 : i32
        %dma_start3A_214 = tpu.memref_slice %arg5[%dma_start3A_212, %dma_start3A_213] : memref<10000x64xf32, #tpu.memory_space<hbm>> -> memref<10000x64xf32, #tpu.memory_space<hbm>>
        tpu.enqueue_indirect_dma source(%dma_start3A_214 : memref<10000x64xf32, #tpu.memory_space<hbm>>) target(%arg10 : memref<160x64xf32, #tpu.memory_space<vmem>>) offsets(%dma_start3A_211 : memref<160xi32, #tpu.memory_space<vmem>>) semaphore(%arg16 : memref<!tpu.dma_semaphore, #tpu.memory_space<semaphore_mem>>)
      } else {
      }
      %dma_wait3A_90 = arith.constant 0 : i32
      %dma_wait3A_91 = arith.constant 0 : i32
      %dma_wait3A_92 = tpu.memref_slice %arg8[%add3A_79, %dma_wait3A_90, %dma_wait3A_91] : memref<125x1x160xi32, #tpu.memory_space<vmem>> -> memref<1x1x160xi32, #tpu.memory_space<vmem>>
      %dma_wait3A_93 = tpu.memref_squeeze %dma_wait3A_92 : memref<1x1x160xi32, #tpu.memory_space<vmem>> -> memref<160xi32, #tpu.memory_space<vmem>>
      %dma_wait3A_94 = arith.constant 0 : i32
      %dma_wait3A_95 = arith.constant 0 : i32
      %dma_wait3A_96 = tpu.memref_slice %arg4[%dma_wait3A_94, %dma_wait3A_95] : memref<10000x64xf32, #tpu.memory_space<hbm>> -> memref<10000x64xf32, #tpu.memory_space<hbm>>
      tpu.wait_indirect_dma semaphore(%arg16 : memref<!tpu.dma_semaphore, #tpu.memory_space<semaphore_mem>>) src(%dma_wait3A_96 : memref<10000x64xf32, #tpu.memory_space<hbm>>) dst(%arg10 : memref<160x64xf32, #tpu.memory_space<vmem>>)
      %scan3A_97 = arith.constant 0 : i32
      %scan3A_98 = arith.constant 10 : i32
      %scan3A_99 = arith.addi %scan3A_97, %scan3A_98 : i32
      %scan3A_100 = arith.constant 1 : i32
      scf.for %scan3A_208 = %scan3A_97 to %scan3A_99 step %scan3A_100  : i32 {
        %mul3A_209 = arith.constant 16 : i32
        %mul3A_210 = arith.muli %scan3A_208, %mul3A_209 : i32
        %add3A_211 = arith.constant 0 : i32
        %add3A_212 = arith.addi %add3A_211, %mul3A_210 : i32
        %get3A = arith.constant 0 : i32
        %get3A_213 = arith.index_cast %add3A_79 : i32 to index
        %get3A_214 = arith.index_cast %get3A : i32 to index
        %get3A_215 = arith.index_cast %add3A_212 : i32 to index
        %get3A_216 = tpu.vector_load %arg9[%get3A_213, %get3A_214, %get3A_215] {strides = array<i32>} : memref<125x1x160xi32, #tpu.memory_space<vmem>>, vector<16xi32>,
        %add3A_217 = vector.broadcast %add3A_212 : i32 to vector<16xi32>
        %add3A_218 = arith.addi %iota3A, %add3A_217 : vector<16xi32>
        tpu.vector_store_idx %arg11[%get3A_216], %add3A_218 : memref<10000xi32, #tpu.memory_space<vmem>>[vector<16xi32>], vector<16xi32>,
      }
      %scan3A_101 = arith.constant 10 : i32
      %scan3A_102 = arith.constant 0 : i32
      %scan3A_103 = arith.constant 10 : i32
      %scan3A_104 = arith.addi %scan3A_102, %scan3A_103 : i32
      %scan3A_105 = arith.constant 1 : i32
      scf.for %scan3A_208 = %scan3A_102 to %scan3A_104 step %scan3A_105  : i32 {
        %mul3A_209 = arith.constant 16 : i32
        %mul3A_210 = arith.muli %scan3A_208, %mul3A_209 : i32
        %add3A_211 = arith.constant 0 : i32
        %add3A_212 = arith.addi %add3A_211, %mul3A_210 : i32
        %get3A = arith.constant 0 : i32
        %get3A_213 = arith.index_cast %add3A_79 : i32 to index
        %get3A_214 = arith.index_cast %get3A : i32 to index
        %get3A_215 = arith.index_cast %add3A_212 : i32 to index
        %get3A_216 = tpu.vector_load %arg9[%get3A_213, %get3A_214, %get3A_215] {strides = array<i32>} : memref<125x1x160xi32, #tpu.memory_space<vmem>>, vector<16xi32>,
        %gather3A = tpu.vector_load_idx %arg11[%get3A_216] : memref<10000xi32, #tpu.memory_space<vmem>>[vector<16xi32>], vector<16xi32>,
        %add3A_217 = vector.broadcast %add3A_212 : i32 to vector<16xi32>
        %add3A_218 = arith.addi %iota3A, %add3A_217 : vector<16xi32>
        %ne3A = arith.cmpi ne, %gather3A, %add3A_218 : vector<16xi32>
        %select_n3A = arith.select %ne3A, %broadcast_in_dim3A_0, %get3A_216 : vector<16xi1>, vector<16xi32>
        %swap3A = arith.constant 0 : i32
        %swap3A_219 = arith.index_cast %swap3A : i32 to index
        %swap3A_220 = arith.index_cast %add3A_212 : i32 to index
        %swap3A_221 = tpu.vector_load %arg12[%swap3A_219, %swap3A_220] {strides = array<i32>} : memref<1x160xi32, #tpu.memory_space<vmem>>, vector<16xi32>,
        tpu.vector_store %arg12[%swap3A_219, %swap3A_220], %select_n3A {strides = array<i32>} : memref<1x160xi32, #tpu.memory_space<vmem>>, vector<16xi32>,
        %swap3A_222 = arith.index_cast %add3A_212 : i32 to index
        %swap3A_223 = tpu.vector_load %arg13[%swap3A_222] {strides = array<i32>} : memref<160xi32, #tpu.memory_space<vmem>>, vector<16xi32>,
        tpu.vector_store %arg13[%swap3A_222], %gather3A {strides = array<i32>} : memref<160xi32, #tpu.memory_space<vmem>>, vector<16xi32>,
      }
      %scan3A_106 = arith.constant 10 : i32
      %scan3A_107 = arith.constant 0 : i32
      %scan3A_108 = arith.constant 160 : i32
      %scan3A_109 = arith.addi %scan3A_107, %scan3A_108 : i32
      %scan3A_110 = arith.constant 1 : i32
      scf.for %scan3A_208 = %scan3A_107 to %scan3A_109 step %scan3A_110  : i32 {
        %mul3A_209 = arith.constant 1 : i32
        %mul3A_210 = arith.muli %scan3A_208, %mul3A_209 : i32
        %add3A_211 = arith.constant 0 : i32
        %add3A_212 = arith.addi %add3A_211, %mul3A_210 : i32
        %broadcast_in_dim3A_213 = arith.constant 0 : i32
        %broadcast_in_dim3A_214 = vector.broadcast %broadcast_in_dim3A_213 : i32 to vector<16xi32>
        %add3A_215 = vector.broadcast %add3A_212 : i32 to vector<16xi32>
        %add3A_216 = arith.addi %broadcast_in_dim3A_214, %add3A_215 : vector<16xi32>
        %gather3A = tpu.vector_load_idx %arg13[%add3A_216] : memref<160xi32, #tpu.memory_space<vmem>>[vector<16xi32>], vector<16xi32>,
        %ne3A = arith.cmpi ne, %gather3A, %add3A_216 : vector<16xi32>
        %scan3A_217 = arith.constant 0 : i32
        %scan3A_218 = arith.constant 4 : i32
        %scan3A_219 = arith.addi %scan3A_217, %scan3A_218 : i32
        %scan3A_220 = arith.constant 1 : i32
        scf.for %scan3A_222 = %scan3A_217 to %scan3A_219 step %scan3A_220  : i32 {
          %mul3A_223 = arith.constant 16 : i32
          %mul3A_224 = arith.muli %scan3A_222, %mul3A_223 : i32
          %add3A_225 = arith.constant 0 : i32
          %add3A_226 = arith.addi %add3A_225, %mul3A_224 : i32
          %add3A_227 = vector.broadcast %add3A_226 : i32 to vector<16xi32>
          %add3A_228 = arith.addi %iota3A, %add3A_227 : vector<16xi32>
          %gather3A_229 = tpu.vector_load_idx %arg10[%add3A_216, %add3A_228] : memref<160x64xf32, #tpu.memory_space<vmem>>[vector<16xi32>, vector<16xi32>], vector<16xf32>,
          tpu.vector_store_idx %arg10[%gather3A, %add3A_228], %gather3A_229 masked %ne3A {add = true} : memref<160x64xf32, #tpu.memory_space<vmem>>[vector<16xi32>, vector<16xi32>], vector<16xf32>, vector<16xi1>
        }
        %scan3A_221 = arith.constant 4 : i32
      }
      %scan3A_111 = arith.constant 160 : i32
      %eq3A_112 = arith.constant 0 : i32
      %eq3A_113 = arith.cmpi eq, %arg1, %eq3A_112 : i32
      %convert_element_type3A_114 = arith.extui %eq3A_113 : i1 to i32
      %cond3A_115 = arith.constant 0 : i32
      %cond3A_116 = arith.cmpi ne, %convert_element_type3A_114, %cond3A_115 : i32
      scf.if %cond3A_116 {
        %dma_start3A_208 = arith.constant 0 : i32
        %dma_start3A_209 = arith.constant 0 : i32
        %dma_start3A_210 = tpu.memref_slice %arg12[%dma_start3A_208, %dma_start3A_209] : memref<1x160xi32, #tpu.memory_space<vmem>> -> memref<1x160xi32, #tpu.memory_space<vmem>>
        %dma_start3A_211 = tpu.memref_squeeze %dma_start3A_210 : memref<1x160xi32, #tpu.memory_space<vmem>> -> memref<160xi32, #tpu.memory_space<vmem>>
        %dma_start3A_212 = arith.constant 0 : i32
        %dma_start3A_213 = arith.constant 0 : i32
        %dma_start3A_214 = tpu.memref_slice %arg14[%dma_start3A_212, %dma_start3A_213] : memref<10016x64xf32, #tpu.memory_space<vmem_shared>> -> memref<10016x64xf32, #tpu.memory_space<vmem_shared>>
        tpu.enqueue_indirect_dma source(%arg10 : memref<160x64xf32, #tpu.memory_space<vmem>>) target(%dma_start3A_214 : memref<10016x64xf32, #tpu.memory_space<vmem_shared>>) offsets(%dma_start3A_211 : memref<160xi32, #tpu.memory_space<vmem>>) semaphore(%arg17 : memref<!tpu.dma_semaphore, #tpu.memory_space<semaphore_mem>>) {add = true}
        %dma_wait3A_215 = arith.constant 0 : i32
        %dma_wait3A_216 = arith.constant 0 : i32
        %dma_wait3A_217 = tpu.memref_slice %arg12[%dma_wait3A_215, %dma_wait3A_216] : memref<1x160xi32, #tpu.memory_space<vmem>> -> memref<1x160xi32, #tpu.memory_space<vmem>>
        %dma_wait3A_218 = tpu.memref_squeeze %dma_wait3A_217 : memref<1x160xi32, #tpu.memory_space<vmem>> -> memref<160xi32, #tpu.memory_space<vmem>>
        %dma_wait3A_219 = arith.constant 0 : i32
        %dma_wait3A_220 = arith.constant 0 : i32
        %dma_wait3A_221 = tpu.memref_slice %arg14[%dma_wait3A_219, %dma_wait3A_220] : memref<10016x64xf32, #tpu.memory_space<vmem_shared>> -> memref<10016x64xf32, #tpu.memory_space<vmem_shared>>
        tpu.wait_indirect_dma semaphore(%arg17 : memref<!tpu.dma_semaphore, #tpu.memory_space<semaphore_mem>>) src(%arg10 : memref<160x64xf32, #tpu.memory_space<vmem>>) dst(%dma_wait3A_221 : memref<10016x64xf32, #tpu.memory_space<vmem_shared>>)
      } else {
      }
      %barrier3A_117 = arith.constant 0 : index
      tpu.barrier barrier_id(%barrier3A_117)
      %eq3A_118 = arith.constant 1 : i32
      %eq3A_119 = arith.cmpi eq, %arg1, %eq3A_118 : i32
      %convert_element_type3A_120 = arith.extui %eq3A_119 : i1 to i32
      %cond3A_121 = arith.constant 0 : i32
      %cond3A_122 = arith.cmpi ne, %convert_element_type3A_120, %cond3A_121 : i32
      scf.if %cond3A_122 {
        %dma_start3A_208 = arith.constant 0 : i32
        %dma_start3A_209 = arith.constant 0 : i32
        %dma_start3A_210 = tpu.memref_slice %arg12[%dma_start3A_208, %dma_start3A_209] : memref<1x160xi32, #tpu.memory_space<vmem>> -> memref<1x160xi32, #tpu.memory_space<vmem>>
        %dma_start3A_211 = tpu.memref_squeeze %dma_start3A_210 : memref<1x160xi32, #tpu.memory_space<vmem>> -> memref<160xi32, #tpu.memory_space<vmem>>
        %dma_start3A_212 = arith.constant 0 : i32
        %dma_start3A_213 = arith.constant 0 : i32
        %dma_start3A_214 = tpu.memref_slice %arg14[%dma_start3A_212, %dma_start3A_213] : memref<10016x64xf32, #tpu.memory_space<vmem_shared>> -> memref<10016x64xf32, #tpu.memory_space<vmem_shared>>
        tpu.enqueue_indirect_dma source(%arg10 : memref<160x64xf32, #tpu.memory_space<vmem>>) target(%dma_start3A_214 : memref<10016x64xf32, #tpu.memory_space<vmem_shared>>) offsets(%dma_start3A_211 : memref<160xi32, #tpu.memory_space<vmem>>) semaphore(%arg17 : memref<!tpu.dma_semaphore, #tpu.memory_space<semaphore_mem>>) {add = true}
        %dma_wait3A_215 = arith.constant 0 : i32
        %dma_wait3A_216 = arith.constant 0 : i32
        %dma_wait3A_217 = tpu.memref_slice %arg12[%dma_wait3A_215, %dma_wait3A_216] : memref<1x160xi32, #tpu.memory_space<vmem>> -> memref<1x160xi32, #tpu.memory_space<vmem>>
        %dma_wait3A_218 = tpu.memref_squeeze %dma_wait3A_217 : memref<1x160xi32, #tpu.memory_space<vmem>> -> memref<160xi32, #tpu.memory_space<vmem>>
        %dma_wait3A_219 = arith.constant 0 : i32
        %dma_wait3A_220 = arith.constant 0 : i32
        %dma_wait3A_221 = tpu.memref_slice %arg14[%dma_wait3A_219, %dma_wait3A_220] : memref<10016x64xf32, #tpu.memory_space<vmem_shared>> -> memref<10016x64xf32, #tpu.memory_space<vmem_shared>>
        tpu.wait_indirect_dma semaphore(%arg17 : memref<!tpu.dma_semaphore, #tpu.memory_space<semaphore_mem>>) src(%arg10 : memref<160x64xf32, #tpu.memory_space<vmem>>) dst(%dma_wait3A_221 : memref<10016x64xf32, #tpu.memory_space<vmem_shared>>)
      } else {
      }
      %barrier3A_123 = arith.constant 0 : index
      tpu.barrier barrier_id(%barrier3A_123)
      %eq3A_124 = arith.constant 2 : i32
      %eq3A_125 = arith.cmpi eq, %arg1, %eq3A_124 : i32
      %convert_element_type3A_126 = arith.extui %eq3A_125 : i1 to i32
      %cond3A_127 = arith.constant 0 : i32
      %cond3A_128 = arith.cmpi ne, %convert_element_type3A_126, %cond3A_127 : i32
      scf.if %cond3A_128 {
        %dma_start3A_208 = arith.constant 0 : i32
        %dma_start3A_209 = arith.constant 0 : i32
        %dma_start3A_210 = tpu.memref_slice %arg12[%dma_start3A_208, %dma_start3A_209] : memref<1x160xi32, #tpu.memory_space<vmem>> -> memref<1x160xi32, #tpu.memory_space<vmem>>
        %dma_start3A_211 = tpu.memref_squeeze %dma_start3A_210 : memref<1x160xi32, #tpu.memory_space<vmem>> -> memref<160xi32, #tpu.memory_space<vmem>>
        %dma_start3A_212 = arith.constant 0 : i32
        %dma_start3A_213 = arith.constant 0 : i32
        %dma_start3A_214 = tpu.memref_slice %arg14[%dma_start3A_212, %dma_start3A_213] : memref<10016x64xf32, #tpu.memory_space<vmem_shared>> -> memref<10016x64xf32, #tpu.memory_space<vmem_shared>>
        tpu.enqueue_indirect_dma source(%arg10 : memref<160x64xf32, #tpu.memory_space<vmem>>) target(%dma_start3A_214 : memref<10016x64xf32, #tpu.memory_space<vmem_shared>>) offsets(%dma_start3A_211 : memref<160xi32, #tpu.memory_space<vmem>>) semaphore(%arg17 : memref<!tpu.dma_semaphore, #tpu.memory_space<semaphore_mem>>) {add = true}
        %dma_wait3A_215 = arith.constant 0 : i32
        %dma_wait3A_216 = arith.constant 0 : i32
        %dma_wait3A_217 = tpu.memref_slice %arg12[%dma_wait3A_215, %dma_wait3A_216] : memref<1x160xi32, #tpu.memory_space<vmem>> -> memref<1x160xi32, #tpu.memory_space<vmem>>
        %dma_wait3A_218 = tpu.memref_squeeze %dma_wait3A_217 : memref<1x160xi32, #tpu.memory_space<vmem>> -> memref<160xi32, #tpu.memory_space<vmem>>
        %dma_wait3A_219 = arith.constant 0 : i32
        %dma_wait3A_220 = arith.constant 0 : i32
        %dma_wait3A_221 = tpu.memref_slice %arg14[%dma_wait3A_219, %dma_wait3A_220] : memref<10016x64xf32, #tpu.memory_space<vmem_shared>> -> memref<10016x64xf32, #tpu.memory_space<vmem_shared>>
        tpu.wait_indirect_dma semaphore(%arg17 : memref<!tpu.dma_semaphore, #tpu.memory_space<semaphore_mem>>) src(%arg10 : memref<160x64xf32, #tpu.memory_space<vmem>>) dst(%dma_wait3A_221 : memref<10016x64xf32, #tpu.memory_space<vmem_shared>>)
      } else {
      }
      %barrier3A_129 = arith.constant 0 : index
      tpu.barrier barrier_id(%barrier3A_129)
      %eq3A_130 = arith.constant 3 : i32
      %eq3A_131 = arith.cmpi eq, %arg1, %eq3A_130 : i32
      %convert_element_type3A_132 = arith.extui %eq3A_131 : i1 to i32
      %cond3A_133 = arith.constant 0 : i32
      %cond3A_134 = arith.cmpi ne, %convert_element_type3A_132, %cond3A_133 : i32
      scf.if %cond3A_134 {
        %dma_start3A_208 = arith.constant 0 : i32
        %dma_start3A_209 = arith.constant 0 : i32
        %dma_start3A_210 = tpu.memref_slice %arg12[%dma_start3A_208, %dma_start3A_209] : memref<1x160xi32, #tpu.memory_space<vmem>> -> memref<1x160xi32, #tpu.memory_space<vmem>>
        %dma_start3A_211 = tpu.memref_squeeze %dma_start3A_210 : memref<1x160xi32, #tpu.memory_space<vmem>> -> memref<160xi32, #tpu.memory_space<vmem>>
        %dma_start3A_212 = arith.constant 0 : i32
        %dma_start3A_213 = arith.constant 0 : i32
        %dma_start3A_214 = tpu.memref_slice %arg14[%dma_start3A_212, %dma_start3A_213] : memref<10016x64xf32, #tpu.memory_space<vmem_shared>> -> memref<10016x64xf32, #tpu.memory_space<vmem_shared>>
        tpu.enqueue_indirect_dma source(%arg10 : memref<160x64xf32, #tpu.memory_space<vmem>>) target(%dma_start3A_214 : memref<10016x64xf32, #tpu.memory_space<vmem_shared>>) offsets(%dma_start3A_211 : memref<160xi32, #tpu.memory_space<vmem>>) semaphore(%arg17 : memref<!tpu.dma_semaphore, #tpu.memory_space<semaphore_mem>>) {add = true}
        %dma_wait3A_215 = arith.constant 0 : i32
        %dma_wait3A_216 = arith.constant 0 : i32
        %dma_wait3A_217 = tpu.memref_slice %arg12[%dma_wait3A_215, %dma_wait3A_216] : memref<1x160xi32, #tpu.memory_space<vmem>> -> memref<1x160xi32, #tpu.memory_space<vmem>>
        %dma_wait3A_218 = tpu.memref_squeeze %dma_wait3A_217 : memref<1x160xi32, #tpu.memory_space<vmem>> -> memref<160xi32, #tpu.memory_space<vmem>>
        %dma_wait3A_219 = arith.constant 0 : i32
        %dma_wait3A_220 = arith.constant 0 : i32
        %dma_wait3A_221 = tpu.memref_slice %arg14[%dma_wait3A_219, %dma_wait3A_220] : memref<10016x64xf32, #tpu.memory_space<vmem_shared>> -> memref<10016x64xf32, #tpu.memory_space<vmem_shared>>
        tpu.wait_indirect_dma semaphore(%arg17 : memref<!tpu.dma_semaphore, #tpu.memory_space<semaphore_mem>>) src(%arg10 : memref<160x64xf32, #tpu.memory_space<vmem>>) dst(%dma_wait3A_221 : memref<10016x64xf32, #tpu.memory_space<vmem_shared>>)
      } else {
      }
      %barrier3A_135 = arith.constant 0 : index
      tpu.barrier barrier_id(%barrier3A_135)
      %eq3A_136 = arith.constant 4 : i32
      %eq3A_137 = arith.cmpi eq, %arg1, %eq3A_136 : i32
      %convert_element_type3A_138 = arith.extui %eq3A_137 : i1 to i32
      %cond3A_139 = arith.constant 0 : i32
      %cond3A_140 = arith.cmpi ne, %convert_element_type3A_138, %cond3A_139 : i32
      scf.if %cond3A_140 {
        %dma_start3A_208 = arith.constant 0 : i32
        %dma_start3A_209 = arith.constant 0 : i32
        %dma_start3A_210 = tpu.memref_slice %arg12[%dma_start3A_208, %dma_start3A_209] : memref<1x160xi32, #tpu.memory_space<vmem>> -> memref<1x160xi32, #tpu.memory_space<vmem>>
        %dma_start3A_211 = tpu.memref_squeeze %dma_start3A_210 : memref<1x160xi32, #tpu.memory_space<vmem>> -> memref<160xi32, #tpu.memory_space<vmem>>
        %dma_start3A_212 = arith.constant 0 : i32
        %dma_start3A_213 = arith.constant 0 : i32
        %dma_start3A_214 = tpu.memref_slice %arg14[%dma_start3A_212, %dma_start3A_213] : memref<10016x64xf32, #tpu.memory_space<vmem_shared>> -> memref<10016x64xf32, #tpu.memory_space<vmem_shared>>
        tpu.enqueue_indirect_dma source(%arg10 : memref<160x64xf32, #tpu.memory_space<vmem>>) target(%dma_start3A_214 : memref<10016x64xf32, #tpu.memory_space<vmem_shared>>) offsets(%dma_start3A_211 : memref<160xi32, #tpu.memory_space<vmem>>) semaphore(%arg17 : memref<!tpu.dma_semaphore, #tpu.memory_space<semaphore_mem>>) {add = true}
        %dma_wait3A_215 = arith.constant 0 : i32
        %dma_wait3A_216 = arith.constant 0 : i32
        %dma_wait3A_217 = tpu.memref_slice %arg12[%dma_wait3A_215, %dma_wait3A_216] : memref<1x160xi32, #tpu.memory_space<vmem>> -> memref<1x160xi32, #tpu.memory_space<vmem>>
        %dma_wait3A_218 = tpu.memref_squeeze %dma_wait3A_217 : memref<1x160xi32, #tpu.memory_space<vmem>> -> memref<160xi32, #tpu.memory_space<vmem>>
        %dma_wait3A_219 = arith.constant 0 : i32
        %dma_wait3A_220 = arith.constant 0 : i32
        %dma_wait3A_221 = tpu.memref_slice %arg14[%dma_wait3A_219, %dma_wait3A_220] : memref<10016x64xf32, #tpu.memory_space<vmem_shared>> -> memref<10016x64xf32, #tpu.memory_space<vmem_shared>>
        tpu.wait_indirect_dma semaphore(%arg17 : memref<!tpu.dma_semaphore, #tpu.memory_space<semaphore_mem>>) src(%arg10 : memref<160x64xf32, #tpu.memory_space<vmem>>) dst(%dma_wait3A_221 : memref<10016x64xf32, #tpu.memory_space<vmem_shared>>)
      } else {
      }
      %barrier3A_141 = arith.constant 0 : index
      tpu.barrier barrier_id(%barrier3A_141)
      %eq3A_142 = arith.constant 5 : i32
      %eq3A_143 = arith.cmpi eq, %arg1, %eq3A_142 : i32
      %convert_element_type3A_144 = arith.extui %eq3A_143 : i1 to i32
      %cond3A_145 = arith.constant 0 : i32
      %cond3A_146 = arith.cmpi ne, %convert_element_type3A_144, %cond3A_145 : i32
      scf.if %cond3A_146 {
        %dma_start3A_208 = arith.constant 0 : i32
        %dma_start3A_209 = arith.constant 0 : i32
        %dma_start3A_210 = tpu.memref_slice %arg12[%dma_start3A_208, %dma_start3A_209] : memref<1x160xi32, #tpu.memory_space<vmem>> -> memref<1x160xi32, #tpu.memory_space<vmem>>
        %dma_start3A_211 = tpu.memref_squeeze %dma_start3A_210 : memref<1x160xi32, #tpu.memory_space<vmem>> -> memref<160xi32, #tpu.memory_space<vmem>>
        %dma_start3A_212 = arith.constant 0 : i32
        %dma_start3A_213 = arith.constant 0 : i32
        %dma_start3A_214 = tpu.memref_slice %arg14[%dma_start3A_212, %dma_start3A_213] : memref<10016x64xf32, #tpu.memory_space<vmem_shared>> -> memref<10016x64xf32, #tpu.memory_space<vmem_shared>>
        tpu.enqueue_indirect_dma source(%arg10 : memref<160x64xf32, #tpu.memory_space<vmem>>) target(%dma_start3A_214 : memref<10016x64xf32, #tpu.memory_space<vmem_shared>>) offsets(%dma_start3A_211 : memref<160xi32, #tpu.memory_space<vmem>>) semaphore(%arg17 : memref<!tpu.dma_semaphore, #tpu.memory_space<semaphore_mem>>) {add = true}
        %dma_wait3A_215 = arith.constant 0 : i32
        %dma_wait3A_216 = arith.constant 0 : i32
        %dma_wait3A_217 = tpu.memref_slice %arg12[%dma_wait3A_215, %dma_wait3A_216] : memref<1x160xi32, #tpu.memory_space<vmem>> -> memref<1x160xi32, #tpu.memory_space<vmem>>
        %dma_wait3A_218 = tpu.memref_squeeze %dma_wait3A_217 : memref<1x160xi32, #tpu.memory_space<vmem>> -> memref<160xi32, #tpu.memory_space<vmem>>
        %dma_wait3A_219 = arith.constant 0 : i32
        %dma_wait3A_220 = arith.constant 0 : i32
        %dma_wait3A_221 = tpu.memref_slice %arg14[%dma_wait3A_219, %dma_wait3A_220] : memref<10016x64xf32, #tpu.memory_space<vmem_shared>> -> memref<10016x64xf32, #tpu.memory_space<vmem_shared>>
        tpu.wait_indirect_dma semaphore(%arg17 : memref<!tpu.dma_semaphore, #tpu.memory_space<semaphore_mem>>) src(%arg10 : memref<160x64xf32, #tpu.memory_space<vmem>>) dst(%dma_wait3A_221 : memref<10016x64xf32, #tpu.memory_space<vmem_shared>>)
      } else {
      }
      %barrier3A_147 = arith.constant 0 : index
      tpu.barrier barrier_id(%barrier3A_147)
      %eq3A_148 = arith.constant 6 : i32
      %eq3A_149 = arith.cmpi eq, %arg1, %eq3A_148 : i32
      %convert_element_type3A_150 = arith.extui %eq3A_149 : i1 to i32
      %cond3A_151 = arith.constant 0 : i32
      %cond3A_152 = arith.cmpi ne, %convert_element_type3A_150, %cond3A_151 : i32
      scf.if %cond3A_152 {
        %dma_start3A_208 = arith.constant 0 : i32
        %dma_start3A_209 = arith.constant 0 : i32
        %dma_start3A_210 = tpu.memref_slice %arg12[%dma_start3A_208, %dma_start3A_209] : memref<1x160xi32, #tpu.memory_space<vmem>> -> memref<1x160xi32, #tpu.memory_space<vmem>>
        %dma_start3A_211 = tpu.memref_squeeze %dma_start3A_210 : memref<1x160xi32, #tpu.memory_space<vmem>> -> memref<160xi32, #tpu.memory_space<vmem>>
        %dma_start3A_212 = arith.constant 0 : i32
        %dma_start3A_213 = arith.constant 0 : i32
        %dma_start3A_214 = tpu.memref_slice %arg14[%dma_start3A_212, %dma_start3A_213] : memref<10016x64xf32, #tpu.memory_space<vmem_shared>> -> memref<10016x64xf32, #tpu.memory_space<vmem_shared>>
        tpu.enqueue_indirect_dma source(%arg10 : memref<160x64xf32, #tpu.memory_space<vmem>>) target(%dma_start3A_214 : memref<10016x64xf32, #tpu.memory_space<vmem_shared>>) offsets(%dma_start3A_211 : memref<160xi32, #tpu.memory_space<vmem>>) semaphore(%arg17 : memref<!tpu.dma_semaphore, #tpu.memory_space<semaphore_mem>>) {add = true}
        %dma_wait3A_215 = arith.constant 0 : i32
        %dma_wait3A_216 = arith.constant 0 : i32
        %dma_wait3A_217 = tpu.memref_slice %arg12[%dma_wait3A_215, %dma_wait3A_216] : memref<1x160xi32, #tpu.memory_space<vmem>> -> memref<1x160xi32, #tpu.memory_space<vmem>>
        %dma_wait3A_218 = tpu.memref_squeeze %dma_wait3A_217 : memref<1x160xi32, #tpu.memory_space<vmem>> -> memref<160xi32, #tpu.memory_space<vmem>>
        %dma_wait3A_219 = arith.constant 0 : i32
        %dma_wait3A_220 = arith.constant 0 : i32
        %dma_wait3A_221 = tpu.memref_slice %arg14[%dma_wait3A_219, %dma_wait3A_220] : memref<10016x64xf32, #tpu.memory_space<vmem_shared>> -> memref<10016x64xf32, #tpu.memory_space<vmem_shared>>
        tpu.wait_indirect_dma semaphore(%arg17 : memref<!tpu.dma_semaphore, #tpu.memory_space<semaphore_mem>>) src(%arg10 : memref<160x64xf32, #tpu.memory_space<vmem>>) dst(%dma_wait3A_221 : memref<10016x64xf32, #tpu.memory_space<vmem_shared>>)
      } else {
      }
      %barrier3A_153 = arith.constant 0 : index
      tpu.barrier barrier_id(%barrier3A_153)
      %eq3A_154 = arith.constant 7 : i32
      %eq3A_155 = arith.cmpi eq, %arg1, %eq3A_154 : i32
      %convert_element_type3A_156 = arith.extui %eq3A_155 : i1 to i32
      %cond3A_157 = arith.constant 0 : i32
      %cond3A_158 = arith.cmpi ne, %convert_element_type3A_156, %cond3A_157 : i32
      scf.if %cond3A_158 {
        %dma_start3A_208 = arith.constant 0 : i32
        %dma_start3A_209 = arith.constant 0 : i32
        %dma_start3A_210 = tpu.memref_slice %arg12[%dma_start3A_208, %dma_start3A_209] : memref<1x160xi32, #tpu.memory_space<vmem>> -> memref<1x160xi32, #tpu.memory_space<vmem>>
        %dma_start3A_211 = tpu.memref_squeeze %dma_start3A_210 : memref<1x160xi32, #tpu.memory_space<vmem>> -> memref<160xi32, #tpu.memory_space<vmem>>
        %dma_start3A_212 = arith.constant 0 : i32
        %dma_start3A_213 = arith.constant 0 : i32
        %dma_start3A_214 = tpu.memref_slice %arg14[%dma_start3A_212, %dma_start3A_213] : memref<10016x64xf32, #tpu.memory_space<vmem_shared>> -> memref<10016x64xf32, #tpu.memory_space<vmem_shared>>
        tpu.enqueue_indirect_dma source(%arg10 : memref<160x64xf32, #tpu.memory_space<vmem>>) target(%dma_start3A_214 : memref<10016x64xf32, #tpu.memory_space<vmem_shared>>) offsets(%dma_start3A_211 : memref<160xi32, #tpu.memory_space<vmem>>) semaphore(%arg17 : memref<!tpu.dma_semaphore, #tpu.memory_space<semaphore_mem>>) {add = true}
        %dma_wait3A_215 = arith.constant 0 : i32
        %dma_wait3A_216 = arith.constant 0 : i32
        %dma_wait3A_217 = tpu.memref_slice %arg12[%dma_wait3A_215, %dma_wait3A_216] : memref<1x160xi32, #tpu.memory_space<vmem>> -> memref<1x160xi32, #tpu.memory_space<vmem>>
        %dma_wait3A_218 = tpu.memref_squeeze %dma_wait3A_217 : memref<1x160xi32, #tpu.memory_space<vmem>> -> memref<160xi32, #tpu.memory_space<vmem>>
        %dma_wait3A_219 = arith.constant 0 : i32
        %dma_wait3A_220 = arith.constant 0 : i32
        %dma_wait3A_221 = tpu.memref_slice %arg14[%dma_wait3A_219, %dma_wait3A_220] : memref<10016x64xf32, #tpu.memory_space<vmem_shared>> -> memref<10016x64xf32, #tpu.memory_space<vmem_shared>>
        tpu.wait_indirect_dma semaphore(%arg17 : memref<!tpu.dma_semaphore, #tpu.memory_space<semaphore_mem>>) src(%arg10 : memref<160x64xf32, #tpu.memory_space<vmem>>) dst(%dma_wait3A_221 : memref<10016x64xf32, #tpu.memory_space<vmem_shared>>)
      } else {
      }
      %barrier3A_159 = arith.constant 0 : index
      tpu.barrier barrier_id(%barrier3A_159)
      %eq3A_160 = arith.constant 8 : i32
      %eq3A_161 = arith.cmpi eq, %arg1, %eq3A_160 : i32
      %convert_element_type3A_162 = arith.extui %eq3A_161 : i1 to i32
      %cond3A_163 = arith.constant 0 : i32
      %cond3A_164 = arith.cmpi ne, %convert_element_type3A_162, %cond3A_163 : i32
      scf.if %cond3A_164 {
        %dma_start3A_208 = arith.constant 0 : i32
        %dma_start3A_209 = arith.constant 0 : i32
        %dma_start3A_210 = tpu.memref_slice %arg12[%dma_start3A_208, %dma_start3A_209] : memref<1x160xi32, #tpu.memory_space<vmem>> -> memref<1x160xi32, #tpu.memory_space<vmem>>
        %dma_start3A_211 = tpu.memref_squeeze %dma_start3A_210 : memref<1x160xi32, #tpu.memory_space<vmem>> -> memref<160xi32, #tpu.memory_space<vmem>>
        %dma_start3A_212 = arith.constant 0 : i32
        %dma_start3A_213 = arith.constant 0 : i32
        %dma_start3A_214 = tpu.memref_slice %arg14[%dma_start3A_212, %dma_start3A_213] : memref<10016x64xf32, #tpu.memory_space<vmem_shared>> -> memref<10016x64xf32, #tpu.memory_space<vmem_shared>>
        tpu.enqueue_indirect_dma source(%arg10 : memref<160x64xf32, #tpu.memory_space<vmem>>) target(%dma_start3A_214 : memref<10016x64xf32, #tpu.memory_space<vmem_shared>>) offsets(%dma_start3A_211 : memref<160xi32, #tpu.memory_space<vmem>>) semaphore(%arg17 : memref<!tpu.dma_semaphore, #tpu.memory_space<semaphore_mem>>) {add = true}
        %dma_wait3A_215 = arith.constant 0 : i32
        %dma_wait3A_216 = arith.constant 0 : i32
        %dma_wait3A_217 = tpu.memref_slice %arg12[%dma_wait3A_215, %dma_wait3A_216] : memref<1x160xi32, #tpu.memory_space<vmem>> -> memref<1x160xi32, #tpu.memory_space<vmem>>
        %dma_wait3A_218 = tpu.memref_squeeze %dma_wait3A_217 : memref<1x160xi32, #tpu.memory_space<vmem>> -> memref<160xi32, #tpu.memory_space<vmem>>
        %dma_wait3A_219 = arith.constant 0 : i32
        %dma_wait3A_220 = arith.constant 0 : i32
        %dma_wait3A_221 = tpu.memref_slice %arg14[%dma_wait3A_219, %dma_wait3A_220] : memref<10016x64xf32, #tpu.memory_space<vmem_shared>> -> memref<10016x64xf32, #tpu.memory_space<vmem_shared>>
        tpu.wait_indirect_dma semaphore(%arg17 : memref<!tpu.dma_semaphore, #tpu.memory_space<semaphore_mem>>) src(%arg10 : memref<160x64xf32, #tpu.memory_space<vmem>>) dst(%dma_wait3A_221 : memref<10016x64xf32, #tpu.memory_space<vmem_shared>>)
      } else {
      }
      %barrier3A_165 = arith.constant 0 : index
      tpu.barrier barrier_id(%barrier3A_165)
      %eq3A_166 = arith.constant 9 : i32
      %eq3A_167 = arith.cmpi eq, %arg1, %eq3A_166 : i32
      %convert_element_type3A_168 = arith.extui %eq3A_167 : i1 to i32
      %cond3A_169 = arith.constant 0 : i32
      %cond3A_170 = arith.cmpi ne, %convert_element_type3A_168, %cond3A_169 : i32
      scf.if %cond3A_170 {
        %dma_start3A_208 = arith.constant 0 : i32
        %dma_start3A_209 = arith.constant 0 : i32
        %dma_start3A_210 = tpu.memref_slice %arg12[%dma_start3A_208, %dma_start3A_209] : memref<1x160xi32, #tpu.memory_space<vmem>> -> memref<1x160xi32, #tpu.memory_space<vmem>>
        %dma_start3A_211 = tpu.memref_squeeze %dma_start3A_210 : memref<1x160xi32, #tpu.memory_space<vmem>> -> memref<160xi32, #tpu.memory_space<vmem>>
        %dma_start3A_212 = arith.constant 0 : i32
        %dma_start3A_213 = arith.constant 0 : i32
        %dma_start3A_214 = tpu.memref_slice %arg14[%dma_start3A_212, %dma_start3A_213] : memref<10016x64xf32, #tpu.memory_space<vmem_shared>> -> memref<10016x64xf32, #tpu.memory_space<vmem_shared>>
        tpu.enqueue_indirect_dma source(%arg10 : memref<160x64xf32, #tpu.memory_space<vmem>>) target(%dma_start3A_214 : memref<10016x64xf32, #tpu.memory_space<vmem_shared>>) offsets(%dma_start3A_211 : memref<160xi32, #tpu.memory_space<vmem>>) semaphore(%arg17 : memref<!tpu.dma_semaphore, #tpu.memory_space<semaphore_mem>>) {add = true}
        %dma_wait3A_215 = arith.constant 0 : i32
        %dma_wait3A_216 = arith.constant 0 : i32
        %dma_wait3A_217 = tpu.memref_slice %arg12[%dma_wait3A_215, %dma_wait3A_216] : memref<1x160xi32, #tpu.memory_space<vmem>> -> memref<1x160xi32, #tpu.memory_space<vmem>>
        %dma_wait3A_218 = tpu.memref_squeeze %dma_wait3A_217 : memref<1x160xi32, #tpu.memory_space<vmem>> -> memref<160xi32, #tpu.memory_space<vmem>>
        %dma_wait3A_219 = arith.constant 0 : i32
        %dma_wait3A_220 = arith.constant 0 : i32
        %dma_wait3A_221 = tpu.memref_slice %arg14[%dma_wait3A_219, %dma_wait3A_220] : memref<10016x64xf32, #tpu.memory_space<vmem_shared>> -> memref<10016x64xf32, #tpu.memory_space<vmem_shared>>
        tpu.wait_indirect_dma semaphore(%arg17 : memref<!tpu.dma_semaphore, #tpu.memory_space<semaphore_mem>>) src(%arg10 : memref<160x64xf32, #tpu.memory_space<vmem>>) dst(%dma_wait3A_221 : memref<10016x64xf32, #tpu.memory_space<vmem_shared>>)
      } else {
      }
      %barrier3A_171 = arith.constant 0 : index
      tpu.barrier barrier_id(%barrier3A_171)
      %eq3A_172 = arith.constant 10 : i32
      %eq3A_173 = arith.cmpi eq, %arg1, %eq3A_172 : i32
      %convert_element_type3A_174 = arith.extui %eq3A_173 : i1 to i32
      %cond3A_175 = arith.constant 0 : i32
      %cond3A_176 = arith.cmpi ne, %convert_element_type3A_174, %cond3A_175 : i32
      scf.if %cond3A_176 {
        %dma_start3A_208 = arith.constant 0 : i32
        %dma_start3A_209 = arith.constant 0 : i32
        %dma_start3A_210 = tpu.memref_slice %arg12[%dma_start3A_208, %dma_start3A_209] : memref<1x160xi32, #tpu.memory_space<vmem>> -> memref<1x160xi32, #tpu.memory_space<vmem>>
        %dma_start3A_211 = tpu.memref_squeeze %dma_start3A_210 : memref<1x160xi32, #tpu.memory_space<vmem>> -> memref<160xi32, #tpu.memory_space<vmem>>
        %dma_start3A_212 = arith.constant 0 : i32
        %dma_start3A_213 = arith.constant 0 : i32
        %dma_start3A_214 = tpu.memref_slice %arg14[%dma_start3A_212, %dma_start3A_213] : memref<10016x64xf32, #tpu.memory_space<vmem_shared>> -> memref<10016x64xf32, #tpu.memory_space<vmem_shared>>
        tpu.enqueue_indirect_dma source(%arg10 : memref<160x64xf32, #tpu.memory_space<vmem>>) target(%dma_start3A_214 : memref<10016x64xf32, #tpu.memory_space<vmem_shared>>) offsets(%dma_start3A_211 : memref<160xi32, #tpu.memory_space<vmem>>) semaphore(%arg17 : memref<!tpu.dma_semaphore, #tpu.memory_space<semaphore_mem>>) {add = true}
        %dma_wait3A_215 = arith.constant 0 : i32
        %dma_wait3A_216 = arith.constant 0 : i32
        %dma_wait3A_217 = tpu.memref_slice %arg12[%dma_wait3A_215, %dma_wait3A_216] : memref<1x160xi32, #tpu.memory_space<vmem>> -> memref<1x160xi32, #tpu.memory_space<vmem>>
        %dma_wait3A_218 = tpu.memref_squeeze %dma_wait3A_217 : memref<1x160xi32, #tpu.memory_space<vmem>> -> memref<160xi32, #tpu.memory_space<vmem>>
        %dma_wait3A_219 = arith.constant 0 : i32
        %dma_wait3A_220 = arith.constant 0 : i32
        %dma_wait3A_221 = tpu.memref_slice %arg14[%dma_wait3A_219, %dma_wait3A_220] : memref<10016x64xf32, #tpu.memory_space<vmem_shared>> -> memref<10016x64xf32, #tpu.memory_space<vmem_shared>>
        tpu.wait_indirect_dma semaphore(%arg17 : memref<!tpu.dma_semaphore, #tpu.memory_space<semaphore_mem>>) src(%arg10 : memref<160x64xf32, #tpu.memory_space<vmem>>) dst(%dma_wait3A_221 : memref<10016x64xf32, #tpu.memory_space<vmem_shared>>)
      } else {
      }
      %barrier3A_177 = arith.constant 0 : index
      tpu.barrier barrier_id(%barrier3A_177)
      %eq3A_178 = arith.constant 11 : i32
      %eq3A_179 = arith.cmpi eq, %arg1, %eq3A_178 : i32
      %convert_element_type3A_180 = arith.extui %eq3A_179 : i1 to i32
      %cond3A_181 = arith.constant 0 : i32
      %cond3A_182 = arith.cmpi ne, %convert_element_type3A_180, %cond3A_181 : i32
      scf.if %cond3A_182 {
        %dma_start3A_208 = arith.constant 0 : i32
        %dma_start3A_209 = arith.constant 0 : i32
        %dma_start3A_210 = tpu.memref_slice %arg12[%dma_start3A_208, %dma_start3A_209] : memref<1x160xi32, #tpu.memory_space<vmem>> -> memref<1x160xi32, #tpu.memory_space<vmem>>
        %dma_start3A_211 = tpu.memref_squeeze %dma_start3A_210 : memref<1x160xi32, #tpu.memory_space<vmem>> -> memref<160xi32, #tpu.memory_space<vmem>>
        %dma_start3A_212 = arith.constant 0 : i32
        %dma_start3A_213 = arith.constant 0 : i32
        %dma_start3A_214 = tpu.memref_slice %arg14[%dma_start3A_212, %dma_start3A_213] : memref<10016x64xf32, #tpu.memory_space<vmem_shared>> -> memref<10016x64xf32, #tpu.memory_space<vmem_shared>>
        tpu.enqueue_indirect_dma source(%arg10 : memref<160x64xf32, #tpu.memory_space<vmem>>) target(%dma_start3A_214 : memref<10016x64xf32, #tpu.memory_space<vmem_shared>>) offsets(%dma_start3A_211 : memref<160xi32, #tpu.memory_space<vmem>>) semaphore(%arg17 : memref<!tpu.dma_semaphore, #tpu.memory_space<semaphore_mem>>) {add = true}
        %dma_wait3A_215 = arith.constant 0 : i32
        %dma_wait3A_216 = arith.constant 0 : i32
        %dma_wait3A_217 = tpu.memref_slice %arg12[%dma_wait3A_215, %dma_wait3A_216] : memref<1x160xi32, #tpu.memory_space<vmem>> -> memref<1x160xi32, #tpu.memory_space<vmem>>
        %dma_wait3A_218 = tpu.memref_squeeze %dma_wait3A_217 : memref<1x160xi32, #tpu.memory_space<vmem>> -> memref<160xi32, #tpu.memory_space<vmem>>
        %dma_wait3A_219 = arith.constant 0 : i32
        %dma_wait3A_220 = arith.constant 0 : i32
        %dma_wait3A_221 = tpu.memref_slice %arg14[%dma_wait3A_219, %dma_wait3A_220] : memref<10016x64xf32, #tpu.memory_space<vmem_shared>> -> memref<10016x64xf32, #tpu.memory_space<vmem_shared>>
        tpu.wait_indirect_dma semaphore(%arg17 : memref<!tpu.dma_semaphore, #tpu.memory_space<semaphore_mem>>) src(%arg10 : memref<160x64xf32, #tpu.memory_space<vmem>>) dst(%dma_wait3A_221 : memref<10016x64xf32, #tpu.memory_space<vmem_shared>>)
      } else {
      }
      %barrier3A_183 = arith.constant 0 : index
      tpu.barrier barrier_id(%barrier3A_183)
      %eq3A_184 = arith.constant 12 : i32
      %eq3A_185 = arith.cmpi eq, %arg1, %eq3A_184 : i32
      %convert_element_type3A_186 = arith.extui %eq3A_185 : i1 to i32
      %cond3A_187 = arith.constant 0 : i32
      %cond3A_188 = arith.cmpi ne, %convert_element_type3A_186, %cond3A_187 : i32
      scf.if %cond3A_188 {
        %dma_start3A_208 = arith.constant 0 : i32
        %dma_start3A_209 = arith.constant 0 : i32
        %dma_start3A_210 = tpu.memref_slice %arg12[%dma_start3A_208, %dma_start3A_209] : memref<1x160xi32, #tpu.memory_space<vmem>> -> memref<1x160xi32, #tpu.memory_space<vmem>>
        %dma_start3A_211 = tpu.memref_squeeze %dma_start3A_210 : memref<1x160xi32, #tpu.memory_space<vmem>> -> memref<160xi32, #tpu.memory_space<vmem>>
        %dma_start3A_212 = arith.constant 0 : i32
        %dma_start3A_213 = arith.constant 0 : i32
        %dma_start3A_214 = tpu.memref_slice %arg14[%dma_start3A_212, %dma_start3A_213] : memref<10016x64xf32, #tpu.memory_space<vmem_shared>> -> memref<10016x64xf32, #tpu.memory_space<vmem_shared>>
        tpu.enqueue_indirect_dma source(%arg10 : memref<160x64xf32, #tpu.memory_space<vmem>>) target(%dma_start3A_214 : memref<10016x64xf32, #tpu.memory_space<vmem_shared>>) offsets(%dma_start3A_211 : memref<160xi32, #tpu.memory_space<vmem>>) semaphore(%arg17 : memref<!tpu.dma_semaphore, #tpu.memory_space<semaphore_mem>>) {add = true}
        %dma_wait3A_215 = arith.constant 0 : i32
        %dma_wait3A_216 = arith.constant 0 : i32
        %dma_wait3A_217 = tpu.memref_slice %arg12[%dma_wait3A_215, %dma_wait3A_216] : memref<1x160xi32, #tpu.memory_space<vmem>> -> memref<1x160xi32, #tpu.memory_space<vmem>>
        %dma_wait3A_218 = tpu.memref_squeeze %dma_wait3A_217 : memref<1x160xi32, #tpu.memory_space<vmem>> -> memref<160xi32, #tpu.memory_space<vmem>>
        %dma_wait3A_219 = arith.constant 0 : i32
        %dma_wait3A_220 = arith.constant 0 : i32
        %dma_wait3A_221 = tpu.memref_slice %arg14[%dma_wait3A_219, %dma_wait3A_220] : memref<10016x64xf32, #tpu.memory_space<vmem_shared>> -> memref<10016x64xf32, #tpu.memory_space<vmem_shared>>
        tpu.wait_indirect_dma semaphore(%arg17 : memref<!tpu.dma_semaphore, #tpu.memory_space<semaphore_mem>>) src(%arg10 : memref<160x64xf32, #tpu.memory_space<vmem>>) dst(%dma_wait3A_221 : memref<10016x64xf32, #tpu.memory_space<vmem_shared>>)
      } else {
      }
      %barrier3A_189 = arith.constant 0 : index
      tpu.barrier barrier_id(%barrier3A_189)
      %eq3A_190 = arith.constant 13 : i32
      %eq3A_191 = arith.cmpi eq, %arg1, %eq3A_190 : i32
      %convert_element_type3A_192 = arith.extui %eq3A_191 : i1 to i32
      %cond3A_193 = arith.constant 0 : i32
      %cond3A_194 = arith.cmpi ne, %convert_element_type3A_192, %cond3A_193 : i32
      scf.if %cond3A_194 {
        %dma_start3A_208 = arith.constant 0 : i32
        %dma_start3A_209 = arith.constant 0 : i32
        %dma_start3A_210 = tpu.memref_slice %arg12[%dma_start3A_208, %dma_start3A_209] : memref<1x160xi32, #tpu.memory_space<vmem>> -> memref<1x160xi32, #tpu.memory_space<vmem>>
        %dma_start3A_211 = tpu.memref_squeeze %dma_start3A_210 : memref<1x160xi32, #tpu.memory_space<vmem>> -> memref<160xi32, #tpu.memory_space<vmem>>
        %dma_start3A_212 = arith.constant 0 : i32
        %dma_start3A_213 = arith.constant 0 : i32
        %dma_start3A_214 = tpu.memref_slice %arg14[%dma_start3A_212, %dma_start3A_213] : memref<10016x64xf32, #tpu.memory_space<vmem_shared>> -> memref<10016x64xf32, #tpu.memory_space<vmem_shared>>
        tpu.enqueue_indirect_dma source(%arg10 : memref<160x64xf32, #tpu.memory_space<vmem>>) target(%dma_start3A_214 : memref<10016x64xf32, #tpu.memory_space<vmem_shared>>) offsets(%dma_start3A_211 : memref<160xi32, #tpu.memory_space<vmem>>) semaphore(%arg17 : memref<!tpu.dma_semaphore, #tpu.memory_space<semaphore_mem>>) {add = true}
        %dma_wait3A_215 = arith.constant 0 : i32
        %dma_wait3A_216 = arith.constant 0 : i32
        %dma_wait3A_217 = tpu.memref_slice %arg12[%dma_wait3A_215, %dma_wait3A_216] : memref<1x160xi32, #tpu.memory_space<vmem>> -> memref<1x160xi32, #tpu.memory_space<vmem>>
        %dma_wait3A_218 = tpu.memref_squeeze %dma_wait3A_217 : memref<1x160xi32, #tpu.memory_space<vmem>> -> memref<160xi32, #tpu.memory_space<vmem>>
        %dma_wait3A_219 = arith.constant 0 : i32
        %dma_wait3A_220 = arith.constant 0 : i32
        %dma_wait3A_221 = tpu.memref_slice %arg14[%dma_wait3A_219, %dma_wait3A_220] : memref<10016x64xf32, #tpu.memory_space<vmem_shared>> -> memref<10016x64xf32, #tpu.memory_space<vmem_shared>>
        tpu.wait_indirect_dma semaphore(%arg17 : memref<!tpu.dma_semaphore, #tpu.memory_space<semaphore_mem>>) src(%arg10 : memref<160x64xf32, #tpu.memory_space<vmem>>) dst(%dma_wait3A_221 : memref<10016x64xf32, #tpu.memory_space<vmem_shared>>)
      } else {
      }
      %barrier3A_195 = arith.constant 0 : index
      tpu.barrier barrier_id(%barrier3A_195)
      %eq3A_196 = arith.constant 14 : i32
      %eq3A_197 = arith.cmpi eq, %arg1, %eq3A_196 : i32
      %convert_element_type3A_198 = arith.extui %eq3A_197 : i1 to i32
      %cond3A_199 = arith.constant 0 : i32
      %cond3A_200 = arith.cmpi ne, %convert_element_type3A_198, %cond3A_199 : i32
      scf.if %cond3A_200 {
        %dma_start3A_208 = arith.constant 0 : i32
        %dma_start3A_209 = arith.constant 0 : i32
        %dma_start3A_210 = tpu.memref_slice %arg12[%dma_start3A_208, %dma_start3A_209] : memref<1x160xi32, #tpu.memory_space<vmem>> -> memref<1x160xi32, #tpu.memory_space<vmem>>
        %dma_start3A_211 = tpu.memref_squeeze %dma_start3A_210 : memref<1x160xi32, #tpu.memory_space<vmem>> -> memref<160xi32, #tpu.memory_space<vmem>>
        %dma_start3A_212 = arith.constant 0 : i32
        %dma_start3A_213 = arith.constant 0 : i32
        %dma_start3A_214 = tpu.memref_slice %arg14[%dma_start3A_212, %dma_start3A_213] : memref<10016x64xf32, #tpu.memory_space<vmem_shared>> -> memref<10016x64xf32, #tpu.memory_space<vmem_shared>>
        tpu.enqueue_indirect_dma source(%arg10 : memref<160x64xf32, #tpu.memory_space<vmem>>) target(%dma_start3A_214 : memref<10016x64xf32, #tpu.memory_space<vmem_shared>>) offsets(%dma_start3A_211 : memref<160xi32, #tpu.memory_space<vmem>>) semaphore(%arg17 : memref<!tpu.dma_semaphore, #tpu.memory_space<semaphore_mem>>) {add = true}
        %dma_wait3A_215 = arith.constant 0 : i32
        %dma_wait3A_216 = arith.constant 0 : i32
        %dma_wait3A_217 = tpu.memref_slice %arg12[%dma_wait3A_215, %dma_wait3A_216] : memref<1x160xi32, #tpu.memory_space<vmem>> -> memref<1x160xi32, #tpu.memory_space<vmem>>
        %dma_wait3A_218 = tpu.memref_squeeze %dma_wait3A_217 : memref<1x160xi32, #tpu.memory_space<vmem>> -> memref<160xi32, #tpu.memory_space<vmem>>
        %dma_wait3A_219 = arith.constant 0 : i32
        %dma_wait3A_220 = arith.constant 0 : i32
        %dma_wait3A_221 = tpu.memref_slice %arg14[%dma_wait3A_219, %dma_wait3A_220] : memref<10016x64xf32, #tpu.memory_space<vmem_shared>> -> memref<10016x64xf32, #tpu.memory_space<vmem_shared>>
        tpu.wait_indirect_dma semaphore(%arg17 : memref<!tpu.dma_semaphore, #tpu.memory_space<semaphore_mem>>) src(%arg10 : memref<160x64xf32, #tpu.memory_space<vmem>>) dst(%dma_wait3A_221 : memref<10016x64xf32, #tpu.memory_space<vmem_shared>>)
      } else {
      }
      %barrier3A_201 = arith.constant 0 : index
      tpu.barrier barrier_id(%barrier3A_201)
      %eq3A_202 = arith.constant 15 : i32
      %eq3A_203 = arith.cmpi eq, %arg1, %eq3A_202 : i32
      %convert_element_type3A_204 = arith.extui %eq3A_203 : i1 to i32
      %cond3A_205 = arith.constant 0 : i32
      %cond3A_206 = arith.cmpi ne, %convert_element_type3A_204, %cond3A_205 : i32
      scf.if %cond3A_206 {
        %dma_start3A_208 = arith.constant 0 : i32
        %dma_start3A_209 = arith.constant 0 : i32
        %dma_start3A_210 = tpu.memref_slice %arg12[%dma_start3A_208, %dma_start3A_209] : memref<1x160xi32, #tpu.memory_space<vmem>> -> memref<1x160xi32, #tpu.memory_space<vmem>>
        %dma_start3A_211 = tpu.memref_squeeze %dma_start3A_210 : memref<1x160xi32, #tpu.memory_space<vmem>> -> memref<160xi32, #tpu.memory_space<vmem>>
        %dma_start3A_212 = arith.constant 0 : i32
        %dma_start3A_213 = arith.constant 0 : i32
        %dma_start3A_214 = tpu.memref_slice %arg14[%dma_start3A_212, %dma_start3A_213] : memref<10016x64xf32, #tpu.memory_space<vmem_shared>> -> memref<10016x64xf32, #tpu.memory_space<vmem_shared>>
        tpu.enqueue_indirect_dma source(%arg10 : memref<160x64xf32, #tpu.memory_space<vmem>>) target(%dma_start3A_214 : memref<10016x64xf32, #tpu.memory_space<vmem_shared>>) offsets(%dma_start3A_211 : memref<160xi32, #tpu.memory_space<vmem>>) semaphore(%arg17 : memref<!tpu.dma_semaphore, #tpu.memory_space<semaphore_mem>>) {add = true}
        %dma_wait3A_215 = arith.constant 0 : i32
        %dma_wait3A_216 = arith.constant 0 : i32
        %dma_wait3A_217 = tpu.memref_slice %arg12[%dma_wait3A_215, %dma_wait3A_216] : memref<1x160xi32, #tpu.memory_space<vmem>> -> memref<1x160xi32, #tpu.memory_space<vmem>>
        %dma_wait3A_218 = tpu.memref_squeeze %dma_wait3A_217 : memref<1x160xi32, #tpu.memory_space<vmem>> -> memref<160xi32, #tpu.memory_space<vmem>>
        %dma_wait3A_219 = arith.constant 0 : i32
        %dma_wait3A_220 = arith.constant 0 : i32
        %dma_wait3A_221 = tpu.memref_slice %arg14[%dma_wait3A_219, %dma_wait3A_220] : memref<10016x64xf32, #tpu.memory_space<vmem_shared>> -> memref<10016x64xf32, #tpu.memory_space<vmem_shared>>
        tpu.wait_indirect_dma semaphore(%arg17 : memref<!tpu.dma_semaphore, #tpu.memory_space<semaphore_mem>>) src(%arg10 : memref<160x64xf32, #tpu.memory_space<vmem>>) dst(%dma_wait3A_221 : memref<10016x64xf32, #tpu.memory_space<vmem_shared>>)
      } else {
      }
      %barrier3A_207 = arith.constant 0 : index
      tpu.barrier barrier_id(%barrier3A_207)
    }
    %scan3A_55 = arith.constant 125 : i32
    %barrier3A_56 = arith.constant 0 : index
    tpu.barrier barrier_id(%barrier3A_56)
    %mul3A_57 = arith.constant 624 : i32
    %mul3A_58 = arith.muli %arg1, %mul3A_57 : i32
    %mul3A_59 = arith.constant 624 : i32
    %mul3A_60 = arith.muli %arg1, %mul3A_59 : i32
    %dma_start3A_61 = arith.constant 0 : i32
    %dma_start3A_62 = tpu.memref_slice %arg7[%arg0, %mul3A_60, %dma_start3A_61] : memref<2x10000x64xf32, #tpu.memory_space<hbm>> -> memref<1x624x64xf32, #tpu.memory_space<hbm>>
    %dma_start3A_63 = tpu.memref_squeeze %dma_start3A_62 : memref<1x624x64xf32, #tpu.memory_space<hbm>> -> memref<624x64xf32, #tpu.memory_space<hbm>>
    %dma_start3A_64 = arith.constant 0 : i32
    %dma_start3A_65 = tpu.memref_slice %arg14[%mul3A_58, %dma_start3A_64] : memref<10016x64xf32, #tpu.memory_space<vmem_shared>> -> memref<624x64xf32, #tpu.memory_space<vmem_shared>>
    tpu.enqueue_dma source(%dma_start3A_65 : memref<624x64xf32, #tpu.memory_space<vmem_shared>>) target(%dma_start3A_63 : memref<624x64xf32, #tpu.memory_space<hbm>>) target_semaphore(%arg15 : memref<!tpu.dma_semaphore, #tpu.memory_space<semaphore_mem>>)
    %dma_wait3A_66 = arith.constant 0 : i32
    %dma_wait3A_67 = tpu.memref_slice %arg7[%arg0, %mul3A_60, %dma_wait3A_66] : memref<2x10000x64xf32, #tpu.memory_space<hbm>> -> memref<1x624x64xf32, #tpu.memory_space<hbm>>
    %dma_wait3A_68 = tpu.memref_squeeze %dma_wait3A_67 : memref<1x624x64xf32, #tpu.memory_space<hbm>> -> memref<624x64xf32, #tpu.memory_space<hbm>>
    %dma_wait3A_69 = arith.constant 0 : i32
    %dma_wait3A_70 = tpu.memref_slice %arg14[%mul3A_58, %dma_wait3A_69] : memref<10016x64xf32, #tpu.memory_space<vmem_shared>> -> memref<624x64xf32, #tpu.memory_space<vmem_shared>>
    tpu.wait_dma2 semaphore(%arg15 : memref<!tpu.dma_semaphore, #tpu.memory_space<semaphore_mem>>) src(%dma_wait3A_70 : memref<624x64xf32, #tpu.memory_space<vmem_shared>>) dst(%dma_wait3A_68 : memref<624x64xf32, #tpu.memory_space<hbm>>)
    %eq3A_71 = arith.constant 15 : i32
    %eq3A_72 = arith.cmpi eq, %arg1, %eq3A_71 : i32
    %convert_element_type3A_73 = arith.extui %eq3A_72 : i1 to i32
    %cond3A_74 = arith.constant 0 : i32
    %cond3A_75 = arith.cmpi ne, %convert_element_type3A_73, %cond3A_74 : i32
    scf.if %cond3A_75 {
      %dma_start3A_76 = arith.constant 9984 : i32
      %dma_start3A_77 = arith.constant 0 : i32
      %dma_start3A_78 = tpu.memref_slice %arg7[%arg0, %dma_start3A_76, %dma_start3A_77] : memref<2x10000x64xf32, #tpu.memory_space<hbm>> -> memref<1x16x64xf32, #tpu.memory_space<hbm>>
      %dma_start3A_79 = tpu.memref_squeeze %dma_start3A_78 : memref<1x16x64xf32, #tpu.memory_space<hbm>> -> memref<16x64xf32, #tpu.memory_space<hbm>>
      %dma_start3A_80 = arith.constant 9984 : i32
      %dma_start3A_81 = arith.constant 0 : i32
      %dma_start3A_82 = tpu.memref_slice %arg14[%dma_start3A_80, %dma_start3A_81] : memref<10016x64xf32, #tpu.memory_space<vmem_shared>> -> memref<16x64xf32, #tpu.memory_space<vmem_shared>>
      tpu.enqueue_dma source(%dma_start3A_82 : memref<16x64xf32, #tpu.memory_space<vmem_shared>>) target(%dma_start3A_79 : memref<16x64xf32, #tpu.memory_space<hbm>>) target_semaphore(%arg15 : memref<!tpu.dma_semaphore, #tpu.memory_space<semaphore_mem>>)
      %dma_wait3A_83 = arith.constant 9984 : i32
      %dma_wait3A_84 = arith.constant 0 : i32
      %dma_wait3A_85 = tpu.memref_slice %arg7[%arg0, %dma_wait3A_83, %dma_wait3A_84] : memref<2x10000x64xf32, #tpu.memory_space<hbm>> -> memref<1x16x64xf32, #tpu.memory_space<hbm>>
      %dma_wait3A_86 = tpu.memref_squeeze %dma_wait3A_85 : memref<1x16x64xf32, #tpu.memory_space<hbm>> -> memref<16x64xf32, #tpu.memory_space<hbm>>
      %dma_wait3A_87 = arith.constant 9984 : i32
      %dma_wait3A_88 = arith.constant 0 : i32
      %dma_wait3A_89 = tpu.memref_slice %arg14[%dma_wait3A_87, %dma_wait3A_88] : memref<10016x64xf32, #tpu.memory_space<vmem_shared>> -> memref<16x64xf32, #tpu.memory_space<vmem_shared>>
      tpu.wait_dma2 semaphore(%arg15 : memref<!tpu.dma_semaphore, #tpu.memory_space<semaphore_mem>>) src(%dma_wait3A_89 : memref<16x64xf32, #tpu.memory_space<vmem_shared>>) dst(%dma_wait3A_86 : memref<16x64xf32, #tpu.memory_space<hbm>>)
    } else {
    }
    return
  }
}

module attributes {stable_mosaic.version = 14 : i64} {
  func.func @_mm1_body(%arg0: memref<32x1x10000xf32, #tpu.memory_space<vmem>>, %arg1: memref<32x1x10000xf32, #tpu.memory_space<vmem>>, %arg2: memref<10000x128xf32, #tpu.memory_space<vmem>>, %arg3: memref<10000x64xf32, #tpu.memory_space<vmem>>, %arg4: memref<10000x64xf32, #tpu.memory_space<vmem>>, %arg5: memref<1x10000xf32, #tpu.memory_space<vmem>>, %arg6: memref<1x10000xf32, #tpu.memory_space<vmem>>) attributes {dimension_semantics = [], scalar_prefetch = 0 : i64, scratch_operands = 0 : i64, tpu.core_type = #tpu.core_type<tc>} {
    %get3A = arith.constant 0 : index
    %get3A_0 = arith.constant 0 : index
    %get3A_1 = arith.constant 0 : index
    %get3A_2 = vector.load %arg0[%get3A, %get3A_0, %get3A_1] : memref<32x1x10000xf32, #tpu.memory_space<vmem>>, vector<32x1x10000xf32>
    %reduce_sum3A = arith.constant dense<0.000000e+00> : vector<10000xf32>
    %reduce_sum3A_3 = vector.multi_reduction <add>, %get3A_2, %reduce_sum3A [0, 1] : vector<32x1x10000xf32> to vector<10000xf32>
    %get3A_4 = arith.constant 0 : index
    %get3A_5 = arith.constant 0 : index
    %get3A_6 = arith.constant 0 : index
    %get3A_7 = vector.load %arg1[%get3A_4, %get3A_5, %get3A_6] : memref<32x1x10000xf32, #tpu.memory_space<vmem>>, vector<32x1x10000xf32>
    %reduce_sum3A_8 = arith.constant dense<0.000000e+00> : vector<10000xf32>
    %reduce_sum3A_9 = vector.multi_reduction <add>, %get3A_7, %reduce_sum3A_8 [0, 1] : vector<32x1x10000xf32> to vector<10000xf32>
    %max3A = arith.constant 1.000000e+00 : f32
    %max3A_10 = vector.broadcast %max3A : f32 to vector<10000xf32>
    %max3A_11 = arith.maximumf %reduce_sum3A_3, %max3A_10 : vector<10000xf32>
    %sqrt3A = math.sqrt %max3A_11 : vector<10000xf32>
    %div3A = arith.constant 1.000000e+00 : f32
    %div3A_12 = vector.broadcast %div3A : f32 to vector<10000xf32>
    %div3A_13 = arith.divf %div3A_12, %sqrt3A : vector<10000xf32>
    %max3A_14 = arith.constant 1.000000e+00 : f32
    %max3A_15 = vector.broadcast %max3A_14 : f32 to vector<10000xf32>
    %max3A_16 = arith.maximumf %reduce_sum3A_9, %max3A_15 : vector<10000xf32>
    %sqrt3A_17 = math.sqrt %max3A_16 : vector<10000xf32>
    %div3A_18 = arith.constant 1.000000e+00 : f32
    %div3A_19 = vector.broadcast %div3A_18 : f32 to vector<10000xf32>
    %div3A_20 = arith.divf %div3A_19, %sqrt3A_17 : vector<10000xf32>
    %broadcast_in_dim3A = vector.shape_cast %div3A_13 : vector<10000xf32> to vector<1x10000xf32>
    %swap3A = arith.constant 0 : index
    %swap3A_21 = arith.constant 0 : index
    %swap3A_22 = vector.load %arg5[%swap3A, %swap3A_21] : memref<1x10000xf32, #tpu.memory_space<vmem>>, vector<1x10000xf32>
    tpu.vector_store %arg5[%swap3A, %swap3A_21], %broadcast_in_dim3A {strides = array<i32>} : memref<1x10000xf32, #tpu.memory_space<vmem>>, vector<1x10000xf32>,
    %broadcast_in_dim3A_23 = vector.shape_cast %div3A_20 : vector<10000xf32> to vector<1x10000xf32>
    %swap3A_24 = arith.constant 0 : index
    %swap3A_25 = arith.constant 0 : index
    %swap3A_26 = vector.load %arg6[%swap3A_24, %swap3A_25] : memref<1x10000xf32, #tpu.memory_space<vmem>>, vector<1x10000xf32>
    tpu.vector_store %arg6[%swap3A_24, %swap3A_25], %broadcast_in_dim3A_23 {strides = array<i32>} : memref<1x10000xf32, #tpu.memory_space<vmem>>, vector<1x10000xf32>,
    %get3A_27 = arith.constant 0 : index
    %get3A_28 = arith.constant 0 : index
    %get3A_29 = vector.load %arg2[%get3A_27, %get3A_28] : memref<10000x128xf32, #tpu.memory_space<vmem>>, vector<10000x128xf32>
    %broadcast_in_dim3A_30 = vector.shape_cast %div3A_13 : vector<10000xf32> to vector<10000x1xf32>
    %mul3A = vector.broadcast %broadcast_in_dim3A_30 : vector<10000x1xf32> to vector<10000x128xf32>
    %mul3A_31 = arith.mulf %get3A_29, %mul3A : vector<10000x128xf32>
    %slice3A = vector.extract_strided_slice %mul3A_31 {offsets = [0, 0], sizes = [10000, 64], strides = [1, 1]} : vector<10000x128xf32> to vector<10000x64xf32>
    %swap3A_32 = arith.constant 0 : index
    %swap3A_33 = arith.constant 0 : index
    %swap3A_34 = vector.load %arg3[%swap3A_32, %swap3A_33] : memref<10000x64xf32, #tpu.memory_space<vmem>>, vector<10000x64xf32>
    tpu.vector_store %arg3[%swap3A_32, %swap3A_33], %slice3A {strides = array<i32>} : memref<10000x64xf32, #tpu.memory_space<vmem>>, vector<10000x64xf32>,
    %slice3A_35 = vector.extract_strided_slice %mul3A_31 {offsets = [0, 64], sizes = [10000, 64], strides = [1, 1]} : vector<10000x128xf32> to vector<10000x64xf32>
    %swap3A_36 = arith.constant 0 : index
    %swap3A_37 = arith.constant 0 : index
    %swap3A_38 = vector.load %arg4[%swap3A_36, %swap3A_37] : memref<10000x64xf32, #tpu.memory_space<vmem>>, vector<10000x64xf32>
    tpu.vector_store %arg4[%swap3A_36, %swap3A_37], %slice3A_35 {strides = array<i32>} : memref<10000x64xf32, #tpu.memory_space<vmem>>, vector<10000x64xf32>,
    return
  }
}

module attributes {stable_mosaic.version = 14 : i64} {
  func.func @_mm0_body(%arg0: memref<10000x128xf32, #tpu.memory_space<vmem>>, %arg1: memref<128x128xf32, #tpu.memory_space<vmem>>, %arg2: memref<10000x128xf32, #tpu.memory_space<vmem>>) attributes {dimension_semantics = [], scalar_prefetch = 0 : i64, scratch_operands = 0 : i64, tpu.core_type = #tpu.core_type<tc>} {
    %get3A = arith.constant 0 : index
    %get3A_0 = arith.constant 0 : index
    %get3A_1 = vector.load %arg0[%get3A, %get3A_0] : memref<10000x128xf32, #tpu.memory_space<vmem>>, vector<10000x128xf32>
    %get3A_2 = arith.constant 0 : index
    %get3A_3 = arith.constant 0 : index
    %get3A_4 = vector.load %arg1[%get3A_2, %get3A_3] : memref<128x128xf32, #tpu.memory_space<vmem>>, vector<128x128xf32>
    %dot_general3A = arith.constant dense<0.000000e+00> : vector<10000x128xf32>
    %dot_general3A_5 = tpu.matmul %get3A_1, %get3A_4, %dot_general3A {dimension_numbers = #tpu.dot_dimension_numbers<[1], [0], [0], [1], [0, 0, 1, 1], [], []>, precision = #tpu.contract_precision<fp32>, transpose_lhs_hint = false} : vector<10000x128xf32>, vector<128x128xf32>, vector<10000x128xf32> -> vector<10000x128xf32>
    %swap3A = arith.constant 0 : index
    %swap3A_6 = arith.constant 0 : index
    %swap3A_7 = vector.load %arg2[%swap3A, %swap3A_6] : memref<10000x128xf32, #tpu.memory_space<vmem>>, vector<10000x128xf32>
    tpu.vector_store %arg2[%swap3A, %swap3A_6], %dot_general3A_5 {strides = array<i32>} : memref<10000x128xf32, #tpu.memory_space<vmem>>, vector<10000x128xf32>,
    return
  }
}

module attributes {stable_mosaic.version = 14 : i64} {
  func.func @_mid_body(%arg0: memref<2x10000x64xf32, #tpu.memory_space<vmem>>, %arg1: memref<1x10000xf32, #tpu.memory_space<vmem>>, %arg2: memref<1x10000xf32, #tpu.memory_space<vmem>>, %arg3: memref<1x128xf32, #tpu.memory_space<vmem>>, %arg4: memref<128x1xf32, #tpu.memory_space<vmem>>, %arg5: memref<1x10000xf32, #tpu.memory_space<vmem>>) attributes {dimension_semantics = [], scalar_prefetch = 0 : i64, scratch_operands = 0 : i64, tpu.core_type = #tpu.core_type<tc>} {
    %get3A = arith.constant 0 : index
    %get3A_0 = arith.constant 0 : index
    %get3A_1 = arith.constant 0 : index
    %get3A_2 = vector.load %arg0[%get3A, %get3A_0, %get3A_1] : memref<2x10000x64xf32, #tpu.memory_space<vmem>>, vector<1x10000x64xf32>
    %get3A_3 = vector.shape_cast %get3A_2 : vector<1x10000x64xf32> to vector<10000x64xf32>
    %get3A_4 = arith.constant 1 : index
    %get3A_5 = arith.constant 0 : index
    %get3A_6 = arith.constant 0 : index
    %get3A_7 = vector.load %arg0[%get3A_4, %get3A_5, %get3A_6] : memref<2x10000x64xf32, #tpu.memory_space<vmem>>, vector<1x10000x64xf32>
    %get3A_8 = vector.shape_cast %get3A_7 : vector<1x10000x64xf32> to vector<10000x64xf32>
    %concatenate3A = tpu.concatenate %get3A_3, %get3A_8 in 1 : vector<10000x64xf32>, vector<10000x64xf32> -> vector<10000x128xf32>
    %get3A_9 = arith.constant 0 : index
    %get3A_10 = arith.constant 0 : index
    %get3A_11 = vector.load %arg2[%get3A_9, %get3A_10] : memref<1x10000xf32, #tpu.memory_space<vmem>>, vector<1x10000xf32>
    %get3A_12 = vector.shape_cast %get3A_11 : vector<1x10000xf32> to vector<10000xf32>
    %broadcast_in_dim3A = vector.shape_cast %get3A_12 : vector<10000xf32> to vector<10000x1xf32>
    %mul3A = vector.broadcast %broadcast_in_dim3A : vector<10000x1xf32> to vector<10000x128xf32>
    %mul3A_13 = arith.mulf %concatenate3A, %mul3A : vector<10000x128xf32>
    %get3A_14 = arith.constant 0 : index
    %get3A_15 = arith.constant 0 : index
    %get3A_16 = vector.load %arg3[%get3A_14, %get3A_15] : memref<1x128xf32, #tpu.memory_space<vmem>>, vector<1x128xf32>
    %add3A = vector.broadcast %get3A_16 : vector<1x128xf32> to vector<10000x128xf32>
    %add3A_17 = arith.addf %mul3A_13, %add3A : vector<10000x128xf32>
    %max3A = arith.constant 0.000000e+00 : f32
    %max3A_18 = vector.broadcast %max3A : f32 to vector<10000x128xf32>
    %max3A_19 = arith.maximumf %add3A_17, %max3A_18 : vector<10000x128xf32>
    %get3A_20 = arith.constant 0 : index
    %get3A_21 = arith.constant 0 : index
    %get3A_22 = vector.load %arg4[%get3A_20, %get3A_21] : memref<128x1xf32, #tpu.memory_space<vmem>>, vector<128x1xf32>
    %dot_general3A = arith.constant dense<0.000000e+00> : vector<10000x1xf32>
    %dot_general3A_23 = tpu.matmul %max3A_19, %get3A_22, %dot_general3A {dimension_numbers = #tpu.dot_dimension_numbers<[1], [0], [0], [1], [0, 0, 1, 1], [], []>, transpose_lhs_hint = false} : vector<10000x128xf32>, vector<128x1xf32>, vector<10000x1xf32> -> vector<10000x1xf32>
    %squeeze3A = vector.shape_cast %dot_general3A_23 : vector<10000x1xf32> to vector<10000xf32>
    %get3A_24 = arith.constant 0 : index
    %get3A_25 = arith.constant 0 : index
    %get3A_26 = vector.load %arg1[%get3A_24, %get3A_25] : memref<1x10000xf32, #tpu.memory_space<vmem>>, vector<1x10000xf32>
    %get3A_27 = vector.shape_cast %get3A_26 : vector<1x10000xf32> to vector<10000xf32>
    %mul3A_28 = arith.mulf %squeeze3A, %get3A_27 : vector<10000xf32>
    %broadcast_in_dim3A_29 = vector.shape_cast %mul3A_28 : vector<10000xf32> to vector<1x10000xf32>
    %swap3A = arith.constant 0 : index
    %swap3A_30 = arith.constant 0 : index
    %swap3A_31 = vector.load %arg5[%swap3A, %swap3A_30] : memref<1x10000xf32, #tpu.memory_space<vmem>>, vector<1x10000xf32>
    tpu.vector_store %arg5[%swap3A, %swap3A_30], %broadcast_in_dim3A_29 {strides = array<i32>} : memref<1x10000xf32, #tpu.memory_space<vmem>>, vector<1x10000xf32>,
    return
  }
}

module attributes {stable_mosaic.version = 14 : i64} {
  func.func @_final_body(%arg0: memref<32x1x10000xf32, #tpu.memory_space<vmem>>, %arg1: memref<1x10000xf32, #tpu.memory_space<vmem>>, %arg2: memref<1x1xf32, #tpu.memory_space<vmem>>, %arg3: memref<1x1xf32, #tpu.memory_space<vmem>>) attributes {dimension_semantics = [], scalar_prefetch = 0 : i64, scratch_operands = 0 : i64, tpu.core_type = #tpu.core_type<tc>} {
    %get3A = arith.constant 0 : index
    %get3A_0 = arith.constant 0 : index
    %get3A_1 = arith.constant 0 : index
    %get3A_2 = vector.load %arg0[%get3A, %get3A_0, %get3A_1] : memref<32x1x10000xf32, #tpu.memory_space<vmem>>, vector<32x1x10000xf32>
    %reduce_sum3A = arith.constant dense<0.000000e+00> : vector<10000xf32>
    %reduce_sum3A_3 = vector.multi_reduction <add>, %get3A_2, %reduce_sum3A [0, 1] : vector<32x1x10000xf32> to vector<10000xf32>
    %get3A_4 = arith.constant 0 : index
    %get3A_5 = arith.constant 0 : index
    %get3A_6 = vector.load %arg1[%get3A_4, %get3A_5] : memref<1x10000xf32, #tpu.memory_space<vmem>>, vector<1x10000xf32>
    %get3A_7 = vector.shape_cast %get3A_6 : vector<1x10000xf32> to vector<10000xf32>
    %mul3A = arith.mulf %reduce_sum3A_3, %get3A_7 : vector<10000xf32>
    %reduce_sum3A_8 = vector.shape_cast %mul3A : vector<10000xf32> to vector<1x10000xf32>
    %reduce_sum3A_9 = arith.constant dense<0.000000e+00> : vector<1xf32>
    %reduce_sum3A_10 = vector.multi_reduction <add>, %reduce_sum3A_8, %reduce_sum3A_9 [1] : vector<1x10000xf32> to vector<1xf32>
    %reduce_sum3A_11 = vector.shape_cast %reduce_sum3A_10 : vector<1xf32> to vector<1x1xf32>
    %reduce_sum3A_12 = vector.extract %reduce_sum3A_11[0, 0] : f32 from vector<1x1xf32>
    %div3A = arith.constant 1.000000e+04 : f32
    %div3A_13 = arith.divf %reduce_sum3A_12, %div3A : f32
    %get3A_14 = arith.constant 0 : index
    %get3A_15 = arith.constant 0 : index
    %get3A_16 = vector.load %arg2[%get3A_14, %get3A_15] : memref<1x1xf32, #tpu.memory_space<vmem>>, vector<1x1xf32>
    %add3A = vector.broadcast %div3A_13 : f32 to vector<1x1xf32>
    %add3A_17 = arith.addf %add3A, %get3A_16 : vector<1x1xf32>
    %swap3A = arith.constant 0 : index
    %swap3A_18 = arith.constant 0 : index
    %swap3A_19 = vector.load %arg3[%swap3A, %swap3A_18] : memref<1x1xf32, #tpu.memory_space<vmem>>, vector<1x1xf32>
    tpu.vector_store %arg3[%swap3A, %swap3A_18], %add3A_17 {strides = array<i32>} : memref<1x1xf32, #tpu.memory_space<vmem>>, vector<1x1xf32>,
    return
  }
}

</mosaic_0001>

<sc_bundles>
// kernel: _gcn.12.cloned.1.call-start
scs
__scs_entry_jumppad:
0x0: {  	(pc) =	sbr.rel $0x88, $3  }
0x1: {  	(tag) =	ssettag $0x0;
	lr =	simm.s32 $0x1  }
0x2: {  	[smem:$0x3F9B] =	sst lr;
	_ =	strace $0xD0000000  }
0x3: {  	_ = 	snop  }
0x4: {  	_ = 	snop  }
0x5: {  	_ = 	snop  }
0x6: {  	_ = 	snop  }
0x7: {  	_ = 	snop  }
__scs_overlays_trampoline_lowered:
0x8: {  	[smem:$0x3FAA] =	sst s0  }
0x9: {  	[smem:$0x3FAB] =	sst s1  }
0xa: {  	[smem:$0x3FAC] =	sst s2  }
0xb: {  	[smem:$0x3FAD] =	sst s3  }
0xc: {  	[smem:$0x3FAE] =	sst s4  }
0xd: {  	[smem:$0x3FAF] =	sst s5  }
0xe: {  	[smem:$0x3FB0] =	sst s6  }
0xf: {  	[smem:$0x3FB1] =	sst s7  }
0x10: {  	[smem:$0x3FB2] =	sst s8  }
0x11: {  	[smem:$0x3FB3] =	sst s9;
	s0 =	simm.s32 @!p0 $0x0  }
0x12: {  	s1 =	sld [smem:$0x3F99];
	s0 =	simm.s32 @p0 $0x1  }
0x13: {  	[smem:$0x3FB4] =	sst s0;
	s0 =	simm.s32 @!p1 $0x0  }
0x14: {  	s2 =	sld [smem:$0x3F98];
	s0 =	simm.s32 @p1 $0x1  }
0x15: {  	[smem:$0x3FB5] =	sst s0;
	s0 =	simm.s32 @!p2 $0x0  }
0x16: {  	s3 =	sld [smem:$0x3FDB];
	s0 =	simm.s32 @p2 $0x1  }
0x17: {  	s4 =	simm.s32 $0x1BF5;
	[smem:$0x3FB7] =	sst s0  }
0x18: {  	s0 =	sld [smem:$0x3F9A];
	_ =	swait.ge [sflag:s4], $0x0  }
0x19: {  	s7 =	sld [smem:$0x3F9B]  }
0x1a: {  	s8 =	sadd.s32 $0xFFFFE003, lr  }
0x1b: {  	s9 =	sadd.s32 $0xFFFFFEF7, lr;
	s5 =	simm.s32 $0xFFFFFFFF;
	p2 =	slt.u32 s8, $0xFFFFF086  }
0x1c: {  	p1 =	slt.u32 s9, $0xF7A;
	s5 =	simm.s32 @!p2 $0x0  }
0x1d: {  	s5 =	simm.s32 @p1 $0x1;
	p0 =	seq.s32 s7, s2  }
0x1e: {  	s7 =	smul.u32 @!p0 $0xF7A, s2;
	p2 =	seq.s32 @!p0 s5, $0x0  }
0x1f: {  	s9 =	smul.u32 $0xF7A, s1;
	s8 =	simm.s32 @!p0 $0x1BF5;
	p2 =	por !p2, p0  }
0x20: {  	[sflag:s8] =	ssyncset.s32 @!p0 $0xFFFFF086;
	s6 =	sadd.s32 @!p0 s3, s7;
	s7 =	simm.s32 @!p0 $0x108  }
0x21: {  	s3 =	sadd.s32 s3, s9;
	s6 =	sadd.s32 @!p0 $0x88, s6;
	s7 =	simm.s32 @p2 $0x1082  }
0x22: {  	[simem:s7], [sflag:s8] =	dma.local @!p0 [hbm:s6], $0xF7A  }
0x23: {  	s9 =	sor.u32 $0xD0000000, s2;
	s6 =	simm.s32 $0x108;
	_ =	swait.ge @!p0 [sflag:s8], $0x0  }
0x24: {  	s3 =	sadd.s32 $0x88, s3;
	s6 =	simm.s32 @!p1 $0x1082;
	[sflag:s4] =	ssyncset.s32 $0xFFFFF086  }
0x25: {  	[simem:s6], [sflag:s4] =	dma.local [hbm:s3], $0xF7A  }
0x26: {  	[smem:$0x3F9B] =	sst s1;
	(tag) =	ssettag s2;
	_ =	strace s9  }
0x27: {  	s1 =	sld [smem:$0x3FAB]  }
0x28: {  	s2 =	sld [smem:$0x3FAC]  }
0x29: {  	s4 =	sld [smem:$0x3FAE]  }
0x2a: {  	p0 =	seq.s32 s5, $0x0;
	s5 =	sld [smem:$0x3FAF]  }
0x2b: {  	s6 =	sld [smem:$0x3FB0]  }
0x2c: {  	s7 =	sld [smem:$0x3FB1]  }
0x2d: {  	s3 =	simm.s32 $0x108;
	s8 =	sld [smem:$0x3FB2]  }
0x2e: {  	s3 =	simm.s32 @!p0 $0x1082;
	s9 =	sld [smem:$0x3FB3]  }
0x2f: {  	lr =	sadd.s32 s0, s3;
	s0 =	sld [smem:$0x3FAA]  }
0x30: {  	s3 =	sld [smem:$0x3FAD]  }
0x31: {  	[smem:$0x3FB6] =	sst s10  }
0x32: {  	s10 =	sld [smem:$0x3FB4];
	_ =	sdelay $0x3  }
0x33: {  	p0 =	seq.s32 s10, $0x1;
	s10 =	sld [smem:$0x3FB6];
	_ =	sdelay $0x3  }
0x34: {  	[smem:$0x3FB6] =	sst s10  }
0x35: {  	s10 =	sld [smem:$0x3FB5];
	_ =	sdelay $0x3  }
0x36: {  	p1 =	seq.s32 s10, $0x1;
	s10 =	sld [smem:$0x3FB6];
	_ =	sdelay $0x3  }
0x37: {  	[smem:$0x3FB6] =	sst s10  }
0x38: {  	s10 =	sld [smem:$0x3FB7]  }
0x39: {  	_ = 	snop;
	(pc) =	sbr.ind lr, $3  }
0x3a: {  	_ = 	snop  }
0x3b: {  	_ = 	snop  }
0x3c: {  	p2 =	seq.s32 s10, $0x1;
	s10 =	sld [smem:$0x3FB6]  }
0x3d: {  	_ =	shalt  }
0x3e: {  	_ =	shalt  }
0x3f: {  	_ =	shalt  }
0x40: {  	_ =	shalt  }
0x41: {  	_ =	shalt  }
0x42: {  	_ =	shalt  }
0x43: {  	_ =	shalt  }
0x44: {  	_ =	shalt  }
0x45: {  	_ =	shalt  }
0x46: {  	_ =	shalt  }
0x47: {  	_ =	shalt  }
0x48: {  	_ =	shalt  }
0x49: {  	_ =	shalt  }
0x4a: {  	_ =	shalt  }
0x4b: {  	_ =	shalt  }
0x4c: {  	_ =	shalt  }
0x4d: {  	_ =	shalt  }
0x4e: {  	_ =	shalt  }
0x4f: {  	_ =	shalt  }
0x50: {  	_ =	shalt  }
0x51: {  	_ =	shalt  }
0x52: {  	_ =	shalt  }
0x53: {  	_ =	shalt  }
0x54: {  	_ =	shalt  }
0x55: {  	_ =	shalt  }
0x56: {  	_ =	shalt  }
0x57: {  	_ =	shalt  }
0x58: {  	_ =	shalt  }
0x59: {  	_ =	shalt  }
0x5a: {  	_ =	shalt  }
0x5b: {  	_ =	shalt  }
0x5c: {  	_ =	shalt  }
0x5d: {  	_ =	shalt  }
0x5e: {  	_ =	shalt  }
0x5f: {  	_ =	shalt  }
0x60: {  	_ =	shalt  }
0x61: {  	_ =	shalt  }
0x62: {  	_ =	shalt  }
0x63: {  	_ =	shalt  }
0x64: {  	_ =	shalt  }
0x65: {  	_ =	shalt  }
0x66: {  	_ =	shalt  }
0x67: {  	_ =	shalt  }
0x68: {  	_ =	shalt  }
0x69: {  	_ =	shalt  }
0x6a: {  	_ =	shalt  }
0x6b: {  	_ =	shalt  }
0x6c: {  	_ =	shalt  }
0x6d: {  	_ =	shalt  }
0x6e: {  	_ =	shalt  }
0x6f: {  	_ =	shalt  }
0x70: {  	_ =	shalt  }
0x71: {  	_ =	shalt  }
0x72: {  	_ =	shalt  }
0x73: {  	_ =	shalt  }
0x74: {  	_ =	shalt  }
0x75: {  	_ =	shalt  }
0x76: {  	_ =	shalt  }
0x77: {  	_ =	shalt  }
0x78: {  	_ =	shalt  }
0x79: {  	_ =	shalt  }
0x7a: {  	_ =	shalt  }
0x7b: {  	_ =	shalt  }
0x7c: {  	_ =	shalt  }
0x7d: {  	_ =	shalt  }
0x7e: {  	_ =	shalt  }
0x7f: {  	_ =	shalt  }
0x80: {  	_ =	shalt  }
0x81: {  	_ =	shalt  }
0x82: {  	_ =	shalt  }
0x83: {  	_ =	shalt  }
0x84: {  	_ =	shalt  }
0x85: {  	_ =	shalt  }
0x86: {  	_ =	shalt  }
0x87: {  	_ =	shalt  }
.Lfunc_end0:
.L_simem_size_0:
called_computation.1_lowered:
.L_overlay_start_0:
0x88: {  	s2 =	sld [smem:$0x3FD9]  }
0x89: {  	s3 =	sld [smem:$0x3FFE];
	_ =	sdelay $0x1  }
0x8a: {  	s1 =	srdreg.scid  }
0x8b: {  	s0 =	sand.u32 $0x1, s1  }
0x8c: {  	s16 =	sshll.u32 s0, $0xA;
	s2 =	sadd.s32 s3, s2  }
0x8d: {  	s2 =	sadd.s32 s2, s16  }
0x8e: {  	[smem:$0x3FC2] =	sst s2  }
0x8f: {  	_ = 	snop  }
0x90: {  	(tm) =	ssettm $0x1  }
0x91: {  	s17 =	sld [smem:$0x3FFB];
	_ =	sdelay $0x3  }
0x92: {  	_ =	strace s17  }
0x93: {  	s2 =	sld [smem:$0x3FFC];
	_ =	sdelay $0x3  }
0x94: {  	_ =	strace s2  }
0x95: {  	s2 =	sld [smem:$0x3FFD];
	_ =	sdelay $0x3  }
0x96: {  	_ =	strace s2  }
0x97: {  	_ =	strace $0x8FFFFFFF  }
0x98: {  	s18 =	sld [smem:$0x3FDB];
	_ =	sdelay $0x1  }
0x99: {  	s19 =	simm.s32 $_scs_section_size  }
0x9a: {  	s4 =	simm.s32 $_size__tile_overlayer_lowered;
	s5 =	simm.s32 $_tile_overlayer_lowered  }
0x9b: {  	s22 =	simm.s32 $0x1BFF;
	s21 =	sshll.u32 s5, $0x1;
	s2 =	sadd.s32 s19, s18  }
0x9c: {  	s6 =	simm.s32 $0x0;
	s20 =	sshll.u32 s4, $0x1;
	s4 =	sadd.s32 s21, s2  }
0x9d: {  	[timem:s6], [sflag:s22] =	dma.local [hbm:s4], s20  }
0x9e: {  	_ =	swait.ge [sflag:s22], s20  }
0x9f: {  	s3 =	ssub.s32 $0x0, s20;
	[sflag:s22] =	ssyncset.done $0x0  }
0xa0: {  	[sflag:s22] =	ssyncadd.s32 s3;
	_ =	sdelay $0x1  }
0xa1: {  	s23 =	simm.s32 $0x1B8B  }
0xa2: {  	_ =	swait.ge [sflag:s23], $0x1  }
0xa3: {  	[sflag:s23] =	ssyncset.done $0x0  }
0xa4: {  	s25 =	simm.s32 $0x1B8E;
	s24 =	sld [smem:$0x3FFE];
	[sflag:s23] =	ssyncadd.s32 $0xFFFFFFFF  }
0xa5: {  	s26 =	simm.s32 $execute0_lowered;
	[smem:$0x3FD2] =	sst s25  }
0xa6: {  	s4 =	sshll.u32 s26, $0x1;
	_ =	strace $0x80000049;
	[dreg:$0x1] =	wrdreg $0xFFFFFFFF  }
0xa7: {  	s28 =	simm.s32 $_size_execute0_lowered;
	s2 =	sadd.s32 s2, s4;
	[dreg:$0x0] =	wrdreg $0x0  }
0xa8: {  	s4 =	sshll.u32 s28, $0x1;
	[dreg:$0x2] =	wrdreg s2  }
0xa9: {  	[dreg:$0x3] =	wrdreg s4  }
0xaa: {  	[dreg:$0x4] =	wrdreg $0xC0  }
0xab: {  	_ =	task [dreg:s6], $0x5FFFF  }
0xac: {  	[dreg:$0x1] =	wrdreg $0xFFFFFFFF  }
0xad: {  	[dreg:$0x0] =	wrdreg $0x60  }
0xae: {  	[dreg:$0x2] =	wrdreg s24  }
0xaf: {  	[dreg:$0x3] =	wrdreg $0xEC900  }
0xb0: {  	[dreg:$0x4] =	wrdreg $0x9  }
0xb1: {  	_ =	task.clear_ibuf [dreg:s6], $0x5FFFF;
	_ =	strace $0x90000049  }
0xb2: {  	s29 =	simm.s32 $0x9;
	_ =	strace $0x8000004B  }
0xb3: {  	_ =	swait.ge [sflag:s29], $0x1  }
0xb4: {  	[sflag:s29] =	ssyncadd.s32 $0xFFFFFFFF  }
0xb5: {  	_ =	strace $0x9000004B  }
0xb6: {  	_ =	sfence  }
0xb7: {  	s30 =	sld [smem:$0x0];
	_ =	sdelay $0x2  }
0xb8: {  	s31 =	sshll.u32 s1, $0xD;
	s1 =	sshrl.u32 s1, $0x2  }
0xb9: {  	s3 =	sand.u32 $0x4000, s31;
	s1 =	sadd.s32 s1, s30  }
0xba: {  	s0 =	sor.u32 s3, s0;
	s1 =	sshll.u32 s1, $0x11  }
0xbb: {  	s0 =	sor.u32 s1, s0  }
0xbc: {  	s0 =	sadd.s32 $0x8F2B, s0  }
0xbd: {  	[sflag:s0] =	ssyncadd.remote.s32 $0x1  }
0xbe: {  	_ =	sfence.sel $0xFFFF  }
0xbf: {  	[dreg:$0x0] =	wrdreg $0xFFFFFFFF;
	(pc) =	sbr.abs _section_cstart, $3  }
0xc0: {  	[dreg:$0x1] =	wrdreg $0xFFFFFFFF  }
0xc1: {  	_ =	task.clear_ibuf [dreg:s6], $0x2FFFF;
	_ =	strace $0x9FFFFFFF  }
0xc2: {  	(tm) =	ssettm $0x7FFFFFFF  }
0xc3: {  	_ =	shalt  }
tec
execute0_lowered:
.L_overlay_start_1:
0x0: {  	(tag) =	ssettag $0x1  }
0x1: {  	s10 =	rddreg [dreg:$0x0]  }
0x2: {  	s24 =	stileid.u32;
	s3 =	srdreg.scid  }
0x3: {  	s1 =	rddreg [dreg:$0x1];
	s6 =	smul.u32 $0x9C00, s24;
	s7 =	sand.u32 $0x1, s3  }
0x4: {  	s0 =	rddreg [dreg:$0x2];
	s12 =	smul.u32 $0x9C400, s7  }
0x5: {  	s2 =	simm.s32 $0x0;
	s16 =	simm.s32 $0xA0;
	s9 =	sadd.s32 $0x51200, s10  }
0x6: {  	p4 =	sne.s32 s24, $0xC;
	s30 =	sadd.s32 s6, s12;
	s12 =	sshrl.u32 s12, $0x3  }
0x7: {  	p0 =	seq.s32 s7, $0x1;
	s31 =	sadd.s32 s9, s12;
	s12 =	simm.s32 $0x16400  }
0x8: {  	s17 =	simm.s32 $0x9C40;
	s12 =	simm.s32 @!p0 $0x29E00;
	p0 =	sne.s32 @p4 s24, $0xD  }
0x9: {  	s19 =	simm.s32 $0xC440;
	s21 =	simm.s32 $0xEB50;
	p5 =	por !p0, !p4  }
0xa: {  	s22 =	simm.s32 $0x3;
	[smem:$0x7FF] =	sst s2;
	p2 =	sne.s32 @!p5 s24, $0xE  }
0xb: {  	s4 =	smul.u32 $0x9C4, s24;
	s15 =	sadd.s32 $0x9C000, s1;
	p3 =	por @p4 !p2, !p0  }
0xc: {  	p1 =	sne.s32 s24, $0xF;
	s13 =	sshll.u32 s24, $0x6;
	p3 =	por p3, !p4  }
0xd: {  	p6 =	sne.s32 s24, $0x3;
	_ =	strace $0x8000004A;
	s18 =	simm.s32 @!p3 $0x0  }
0xe: {  	s5 =	ssub.s32 $0x2, s7;
	s18 =	simm.s32 @p3 $0x1;
	p3 =	sne.s32 @!p3 s24, $0xF  }
0xf: {  	s13 =	sor.u32 $0x1C01, s13;
	s15 =	sshrl.u32 @!p1 s15, $0x3;
	p3 =	por @!p5 p3, !p2  }
0x10: {  	s28 =	sshrl.u32 s6, $0x3;
	s4 =	sadd.s32 s4, s10;
	p3 =	por @p4 p3, !p0  }
0x11: {  	s29 =	sshrl.u32 s5, $0x1;
	s14 =	sadd.s32 s6, s1;
	p3 =	por p3, !p4  }
0x12: {  	s8 =	sadd.s32 s28, s10;
	p2 =	por @p4 p2, !p0;
	s23 =	simm.s32 @!p3 $0x0  }
0x13: {  	s11 =	ssub.s32 s5, s29;
	p2 =	por p2, !p4;
	s23 =	simm.s32 @p3 $0x1  }
0x14: {  	s3 =	sadd.s32 $0x2800, s4;
	[smem:$0x7F3] =	sst s23;
	s23 =	simm.s32 @!p2 $0x0  }
0x15: {  	s4 =	sadd.s32 $0xC600, s4;
	s6 =	sadd.s32 $0x51000, s10;
	s23 =	simm.s32 @p2 $0x1  }
0x16: {  	s14 =	sshrl.u32 s14, $0x3;
	[smem:$0x7F4] =	sst s23;
	s23 =	simm.s32 @!p4 $0x0  }
0x17: {  	s5 =	sadd.s32 $0x3D800, s8;
	p0 =	por p0, !p4;
	s23 =	simm.s32 @p4 $0x1  }
0x18: {  	s8 =	sshrl.u32 s30, $0x3;
	[smem:$0x7F5] =	sst s23;
	s23 =	simm.s32 @!p0 $0x0  }
0x19: {  	s7 =	sadd.s32 s9, s8;
	s23 =	simm.s32 @p0 $0x1;
	p0 =	sne.s32 s24, $0x5  }
0x1a: {  	s8 =	sadd.s32 $0x13800, s31;
	s9 =	smax.u32 s11, $0x1;
	s25 =	simm.s32 @!p0 $0x0  }
0x1b: {  	s11 =	simm.s32 $0x1;
	s25 =	simm.s32 @p0 $0x1;
	p0 =	sne.s32 s24, $0x6  }
0x1c: {  	s10 =	sadd.s32 s12, s10;
	[smem:$0x7F7] =	sst s25;
	s25 =	simm.s32 @!p0 $0x0  }
0x1d: {  	s20 =	simm.s32 @!p5 $0x0;
	s25 =	simm.s32 @p0 $0x1;
	p0 =	sne.s32 s24, $0x7  }
0x1e: {  	s20 =	simm.s32 @p5 $0x1;
	[smem:$0x7F8] =	sst s25;
	s25 =	simm.s32 @!p0 $0x0  }
0x1f: {  	[smem:$0x7F2] =	sst s20;
	s25 =	simm.s32 @p0 $0x1;
	p0 =	sne.s32 s24, $0x8  }
0x20: {  	s12 =	simm.s32 $0x4E20;
	[smem:$0x7F9] =	sst s25;
	s25 =	simm.s32 @!p0 $0x0  }
0x21: {  	[smem:$0x7F1] =	sst s18;
	s25 =	simm.s32 @p0 $0x1;
	p0 =	sne.s32 s24, $0x9  }
0x22: {  	p5 =	sne.s32 s24, $0x2;
	[smem:$0x7FA] =	sst s25;
	s25 =	simm.s32 @!p0 $0x0  }
0x23: {  	p3 =	sne.s32 s24, $0x4;
	s25 =	simm.s32 @p0 $0x1;
	p0 =	sne.s32 s24, $0xA  }
.Ltmp0:
0x24: {  	[smem:$0x7FB] =	sst s25;
	s25 =	simm.s32 @!p0 $0x0;
	(pc) =	sbr.rel .LBB2_1-.Ltmp0, $4  }
0x25: {  	p2 =	sne.s32 s24, $0x1;
	s25 =	simm.s32 @p0 $0x1;
	p0 =	sne.s32 s24, $0xB  }
0x26: {  	p4 =	sne.s32 s24, $0x0;
	[smem:$0x7F6] =	sst s23;
	s24 =	simm.s32 @!p0 $0x0  }
0x27: {  	v0 =	vlaneseq.u32;
	s20 =	simm.s32 $0xEBF0;
	[smem:$0x7FC] =	sst s25;
	s24 =	simm.s32 @p0 $0x1  }
0x28: {  	v1 =	vor.u32 $0x10, v0;
	v2 =	vor.u32 $0x20, v0;
	v3 =	vor.u32 $0x30, v0;
	s18 =	simm.s32 $0x2;
	s23 =	simm.s32 $0x0;
	[smem:$0x7FD] =	sst s24  }
.LBB2_34:
0x29: {  	[bflag:$0x0] =	sbarrier.arrive $0xFFFF  }
0x2a: {  	[hbm:s7], [sflag:s13] =	dma.local [spmem:s14], $0x1380  }
0x2b: {  	s23 =	sadd.s32 $0x1, s23;
	_ =	swait.ge [sflag:s11], $0x1380  }
0x2c: {  	p0 =	sne.s32 s23, s9;
	[sflag:s11] =	ssyncset.done $0x0  }
.Ltmp1:
0x2d: {  	s24 =	simm.s32 @!p1 $0x1;
	[sflag:s11] =	ssyncadd.s32 $0xFFFFEC80;
	(pc) =	sbr.rel @!p0 .LBB2_35-.Ltmp1, $4  }
0x2e: {  	[hbm:s8], [sflag:s13] =	dma.local @!p1 [spmem:s15], $0x80  }
0x2f: {  	_ =	swait.ge @!p1 [sflag:s24], $0x80  }
0x30: {  	[sflag:s24] =	ssyncset.done @!p1 $0x0  }
0x31: {  	[sflag:s24] =	ssyncadd.s32 @!p1 $0xFFFFFF80  }
.LBB2_1:
0x32: {  	[tilespmem:s2], [sflag:$0x1] =	stream.linear.gather [hbm4b:s3+s2], $0x4E20, $0x38;
	[tilespmem:$0x18910] =	vst v63  }
0x33: {  	_ =	swait.ge [sflag:s11], $0x4E20  }
0x34: {  	[sflag:s11] =	ssyncset.done $0x0  }
0x35: {  	[sflag:s11] =	ssyncadd.s32 $0xFFFFB1E0  }
0x36: {  	[tilespmem:s12], [sflag:$0x1] =	stream.linear.gather [hbm4b:s4+s2], $0x4E20, $0x38;
	[tilespmem:$0x18910] =	vst v63  }
0x37: {  	_ =	swait.ge [sflag:s11], $0x4E20  }
0x38: {  	[sflag:s11] =	ssyncset.done $0x0  }
0x39: {  	[sflag:s11] =	ssyncadd.s32 $0xFFFFB1E0  }
0x3a: {  	[spmem:s14], [sflag:s13] =	dma.local [hbm:s5], $0x1380  }
0x3b: {  	_ =	swait.ge [sflag:s11], $0x1380  }
0x3c: {  	[sflag:s11] =	ssyncset.done $0x0  }
0x3d: {  	s24 =	simm.s32 @!p1 $0x1;
	[sflag:s11] =	ssyncadd.s32 $0xFFFFEC80  }
0x3e: {  	[spmem:s15], [sflag:s13] =	dma.local @!p1 [hbm:s6], $0x80  }
.Ltmp2:
0x3f: {  	_ =	swait.ge @!p1 [sflag:s24], $0x80;
	(pc) =	sbr.rel .LBB2_2-.Ltmp2, $4  }
0x40: {  	[sflag:s24] =	ssyncset.done @!p1 $0x0  }
0x41: {  	[sflag:s24] =	ssyncadd.s32 @!p1 $0xFFFFFF80  }
0x42: {  	[bflag:$0x0] =	sbarrier.arrive $0xFFFF  }
0x43: {  	s25 =	simm.s32 $0x0;
	s24 =	simm.s32 $0x4E20  }
.LBB2_9:
0x44: {  	[spmem:s1] =	stream.indirect.scatter.add.f32 [tilespmem:s17], [sflag:$0x3], $0x40, s21, s16, $0xb8;
	[tilespmem:$0x18910] =	vst v63  }
0x45: {  	_ =	swait.ge [sflag:s22], $0x2800  }
0x46: {  	[sflag:s22] =	ssyncset.done $0x0  }
0x47: {  	[sflag:s22] =	ssyncadd.s32 $0xFFFFD800  }
0x48: {  	[bflag:$0x0] =	sbarrier.arrive $0xFFFF  }
0x49: {  	[bflag:$0x0] =	sbarrier.arrive $0xFFFF  }
0x4a: {  	[bflag:$0x0] =	sbarrier.arrive $0xFFFF  }
0x4b: {  	[bflag:$0x0] =	sbarrier.arrive $0xFFFF  }
0x4c: {  	[bflag:$0x0] =	sbarrier.arrive $0xFFFF  }
0x4d: {  	[bflag:$0x0] =	sbarrier.arrive $0xFFFF  }
0x4e: {  	[bflag:$0x0] =	sbarrier.arrive $0xFFFF  }
0x4f: {  	[bflag:$0x0] =	sbarrier.arrive $0xFFFF  }
0x50: {  	[bflag:$0x0] =	sbarrier.arrive $0xFFFF  }
0x51: {  	[bflag:$0x0] =	sbarrier.arrive $0xFFFF  }
0x52: {  	[bflag:$0x0] =	sbarrier.arrive $0xFFFF  }
0x53: {  	[bflag:$0x0] =	sbarrier.arrive $0xFFFF  }
0x54: {  	[bflag:$0x0] =	sbarrier.arrive $0xFFFF  }
0x55: {  	[bflag:$0x0] =	sbarrier.arrive $0xFFFF  }
0x56: {  	[bflag:$0x0] =	sbarrier.arrive $0xFFFF  }
.LBB2_33:
0x57: {  	s25 =	sadd.s32 $0x1, s25  }
0x58: {  	p0 =	sne.s32 s25, $0x7D  }
.Ltmp3:
0x59: {  	_ = 	snop;
	(pc) =	sbr.rel @!p0 .LBB2_34-.Ltmp3, $3  }
0x5a: {  	_ =	sdelay $0x1  }
0x5b: {  	[bflag:$0x0] =	sbarrier.arrive $0xFFFF  }
0x5c: {  	s24 =	sadd.s32 $0xA0, s24  }
.LBB2_2:
0x5d: {  	s26 =	smul.u32 $0x280, s25;
	_ =	sdelay $0x1  }
0x5e: {  	s26 =	sshra.s32 s26, $0x2  }
0x5f: {  	[tilespmem:s17], [sflag:$0x2] =	stream.indirect.gather [hbm4b:s10+s16], $0x40, s26, s16, $0xb8;
	[tilespmem:$0x18910] =	vst v63  }
0x60: {  	_ =	swait.ge [sflag:s18], $0x2800  }
0x61: {  	s28 =	smov.u32 s24;
	[sflag:s18] =	ssyncset.done $0x0  }
0x62: {  	s29 =	simm.s32 $0x0;
	s26 =	simm.s32 $0x0;
	[sflag:s18] =	ssyncadd.s32 $0xFFFFD800  }
.LBB2_3:
0x63: {  	v4 =	vld [tilespmem:s28+$0x0];
	_ =	sdelay $0x2  }
0x64: {  	p0 =	sne.s32 s29, $0x90  }
.Ltmp4:
0x65: {  	_ = 	snop;
	(pc) =	sbr.rel @p0 .LBB2_3-.Ltmp4, $3  }
0x66: {  	_ =	sdelay $0x1  }
0x67: {  	v5 =	vor.u32 s29, v0  }
0x68: {  	s28 =	sadd.s32 $0x10, s28;
	s29 =	sadd.s32 $0x10, s29;
	[tilespmem:v4+s19+$0x0] =	vst.idx.msk $0xffff, v5  }
0x69: {  	s28 =	simm.s32 $0xEB50;
	s29 =	simm.s32 $0xEBF0;
	s30 =	smov.u32 s24  }
.LBB2_5:
0x6a: {  	v4 =	vld [tilespmem:s30+$0x0];
	_ =	sdelay $0x7  }
0x6b: {  	v5 =	vld.idx.msk [tilespmem:v4+s19+$0x0], $0xffff;
	_ =	sdelay $0x2  }
0x6c: {  	p0 =	sne.s32 s26, $0x90  }
.Ltmp5:
0x6d: {  	v6 =	vor.u32 s26, v0;
	(pc) =	sbr.rel @p0 .LBB2_5-.Ltmp5, $4  }
0x6e: {  	vm0 =	veq.s32 v5, v6  }
0x6f: {  	v4 =	vnsel vm0, $0x2710, v4  }
0x70: {  	s30 =	sadd.s32 $0x10, s30;
	[tilespmem:s28+$0x0] =	vst v4  }
0x71: {  	s26 =	sadd.s32 $0x10, s26;
	s28 =	sadd.s32 $0x10, s28;
	[tilespmem:s29+$0x0] =	vst v5;
	s29 =	sadd.s32 $0x10, s29  }
0x72: {  	s26 =	simm.s32 $0x0  }
0x73: {  	v4 =	vmov s26;
	_ =	sdelay $0x4  }
0x74: {  	v5 =	vshll.u32 v4, $0x6;
	v4 =	vld.idx.msk [tilespmem:v4+s20+$0x0], $0xffff  }
0x75: {  	v6 =	vor.u32 v0, v5;
	_ =	sdelay $0x3  }
0x76: {  	vm0 =	vne.s32 v4, s26;
	v8 =	vshll.u32 v4, $0x6  }
0x77: {  	v4 =	vld.idx.msk [tilespmem:v6+s17+$0x0], $0xffff;
	v6 =	vor.u32 v0, v8  }
0x78: {  	v7 =	vor.u32 v1, v5;
	_ =	sdelay $0x3  }
0x79: {  	[tilespmem:v6+s17+$0x0] =	vst.idx.add.f32.msk vm0, v4  }
0x7a: {  	v6 =	vor.u32 v1, v8;
	v4 =	vld.idx.msk [tilespmem:v7+s17+$0x0], $0xffff  }
0x7b: {  	v7 =	vor.u32 v2, v5;
	_ =	sdelay $0x3  }
0x7c: {  	[tilespmem:v6+s17+$0x0] =	vst.idx.add.f32.msk vm0, v4  }
0x7d: {  	v4 =	vld.idx.msk [tilespmem:v7+s17+$0x0], $0xffff;
	v7 =	vor.u32 v2, v8  }
0x7e: {  	v5 =	vor.u32 v3, v5;
	_ =	sdelay $0x3  }
0x7f: {  	[tilespmem:v7+s17+$0x0] =	vst.idx.add.f32.msk vm0, v4  }
0x80: {  	s26 =	simm.s32 $0x1;
	v8 =	vor.u32 v3, v8;
	v7 =	vld.idx.msk [tilespmem:v5+s17+$0x0], $0xffff  }
0x81: {  	v6 =	vmov s26  }
0x82: {  	v4 =	vshll.u32 v6, $0x6  }
0x83: {  	s28 =	simm.s32 $0x2;
	v5 =	vor.u32 v0, v4  }
.LBB2_7:
0x84: {  	_ = 	snop  }
0x85: {  	p0 =	sne.s32 s28, $0x9F;
	[tilespmem:v8+s17+$0x0] =	vst.idx.add.f32.msk vm0, v7;
	s29 =	smov.u32 s28;
	s28 =	sadd.s32 $0x1, s28  }
0x86: {  	v6 =	vld.idx.msk [tilespmem:v6+s20+$0x0], $0xffff;
	_ =	sdelay $0x5  }
0x87: {  	vm0 =	vne.s32 v6, s26;
	v6 =	vshll.u32 v6, $0x6;
	s26 =	smov.u32 s29;
	v5 =	vld.idx.msk [tilespmem:v5+s17+$0x0], $0xffff  }
0x88: {  	v7 =	vor.u32 v0, v6  }
0x89: {  	v8 =	vor.u32 v1, v4;
	_ =	sdelay $0x3  }
0x8a: {  	[tilespmem:v7+s17+$0x0] =	vst.idx.add.f32.msk vm0, v5  }
0x8b: {  	v5 =	vld.idx.msk [tilespmem:v8+s17+$0x0], $0xffff  }
0x8c: {  	v7 =	vor.u32 v1, v6  }
0x8d: {  	v8 =	vor.u32 v2, v4;
	_ =	sdelay $0x3  }
0x8e: {  	[tilespmem:v7+s17+$0x0] =	vst.idx.add.f32.msk vm0, v5  }
0x8f: {  	v5 =	vld.idx.msk [tilespmem:v8+s17+$0x0], $0xffff  }
0x90: {  	v7 =	vor.u32 v2, v6  }
0x91: {  	v4 =	vor.u32 v3, v4;
	_ =	sdelay $0x3  }
0x92: {  	[tilespmem:v7+s17+$0x0] =	vst.idx.add.f32.msk vm0, v5  }
.Ltmp6:
0x93: {  	v7 =	vld.idx.msk [tilespmem:v4+s17+$0x0], $0xffff;
	(pc) =	sbr.rel @p0 .LBB2_7-.Ltmp6, $4  }
0x94: {  	v8 =	vor.u32 v3, v6  }
0x95: {  	v6 =	vmov s26  }
0x96: {  	v4 =	vshll.u32 v6, $0x6  }
0x97: {  	v5 =	vor.u32 v0, v4  }
0x98: {  	_ =	sdelay $0x4  }
0x99: {  	[tilespmem:v8+s17+$0x0] =	vst.idx.add.f32.msk vm0, v7  }
0x9a: {  	v6 =	vld.idx.msk [tilespmem:v6+s20+$0x0], $0xffff;
	_ =	sdelay $0x4  }
0x9b: {  	vm15 =	vne.s32 v6, s26;
	v6 =	vshll.u32 v6, $0x6  }
0x9c: {  	v5 =	vld.idx.msk [tilespmem:v5+s17+$0x0], $0xffff;
	v59 =	vor.u32 v0, v6  }
0x9d: {  	v60 =	vor.u32 v1, v4;
	_ =	sdelay $0x3  }
0x9e: {  	[tilespmem:v59+s17+$0x0] =	vst.idx.add.f32.msk vm15, v5  }
0x9f: {  	v61 =	vor.u32 v1, v6;
	v5 =	vld.idx.msk [tilespmem:v60+s17+$0x0], $0xffff  }
0xa0: {  	v62 =	vor.u32 v2, v4;
	_ =	sdelay $0x3  }
0xa1: {  	[tilespmem:v61+s17+$0x0] =	vst.idx.add.f32.msk vm15, v5  }
0xa2: {  	v63 =	vor.u32 v2, v6;
	v5 =	vld.idx.msk [tilespmem:v62+s17+$0x0], $0xffff  }
0xa3: {  	v4 =	vor.u32 v3, v4;
	_ =	sdelay $0x3  }
0xa4: {  	[tilespmem:v63+s17+$0x0] =	vst.idx.add.f32.msk vm15, v5  }
0xa5: {  	v5 =	vor.u32 v3, v6;
	v4 =	vld.idx.msk [tilespmem:v4+s17+$0x0], $0xffff  }
.Ltmp7:
0xa6: {  	_ = 	snop;
	(pc) =	sbr.rel @!p4 .LBB2_9-.Ltmp7, $2  }
0xa7: {  	_ =	sdelay $0x2  }
0xa8: {  	[tilespmem:v5+s17+$0x0] =	vst.idx.add.f32.msk vm15, v4  }
.Ltmp8:
0xa9: {  	(pc) =	sbr.rel @p2 .LBB2_12-.Ltmp8, $2  }
0xaa: {  	_ =	sdelay $0x1  }
0xab: {  	[bflag:$0x0] =	sbarrier.arrive $0xFFFF;
	_ =	sdelay $0x1  }
0xac: {  	[spmem:s1] =	stream.indirect.scatter.add.f32 [tilespmem:s17], [sflag:$0x3], $0x40, s21, s16, $0xb8;
	[tilespmem:$0x18910] =	vst v63  }
0xad: {  	_ =	swait.ge [sflag:s22], $0x2800  }
0xae: {  	[sflag:s22] =	ssyncset.done $0x0  }
0xaf: {  	[sflag:s22] =	ssyncadd.s32 $0xFFFFD800  }
0xb0: {  	[bflag:$0x0] =	sbarrier.arrive $0xFFFF  }
0xb1: {  	[bflag:$0x0] =	sbarrier.arrive $0xFFFF  }
0xb2: {  	[bflag:$0x0] =	sbarrier.arrive $0xFFFF  }
0xb3: {  	[bflag:$0x0] =	sbarrier.arrive $0xFFFF  }
0xb4: {  	[bflag:$0x0] =	sbarrier.arrive $0xFFFF  }
0xb5: {  	[bflag:$0x0] =	sbarrier.arrive $0xFFFF  }
0xb6: {  	[bflag:$0x0] =	sbarrier.arrive $0xFFFF  }
0xb7: {  	[bflag:$0x0] =	sbarrier.arrive $0xFFFF  }
0xb8: {  	[bflag:$0x0] =	sbarrier.arrive $0xFFFF  }
0xb9: {  	[bflag:$0x0] =	sbarrier.arrive $0xFFFF  }
.Ltmp9:
0xba: {  	[bflag:$0x0] =	sbarrier.arrive $0xFFFF;
	(pc) =	sbr.rel .LBB2_33-.Ltmp9, $3  }
0xbb: {  	[bflag:$0x0] =	sbarrier.arrive $0xFFFF  }
0xbc: {  	[bflag:$0x0] =	sbarrier.arrive $0xFFFF  }
0xbd: {  	[bflag:$0x0] =	sbarrier.arrive $0xFFFF;
	_ =	sdelay $0x1  }
.LBB2_12:
.Ltmp10:
0xbe: {  	(pc) =	sbr.rel @p5 .LBB2_14-.Ltmp10, $2  }
0xbf: {  	_ =	sdelay $0x1  }
0xc0: {  	[bflag:$0x0] =	sbarrier.arrive $0xFFFF;
	_ =	sdelay $0x1  }
0xc1: {  	[spmem:s1] =	stream.indirect.scatter.add.f32 [tilespmem:s17], [sflag:$0x3], $0x40, s21, s16, $0xb8;
	[tilespmem:$0x18910] =	vst v63  }
0xc2: {  	_ =	swait.ge [sflag:s22], $0x2800  }
0xc3: {  	[sflag:s22] =	ssyncset.done $0x0  }
0xc4: {  	[sflag:s22] =	ssyncadd.s32 $0xFFFFD800  }
0xc5: {  	[bflag:$0x0] =	sbarrier.arrive $0xFFFF  }
0xc6: {  	[bflag:$0x0] =	sbarrier.arrive $0xFFFF  }
0xc7: {  	[bflag:$0x0] =	sbarrier.arrive $0xFFFF  }
0xc8: {  	[bflag:$0x0] =	sbarrier.arrive $0xFFFF  }
0xc9: {  	[bflag:$0x0] =	sbarrier.arrive $0xFFFF  }
0xca: {  	[bflag:$0x0] =	sbarrier.arrive $0xFFFF  }
0xcb: {  	[bflag:$0x0] =	sbarrier.arrive $0xFFFF  }
0xcc: {  	[bflag:$0x0] =	sbarrier.arrive $0xFFFF  }
0xcd: {  	[bflag:$0x0] =	sbarrier.arrive $0xFFFF  }
.Ltmp11:
0xce: {  	[bflag:$0x0] =	sbarrier.arrive $0xFFFF;
	(pc) =	sbr.rel .LBB2_33-.Ltmp11, $3  }
0xcf: {  	[bflag:$0x0] =	sbarrier.arrive $0xFFFF  }
0xd0: {  	[bflag:$0x0] =	sbarrier.arrive $0xFFFF  }
0xd1: {  	[bflag:$0x0] =	sbarrier.arrive $0xFFFF;
	_ =	sdelay $0x1  }
.LBB2_14:
.Ltmp12:
0xd2: {  	(pc) =	sbr.rel @p6 .LBB2_16-.Ltmp12, $2  }
0xd3: {  	_ =	sdelay $0x1  }
0xd4: {  	[bflag:$0x0] =	sbarrier.arrive $0xFFFF;
	_ =	sdelay $0x1  }
0xd5: {  	[spmem:s1] =	stream.indirect.scatter.add.f32 [tilespmem:s17], [sflag:$0x3], $0x40, s21, s16, $0xb8;
	[tilespmem:$0x18910] =	vst v63  }
0xd6: {  	_ =	swait.ge [sflag:s22], $0x2800  }
0xd7: {  	[sflag:s22] =	ssyncset.done $0x0  }
0xd8: {  	[sflag:s22] =	ssyncadd.s32 $0xFFFFD800  }
0xd9: {  	[bflag:$0x0] =	sbarrier.arrive $0xFFFF  }
0xda: {  	[bflag:$0x0] =	sbarrier.arrive $0xFFFF  }
0xdb: {  	[bflag:$0x0] =	sbarrier.arrive $0xFFFF  }
0xdc: {  	[bflag:$0x0] =	sbarrier.arrive $0xFFFF  }
0xdd: {  	[bflag:$0x0] =	sbarrier.arrive $0xFFFF  }
0xde: {  	[bflag:$0x0] =	sbarrier.arrive $0xFFFF  }
0xdf: {  	[bflag:$0x0] =	sbarrier.arrive $0xFFFF  }
0xe0: {  	[bflag:$0x0] =	sbarrier.arrive $0xFFFF  }
.Ltmp13:
0xe1: {  	[bflag:$0x0] =	sbarrier.arrive $0xFFFF;
	(pc) =	sbr.rel .LBB2_33-.Ltmp13, $3  }
0xe2: {  	[bflag:$0x0] =	sbarrier.arrive $0xFFFF  }
0xe3: {  	[bflag:$0x0] =	sbarrier.arrive $0xFFFF  }
0xe4: {  	[bflag:$0x0] =	sbarrier.arrive $0xFFFF;
	_ =	sdelay $0x1  }
.LBB2_16:
.Ltmp14:
0xe5: {  	(pc) =	sbr.rel @p3 .LBB2_18-.Ltmp14, $2  }
0xe6: {  	_ =	sdelay $0x1  }
0xe7: {  	[bflag:$0x0] =	sbarrier.arrive $0xFFFF;
	_ =	sdelay $0x1  }
0xe8: {  	[spmem:s1] =	stream.indirect.scatter.add.f32 [tilespmem:s17], [sflag:$0x3], $0x40, s21, s16, $0xb8;
	[tilespmem:$0x18910] =	vst v63  }
0xe9: {  	_ =	swait.ge [sflag:s22], $0x2800  }
0xea: {  	[sflag:s22] =	ssyncset.done $0x0  }
0xeb: {  	[sflag:s22] =	ssyncadd.s32 $0xFFFFD800  }
0xec: {  	[bflag:$0x0] =	sbarrier.arrive $0xFFFF  }
0xed: {  	[bflag:$0x0] =	sbarrier.arrive $0xFFFF  }
0xee: {  	[bflag:$0x0] =	sbarrier.arrive $0xFFFF  }
0xef: {  	[bflag:$0x0] =	sbarrier.arrive $0xFFFF  }
0xf0: {  	[bflag:$0x0] =	sbarrier.arrive $0xFFFF  }
0xf1: {  	[bflag:$0x0] =	sbarrier.arrive $0xFFFF  }
0xf2: {  	[bflag:$0x0] =	sbarrier.arrive $0xFFFF  }
.Ltmp15:
0xf3: {  	[bflag:$0x0] =	sbarrier.arrive $0xFFFF;
	(pc) =	sbr.rel .LBB2_33-.Ltmp15, $3  }
0xf4: {  	[bflag:$0x0] =	sbarrier.arrive $0xFFFF  }
0xf5: {  	[bflag:$0x0] =	sbarrier.arrive $0xFFFF  }
0xf6: {  	[bflag:$0x0] =	sbarrier.arrive $0xFFFF;
	_ =	sdelay $0x1  }
.LBB2_18:
0xf7: {  	[bflag:$0x0] =	sbarrier.arrive $0xFFFF  }
0xf8: {  	s26 =	sld [smem:$0x7F7];
	_ =	sdelay $0x2  }
0xf9: {  	p0 =	seq.s32 s26, $0x1  }
.Ltmp16:
0xfa: {  	_ = 	snop;
	(pc) =	sbr.rel @p0 .LBB2_20-.Ltmp16, $1  }
0xfb: {  	_ =	sdelay $0x3  }
0xfc: {  	[spmem:s1] =	stream.indirect.scatter.add.f32 [tilespmem:s17], [sflag:$0x3], $0x40, s21, s16, $0xb8;
	[tilespmem:$0x18910] =	vst v63  }
0xfd: {  	_ =	swait.ge [sflag:s22], $0x2800  }
0xfe: {  	[sflag:s22] =	ssyncset.done $0x0  }
0xff: {  	[sflag:s22] =	ssyncadd.s32 $0xFFFFD800  }
0x100: {  	[bflag:$0x0] =	sbarrier.arrive $0xFFFF  }
0x101: {  	[bflag:$0x0] =	sbarrier.arrive $0xFFFF  }
0x102: {  	[bflag:$0x0] =	sbarrier.arrive $0xFFFF  }
0x103: {  	[bflag:$0x0] =	sbarrier.arrive $0xFFFF  }
0x104: {  	[bflag:$0x0] =	sbarrier.arrive $0xFFFF  }
0x105: {  	[bflag:$0x0] =	sbarrier.arrive $0xFFFF  }
.Ltmp17:
0x106: {  	[bflag:$0x0] =	sbarrier.arrive $0xFFFF;
	(pc) =	sbr.rel .LBB2_33-.Ltmp17, $3  }
0x107: {  	[bflag:$0x0] =	sbarrier.arrive $0xFFFF  }
0x108: {  	[bflag:$0x0] =	sbarrier.arrive $0xFFFF  }
0x109: {  	[bflag:$0x0] =	sbarrier.arrive $0xFFFF;
	_ =	sdelay $0x1  }
.LBB2_20:
0x10a: {  	[bflag:$0x0] =	sbarrier.arrive $0xFFFF  }
0x10b: {  	s26 =	sld [smem:$0x7F8];
	_ =	sdelay $0x2  }
0x10c: {  	p0 =	seq.s32 s26, $0x1  }
.Ltmp18:
0x10d: {  	_ = 	snop;
	(pc) =	sbr.rel @p0 .LBB2_22-.Ltmp18, $1  }
0x10e: {  	_ =	sdelay $0x3  }
0x10f: {  	[spmem:s1] =	stream.indirect.scatter.add.f32 [tilespmem:s17], [sflag:$0x3], $0x40, s21, s16, $0xb8;
	[tilespmem:$0x18910] =	vst v63  }
0x110: {  	_ =	swait.ge [sflag:s22], $0x2800  }
0x111: {  	[sflag:s22] =	ssyncset.done $0x0  }
0x112: {  	[sflag:s22] =	ssyncadd.s32 $0xFFFFD800  }
0x113: {  	[bflag:$0x0] =	sbarrier.arrive $0xFFFF  }
0x114: {  	[bflag:$0x0] =	sbarrier.arrive $0xFFFF  }
0x115: {  	[bflag:$0x0] =	sbarrier.arrive $0xFFFF  }
0x116: {  	[bflag:$0x0] =	sbarrier.arrive $0xFFFF  }
0x117: {  	[bflag:$0x0] =	sbarrier.arrive $0xFFFF  }
.Ltmp19:
0x118: {  	[bflag:$0x0] =	sbarrier.arrive $0xFFFF;
	(pc) =	sbr.rel .LBB2_33-.Ltmp19, $3  }
0x119: {  	[bflag:$0x0] =	sbarrier.arrive $0xFFFF  }
0x11a: {  	[bflag:$0x0] =	sbarrier.arrive $0xFFFF  }
0x11b: {  	[bflag:$0x0] =	sbarrier.arrive $0xFFFF;
	_ =	sdelay $0x1  }
.LBB2_22:
0x11c: {  	[bflag:$0x0] =	sbarrier.arrive $0xFFFF  }
0x11d: {  	s26 =	sld [smem:$0x7F9];
	_ =	sdelay $0x2  }
0x11e: {  	p0 =	seq.s32 s26, $0x1  }
.Ltmp20:
0x11f: {  	_ = 	snop;
	(pc) =	sbr.rel @p0 .LBB2_24-.Ltmp20, $1  }
0x120: {  	_ =	sdelay $0x3  }
0x121: {  	[spmem:s1] =	stream.indirect.scatter.add.f32 [tilespmem:s17], [sflag:$0x3], $0x40, s21, s16, $0xb8;
	[tilespmem:$0x18910] =	vst v63  }
0x122: {  	_ =	swait.ge [sflag:s22], $0x2800  }
0x123: {  	[sflag:s22] =	ssyncset.done $0x0  }
0x124: {  	[sflag:s22] =	ssyncadd.s32 $0xFFFFD800  }
0x125: {  	[bflag:$0x0] =	sbarrier.arrive $0xFFFF  }
0x126: {  	[bflag:$0x0] =	sbarrier.arrive $0xFFFF  }
0x127: {  	[bflag:$0x0] =	sbarrier.arrive $0xFFFF  }
0x128: {  	[bflag:$0x0] =	sbarrier.arrive $0xFFFF  }
.Ltmp21:
0x129: {  	[bflag:$0x0] =	sbarrier.arrive $0xFFFF;
	(pc) =	sbr.rel .LBB2_33-.Ltmp21, $3  }
0x12a: {  	[bflag:$0x0] =	sbarrier.arrive $0xFFFF  }
0x12b: {  	[bflag:$0x0] =	sbarrier.arrive $0xFFFF  }
0x12c: {  	[bflag:$0x0] =	sbarrier.arrive $0xFFFF;
	_ =	sdelay $0x1  }
.LBB2_24:
0x12d: {  	[bflag:$0x0] =	sbarrier.arrive $0xFFFF  }
0x12e: {  	s26 =	sld [smem:$0x7FA];
	_ =	sdelay $0x2  }
0x12f: {  	p0 =	seq.s32 s26, $0x1  }
.Ltmp22:
0x130: {  	_ = 	snop;
	(pc) =	sbr.rel @p0 .LBB2_26-.Ltmp22, $1  }
0x131: {  	_ =	sdelay $0x3  }
0x132: {  	[spmem:s1] =	stream.indirect.scatter.add.f32 [tilespmem:s17], [sflag:$0x3], $0x40, s21, s16, $0xb8;
	[tilespmem:$0x18910] =	vst v63  }
0x133: {  	_ =	swait.ge [sflag:s22], $0x2800  }
0x134: {  	[sflag:s22] =	ssyncset.done $0x0  }
0x135: {  	[sflag:s22] =	ssyncadd.s32 $0xFFFFD800  }
0x136: {  	[bflag:$0x0] =	sbarrier.arrive $0xFFFF  }
0x137: {  	[bflag:$0x0] =	sbarrier.arrive $0xFFFF  }
0x138: {  	[bflag:$0x0] =	sbarrier.arrive $0xFFFF  }
.Ltmp23:
0x139: {  	[bflag:$0x0] =	sbarrier.arrive $0xFFFF;
	(pc) =	sbr.rel .LBB2_33-.Ltmp23, $3  }
0x13a: {  	[bflag:$0x0] =	sbarrier.arrive $0xFFFF  }
0x13b: {  	[bflag:$0x0] =	sbarrier.arrive $0xFFFF  }
0x13c: {  	[bflag:$0x0] =	sbarrier.arrive $0xFFFF;
	_ =	sdelay $0x1  }
.LBB2_26:
0x13d: {  	[bflag:$0x0] =	sbarrier.arrive $0xFFFF  }
0x13e: {  	s26 =	sld [smem:$0x7FB];
	_ =	sdelay $0x2  }
0x13f: {  	p0 =	seq.s32 s26, $0x1  }
.Ltmp24:
0x140: {  	_ = 	snop;
	(pc) =	sbr.rel @p0 .LBB2_28-.Ltmp24, $1  }
0x141: {  	_ =	sdelay $0x3  }
0x142: {  	[spmem:s1] =	stream.indirect.scatter.add.f32 [tilespmem:s17], [sflag:$0x3], $0x40, s21, s16, $0xb8;
	[tilespmem:$0x18910] =	vst v63  }
0x143: {  	_ =	swait.ge [sflag:s22], $0x2800  }
0x144: {  	[sflag:s22] =	ssyncset.done $0x0  }
0x145: {  	[sflag:s22] =	ssyncadd.s32 $0xFFFFD800  }
0x146: {  	[bflag:$0x0] =	sbarrier.arrive $0xFFFF  }
0x147: {  	[bflag:$0x0] =	sbarrier.arrive $0xFFFF  }
.Ltmp25:
0x148: {  	[bflag:$0x0] =	sbarrier.arrive $0xFFFF;
	(pc) =	sbr.rel .LBB2_33-.Ltmp25, $3  }
0x149: {  	[bflag:$0x0] =	sbarrier.arrive $0xFFFF  }
0x14a: {  	[bflag:$0x0] =	sbarrier.arrive $0xFFFF  }
0x14b: {  	[bflag:$0x0] =	sbarrier.arrive $0xFFFF;
	_ =	sdelay $0x1  }
.LBB2_28:
0x14c: {  	[bflag:$0x0] =	sbarrier.arrive $0xFFFF  }
0x14d: {  	s26 =	sld [smem:$0x7FC];
	_ =	sdelay $0x2  }
0x14e: {  	p0 =	seq.s32 s26, $0x1  }
.Ltmp26:
0x14f: {  	_ = 	snop;
	(pc) =	sbr.rel @p0 .LBB2_30-.Ltmp26, $1  }
0x150: {  	_ =	sdelay $0x3  }
0x151: {  	[spmem:s1] =	stream.indirect.scatter.add.f32 [tilespmem:s17], [sflag:$0x3], $0x40, s21, s16, $0xb8;
	[tilespmem:$0x18910] =	vst v63  }
0x152: {  	_ =	swait.ge [sflag:s22], $0x2800  }
0x153: {  	[sflag:s22] =	ssyncset.done $0x0  }
0x154: {  	[sflag:s22] =	ssyncadd.s32 $0xFFFFD800  }
0x155: {  	[bflag:$0x0] =	sbarrier.arrive $0xFFFF  }
.Ltmp27:
0x156: {  	[bflag:$0x0] =	sbarrier.arrive $0xFFFF;
	(pc) =	sbr.rel .LBB2_33-.Ltmp27, $3  }
0x157: {  	[bflag:$0x0] =	sbarrier.arrive $0xFFFF  }
0x158: {  	[bflag:$0x0] =	sbarrier.arrive $0xFFFF  }
0x159: {  	[bflag:$0x0] =	sbarrier.arrive $0xFFFF;
	_ =	sdelay $0x1  }
.LBB2_30:
0x15a: {  	[bflag:$0x0] =	sbarrier.arrive $0xFFFF  }
0x15b: {  	s26 =	sld [smem:$0x7FD];
	_ =	sdelay $0x2  }
0x15c: {  	p0 =	seq.s32 s26, $0x1  }
.Ltmp28:
0x15d: {  	_ = 	snop;
	(pc) =	sbr.rel @p0 .LBB2_32-.Ltmp28, $1  }
0x15e: {  	_ =	sdelay $0x3  }
0x15f: {  	[spmem:s1] =	stream.indirect.scatter.add.f32 [tilespmem:s17], [sflag:$0x3], $0x40, s21, s16, $0xb8;
	[tilespmem:$0x18910] =	vst v63  }
0x160: {  	_ =	swait.ge [sflag:s22], $0x2800  }
0x161: {  	[sflag:s22] =	ssyncset.done $0x0  }
0x162: {  	[sflag:s22] =	ssyncadd.s32 $0xFFFFD800  }
.Ltmp29:
0x163: {  	[bflag:$0x0] =	sbarrier.arrive $0xFFFF;
	(pc) =	sbr.rel .LBB2_33-.Ltmp29, $3  }
0x164: {  	[bflag:$0x0] =	sbarrier.arrive $0xFFFF  }
0x165: {  	[bflag:$0x0] =	sbarrier.arrive $0xFFFF  }
0x166: {  	[bflag:$0x0] =	sbarrier.arrive $0xFFFF;
	_ =	sdelay $0x1  }
.LBB2_32:
0x167: {  	[bflag:$0x0] =	sbarrier.arrive $0xFFFF  }
0x168: {  	s26 =	sld [smem:$0x7F5];
	_ =	sdelay $0x2  }
0x169: {  	p0 =	seq.s32 s26, $0x1  }
0x16a: {  	[bflag:$0x0] =	sbarrier.arrive @p0 $0xFFFF  }
0x16b: {  	s30 =	sld [smem:$0x7F2];
	_ =	sdelay $0x2  }
0x16c: {  	p0 =	seq.s32 s30, $0x1  }
0x16d: {  	[bflag:$0x0] =	sbarrier.arrive @!p0 $0xFFFF  }
0x16e: {  	s31 =	sld [smem:$0x7F1];
	_ =	sdelay $0x2  }
0x16f: {  	p0 =	seq.s32 s31, $0x1  }
0x170: {  	[bflag:$0x0] =	sbarrier.arrive @!p0 $0xFFFF  }
0x171: {  	s28 =	sld [smem:$0x7F3];
	_ =	sdelay $0x2  }
0x172: {  	p0 =	seq.s32 s28, $0x1  }
0x173: {  	s26 =	simm.s32 @!p0 $0xA0;
	s28 =	simm.s32 @!p0 $0xEB50;
	s29 =	simm.s32 @!p0 $0x9C40  }
0x174: {  	[spmem:s1] =	stream.indirect.scatter.add.f32 @!p0 [tilespmem:s29], [sflag:$0x3], $0x40, s28, s26, $0xb8;
	[tilespmem:$0x18910] =	vst v63  }
0x175: {  	s26 =	simm.s32 @!p0 $0x3  }
0x176: {  	_ =	swait.ge @!p0 [sflag:s26], $0x2800  }
0x177: {  	s29 =	sld [smem:$0x7F4];
	_ =	sdelay $0x1  }
0x178: {  	[sflag:s26] =	ssyncset.done @!p0 $0x0  }
0x179: {  	[sflag:s26] =	ssyncadd.s32 @!p0 $0xFFFFD800;
	p0 =	seq.s32 s29, $0x1  }
0x17a: {  	s26 =	simm.s32 @!p0 $0xA0;
	s28 =	simm.s32 @!p0 $0xEB50;
	s29 =	simm.s32 @!p0 $0x9C40  }
0x17b: {  	[spmem:s1] =	stream.indirect.scatter.add.f32 @!p0 [tilespmem:s29], [sflag:$0x3], $0x40, s28, s26, $0xb8;
	[tilespmem:$0x18910] =	vst v63  }
0x17c: {  	s26 =	simm.s32 @!p0 $0x3  }
0x17d: {  	_ =	swait.ge @!p0 [sflag:s26], $0x2800  }
0x17e: {  	[sflag:s26] =	ssyncset.done @!p0 $0x0  }
0x17f: {  	[sflag:s26] =	ssyncadd.s32 @!p0 $0xFFFFD800  }
0x180: {  	[bflag:$0x0] =	sbarrier.arrive @!p0 $0xFFFF  }
0x181: {  	s30 =	sld [smem:$0x7F6];
	_ =	sdelay $0x2  }
0x182: {  	p0 =	seq.s32 s30, $0x1  }
0x183: {  	s26 =	simm.s32 @!p0 $0xA0;
	s28 =	simm.s32 @!p0 $0xEB50;
	s29 =	simm.s32 @!p0 $0x9C40  }
0x184: {  	[spmem:s1] =	stream.indirect.scatter.add.f32 @!p0 [tilespmem:s29], [sflag:$0x3], $0x40, s28, s26, $0xb8;
	[tilespmem:$0x18910] =	vst v63  }
0x185: {  	s26 =	simm.s32 @!p0 $0x3  }
0x186: {  	_ =	swait.ge @!p0 [sflag:s26], $0x2800  }
0x187: {  	[sflag:s26] =	ssyncset.done @!p0 $0x0  }
0x188: {  	[sflag:s26] =	ssyncadd.s32 @!p0 $0xFFFFD800  }
0x189: {  	[bflag:$0x0] =	sbarrier.arrive @!p0 $0xFFFF  }
0x18a: {  	[bflag:$0x0] =	sbarrier.arrive @!p0 $0xFFFF  }
0x18b: {  	s31 =	sld [smem:$0x7F5];
	_ =	sdelay $0x2  }
0x18c: {  	p0 =	seq.s32 s31, $0x1  }
0x18d: {  	s26 =	simm.s32 @!p0 $0xA0;
	s28 =	simm.s32 @!p0 $0xEB50;
	s29 =	simm.s32 @!p0 $0x9C40  }
0x18e: {  	[spmem:s1] =	stream.indirect.scatter.add.f32 @!p0 [tilespmem:s29], [sflag:$0x3], $0x40, s28, s26, $0xb8;
	[tilespmem:$0x18910] =	vst v63  }
0x18f: {  	s26 =	simm.s32 @!p0 $0x3  }
0x190: {  	_ =	swait.ge @!p0 [sflag:s26], $0x2800  }
0x191: {  	[sflag:s26] =	ssyncset.done @!p0 $0x0  }
.Ltmp30:
0x192: {  	[sflag:s26] =	ssyncadd.s32 @!p0 $0xFFFFD800;
	(pc) =	sbr.rel .LBB2_33-.Ltmp30, $3  }
0x193: {  	[bflag:$0x0] =	sbarrier.arrive @!p0 $0xFFFF  }
0x194: {  	[bflag:$0x0] =	sbarrier.arrive @!p0 $0xFFFF  }
0x195: {  	[bflag:$0x0] =	sbarrier.arrive @!p0 $0xFFFF;
	_ =	sdelay $0x1  }
.LBB2_35:
0x196: {  	_ =	sfence.sel $0x180000  }
0x197: {  	[bflag:$0x0] =	sbarrier.arrive $0xFFFF  }
0x198: {  	_ =	strace $0x9000004A  }
0x199: {  	s0 =	sadd.s32 @!p4 $0x100000, s0;
	[bflag:$0x2] =	sbarrier.arrive $0xFFFF  }
0x19a: {  	[sflag:s0] =	ssyncadd.tile.s32 @!p4 $0x1;
	_ =	shalt  }
.Lfunc_end2:
_tile_overlayer_lowered:
.L_overlay_start_2:
0x19b: {  	(tag) =	ssettag $0x2  }
0x19c: {  	s0 =	rddreg [dreg:$0x0];
	s2 =	stileid.u32  }
0x19d: {  	s1 =	rddreg [dreg:$0x1];
	p0 =	sne.s32 s2, $0x0  }
0x19e: {  	s3 =	rddreg [dreg:$0x2];
	[bflag:$0x3] =	sbarrier.arrive $0xFFFF;
	s2 =	simm.s32 @!p0 $0x1C04  }
0x19f: {  	[timem:s3], [sflag:s2] =	dma.local @!p0 [hbm:s0], s1  }
0x1a0: {  	s0 =	simm.s32 @!p0 $0x4  }
0x1a1: {  	_ =	swait.ge @!p0 [sflag:s0], s1  }
0x1a2: {  	s1 =	ssub.s32 @!p0 $0x0, s1;
	[sflag:s0] =	ssyncset.done @!p0 $0x0  }
0x1a3: {  	[sflag:s0] =	ssyncadd.s32 @!p0 s1  }
0x1a4: {  	[bflag:$0x3] =	sbarrier.arrive $0xFFFF  }
0x1a5: {  	_ =	shalt  }

// kernel: _gcn.15.cloned.1.call-start
scs
__scs_entry_jumppad:
0x0: {  	(pc) =	sbr.rel $0x88, $3  }
0x1: {  	(tag) =	ssettag $0x0;
	lr =	simm.s32 $0x1  }
0x2: {  	[smem:$0x3F9B] =	sst lr;
	_ =	strace $0xD0000000  }
0x3: {  	_ = 	snop  }
0x4: {  	_ = 	snop  }
0x5: {  	_ = 	snop  }
0x6: {  	_ = 	snop  }
0x7: {  	_ = 	snop  }
__scs_overlays_trampoline_lowered:
0x8: {  	[smem:$0x3FAA] =	sst s0  }
0x9: {  	[smem:$0x3FAB] =	sst s1  }
0xa: {  	[smem:$0x3FAC] =	sst s2  }
0xb: {  	[smem:$0x3FAD] =	sst s3  }
0xc: {  	[smem:$0x3FAE] =	sst s4  }
0xd: {  	[smem:$0x3FAF] =	sst s5  }
0xe: {  	[smem:$0x3FB0] =	sst s6  }
0xf: {  	[smem:$0x3FB1] =	sst s7  }
0x10: {  	[smem:$0x3FB2] =	sst s8  }
0x11: {  	[smem:$0x3FB3] =	sst s9;
	s0 =	simm.s32 @!p0 $0x0  }
0x12: {  	s1 =	sld [smem:$0x3F99];
	s0 =	simm.s32 @p0 $0x1  }
0x13: {  	[smem:$0x3FB4] =	sst s0;
	s0 =	simm.s32 @!p1 $0x0  }
0x14: {  	s2 =	sld [smem:$0x3F98];
	s0 =	simm.s32 @p1 $0x1  }
0x15: {  	[smem:$0x3FB5] =	sst s0;
	s0 =	simm.s32 @!p2 $0x0  }
0x16: {  	s3 =	sld [smem:$0x3FDB];
	s0 =	simm.s32 @p2 $0x1  }
0x17: {  	s4 =	simm.s32 $0x1BF5;
	[smem:$0x3FB7] =	sst s0  }
0x18: {  	s0 =	sld [smem:$0x3F9A];
	_ =	swait.ge [sflag:s4], $0x0  }
0x19: {  	s7 =	sld [smem:$0x3F9B]  }
0x1a: {  	s8 =	sadd.s32 $0xFFFFE003, lr  }
0x1b: {  	s9 =	sadd.s32 $0xFFFFFEF7, lr;
	s5 =	simm.s32 $0xFFFFFFFF;
	p2 =	slt.u32 s8, $0xFFFFF086  }
0x1c: {  	p1 =	slt.u32 s9, $0xF7A;
	s5 =	simm.s32 @!p2 $0x0  }
0x1d: {  	s5 =	simm.s32 @p1 $0x1;
	p0 =	seq.s32 s7, s2  }
0x1e: {  	s7 =	smul.u32 @!p0 $0xF7A, s2;
	p2 =	seq.s32 @!p0 s5, $0x0  }
0x1f: {  	s9 =	smul.u32 $0xF7A, s1;
	s8 =	simm.s32 @!p0 $0x1BF5;
	p2 =	por !p2, p0  }
0x20: {  	[sflag:s8] =	ssyncset.s32 @!p0 $0xFFFFF086;
	s6 =	sadd.s32 @!p0 s3, s7;
	s7 =	simm.s32 @!p0 $0x108  }
0x21: {  	s3 =	sadd.s32 s3, s9;
	s6 =	sadd.s32 @!p0 $0x88, s6;
	s7 =	simm.s32 @p2 $0x1082  }
0x22: {  	[simem:s7], [sflag:s8] =	dma.local @!p0 [hbm:s6], $0xF7A  }
0x23: {  	s9 =	sor.u32 $0xD0000000, s2;
	s6 =	simm.s32 $0x108;
	_ =	swait.ge @!p0 [sflag:s8], $0x0  }
0x24: {  	s3 =	sadd.s32 $0x88, s3;
	s6 =	simm.s32 @!p1 $0x1082;
	[sflag:s4] =	ssyncset.s32 $0xFFFFF086  }
0x25: {  	[simem:s6], [sflag:s4] =	dma.local [hbm:s3], $0xF7A  }
0x26: {  	[smem:$0x3F9B] =	sst s1;
	(tag) =	ssettag s2;
	_ =	strace s9  }
0x27: {  	s1 =	sld [smem:$0x3FAB]  }
0x28: {  	s2 =	sld [smem:$0x3FAC]  }
0x29: {  	s4 =	sld [smem:$0x3FAE]  }
0x2a: {  	p0 =	seq.s32 s5, $0x0;
	s5 =	sld [smem:$0x3FAF]  }
0x2b: {  	s6 =	sld [smem:$0x3FB0]  }
0x2c: {  	s7 =	sld [smem:$0x3FB1]  }
0x2d: {  	s3 =	simm.s32 $0x108;
	s8 =	sld [smem:$0x3FB2]  }
0x2e: {  	s3 =	simm.s32 @!p0 $0x1082;
	s9 =	sld [smem:$0x3FB3]  }
0x2f: {  	lr =	sadd.s32 s0, s3;
	s0 =	sld [smem:$0x3FAA]  }
0x30: {  	s3 =	sld [smem:$0x3FAD]  }
0x31: {  	[smem:$0x3FB6] =	sst s10  }
0x32: {  	s10 =	sld [smem:$0x3FB4];
	_ =	sdelay $0x3  }
0x33: {  	p0 =	seq.s32 s10, $0x1;
	s10 =	sld [smem:$0x3FB6];
	_ =	sdelay $0x3  }
0x34: {  	[smem:$0x3FB6] =	sst s10  }
0x35: {  	s10 =	sld [smem:$0x3FB5];
	_ =	sdelay $0x3  }
0x36: {  	p1 =	seq.s32 s10, $0x1;
	s10 =	sld [smem:$0x3FB6];
	_ =	sdelay $0x3  }
0x37: {  	[smem:$0x3FB6] =	sst s10  }
0x38: {  	s10 =	sld [smem:$0x3FB7]  }
0x39: {  	_ = 	snop;
	(pc) =	sbr.ind lr, $3  }
0x3a: {  	_ = 	snop  }
0x3b: {  	_ = 	snop  }
0x3c: {  	p2 =	seq.s32 s10, $0x1;
	s10 =	sld [smem:$0x3FB6]  }
0x3d: {  	_ =	shalt  }
0x3e: {  	_ =	shalt  }
0x3f: {  	_ =	shalt  }
0x40: {  	_ =	shalt  }
0x41: {  	_ =	shalt  }
0x42: {  	_ =	shalt  }
0x43: {  	_ =	shalt  }
0x44: {  	_ =	shalt  }
0x45: {  	_ =	shalt  }
0x46: {  	_ =	shalt  }
0x47: {  	_ =	shalt  }
0x48: {  	_ =	shalt  }
0x49: {  	_ =	shalt  }
0x4a: {  	_ =	shalt  }
0x4b: {  	_ =	shalt  }
0x4c: {  	_ =	shalt  }
0x4d: {  	_ =	shalt  }
0x4e: {  	_ =	shalt  }
0x4f: {  	_ =	shalt  }
0x50: {  	_ =	shalt  }
0x51: {  	_ =	shalt  }
0x52: {  	_ =	shalt  }
0x53: {  	_ =	shalt  }
0x54: {  	_ =	shalt  }
0x55: {  	_ =	shalt  }
0x56: {  	_ =	shalt  }
0x57: {  	_ =	shalt  }
0x58: {  	_ =	shalt  }
0x59: {  	_ =	shalt  }
0x5a: {  	_ =	shalt  }
0x5b: {  	_ =	shalt  }
0x5c: {  	_ =	shalt  }
0x5d: {  	_ =	shalt  }
0x5e: {  	_ =	shalt  }
0x5f: {  	_ =	shalt  }
0x60: {  	_ =	shalt  }
0x61: {  	_ =	shalt  }
0x62: {  	_ =	shalt  }
0x63: {  	_ =	shalt  }
0x64: {  	_ =	shalt  }
0x65: {  	_ =	shalt  }
0x66: {  	_ =	shalt  }
0x67: {  	_ =	shalt  }
0x68: {  	_ =	shalt  }
0x69: {  	_ =	shalt  }
0x6a: {  	_ =	shalt  }
0x6b: {  	_ =	shalt  }
0x6c: {  	_ =	shalt  }
0x6d: {  	_ =	shalt  }
0x6e: {  	_ =	shalt  }
0x6f: {  	_ =	shalt  }
0x70: {  	_ =	shalt  }
0x71: {  	_ =	shalt  }
0x72: {  	_ =	shalt  }
0x73: {  	_ =	shalt  }
0x74: {  	_ =	shalt  }
0x75: {  	_ =	shalt  }
0x76: {  	_ =	shalt  }
0x77: {  	_ =	shalt  }
0x78: {  	_ =	shalt  }
0x79: {  	_ =	shalt  }
0x7a: {  	_ =	shalt  }
0x7b: {  	_ =	shalt  }
0x7c: {  	_ =	shalt  }
0x7d: {  	_ =	shalt  }
0x7e: {  	_ =	shalt  }
0x7f: {  	_ =	shalt  }
0x80: {  	_ =	shalt  }
0x81: {  	_ =	shalt  }
0x82: {  	_ =	shalt  }
0x83: {  	_ =	shalt  }
0x84: {  	_ =	shalt  }
0x85: {  	_ =	shalt  }
0x86: {  	_ =	shalt  }
0x87: {  	_ =	shalt  }
.Lfunc_end0:
.L_simem_size_0:
called_computation.2_lowered:
.L_overlay_start_0:
0x88: {  	s2 =	sld [smem:$0x3FD9]  }
0x89: {  	s3 =	sld [smem:$0x3FFE];
	_ =	sdelay $0x1  }
0x8a: {  	s1 =	srdreg.scid  }
0x8b: {  	s0 =	sand.u32 $0x1, s1  }
0x8c: {  	s16 =	sshll.u32 s0, $0xA;
	s2 =	sadd.s32 s3, s2  }
0x8d: {  	s2 =	sadd.s32 s2, s16  }
0x8e: {  	[smem:$0x3FC2] =	sst s2  }
0x8f: {  	_ = 	snop  }
0x90: {  	(tm) =	ssettm $0x1  }
0x91: {  	s17 =	sld [smem:$0x3FFB];
	_ =	sdelay $0x3  }
0x92: {  	_ =	strace s17  }
0x93: {  	s2 =	sld [smem:$0x3FFC];
	_ =	sdelay $0x3  }
0x94: {  	_ =	strace s2  }
0x95: {  	s2 =	sld [smem:$0x3FFD];
	_ =	sdelay $0x3  }
0x96: {  	_ =	strace s2  }
0x97: {  	_ =	strace $0x8FFFFFFF  }
0x98: {  	s18 =	sld [smem:$0x3FDB];
	_ =	sdelay $0x1  }
0x99: {  	s19 =	simm.s32 $_scs_section_size  }
0x9a: {  	s4 =	simm.s32 $_size__tile_overlayer_lowered;
	s5 =	simm.s32 $_tile_overlayer_lowered  }
0x9b: {  	s22 =	simm.s32 $0x1BFF;
	s21 =	sshll.u32 s5, $0x1;
	s2 =	sadd.s32 s19, s18  }
0x9c: {  	s6 =	simm.s32 $0x0;
	s20 =	sshll.u32 s4, $0x1;
	s4 =	sadd.s32 s21, s2  }
0x9d: {  	[timem:s6], [sflag:s22] =	dma.local [hbm:s4], s20  }
0x9e: {  	_ =	swait.ge [sflag:s22], s20  }
0x9f: {  	s3 =	ssub.s32 $0x0, s20;
	[sflag:s22] =	ssyncset.done $0x0  }
0xa0: {  	[sflag:s22] =	ssyncadd.s32 s3;
	_ =	sdelay $0x1  }
0xa1: {  	s23 =	simm.s32 $0x1B8B  }
0xa2: {  	_ =	swait.ge [sflag:s23], $0x1  }
0xa3: {  	[sflag:s23] =	ssyncset.done $0x0  }
0xa4: {  	s25 =	simm.s32 $0x1B8E;
	s24 =	sld [smem:$0x3FFE];
	[sflag:s23] =	ssyncadd.s32 $0xFFFFFFFF  }
0xa5: {  	s26 =	simm.s32 $execute0_lowered;
	[smem:$0x3FD2] =	sst s25  }
0xa6: {  	s4 =	sshll.u32 s26, $0x1;
	_ =	strace $0x8000004C;
	[dreg:$0x1] =	wrdreg $0xFFFFFFFF  }
0xa7: {  	s28 =	simm.s32 $_size_execute0_lowered;
	s2 =	sadd.s32 s2, s4;
	[dreg:$0x0] =	wrdreg $0x0  }
0xa8: {  	s4 =	sshll.u32 s28, $0x1;
	[dreg:$0x2] =	wrdreg s2  }
0xa9: {  	[dreg:$0x3] =	wrdreg s4  }
0xaa: {  	[dreg:$0x4] =	wrdreg $0xC0  }
0xab: {  	_ =	task [dreg:s6], $0x5FFFF  }
0xac: {  	[dreg:$0x1] =	wrdreg $0xFFFFFFFF  }
0xad: {  	[dreg:$0x0] =	wrdreg $0x60  }
0xae: {  	[dreg:$0x2] =	wrdreg s24  }
0xaf: {  	[dreg:$0x3] =	wrdreg $0x9  }
0xb0: {  	_ =	task.clear_ibuf [dreg:s6], $0x4FFFF;
	_ =	strace $0x9000004C  }
0xb1: {  	s29 =	simm.s32 $0x9;
	_ =	strace $0x8000004E  }
0xb2: {  	_ =	swait.ge [sflag:s29], $0x1  }
0xb3: {  	[sflag:s29] =	ssyncadd.s32 $0xFFFFFFFF  }
0xb4: {  	_ =	strace $0x9000004E  }
0xb5: {  	_ =	sfence  }
0xb6: {  	s30 =	sld [smem:$0x0];
	_ =	sdelay $0x2  }
0xb7: {  	s31 =	sshll.u32 s1, $0xD;
	s1 =	sshrl.u32 s1, $0x2  }
0xb8: {  	s3 =	sand.u32 $0x4000, s31;
	s1 =	sadd.s32 s1, s30  }
0xb9: {  	s0 =	sor.u32 s3, s0;
	s1 =	sshll.u32 s1, $0x11  }
0xba: {  	s0 =	sor.u32 s1, s0  }
0xbb: {  	s0 =	sadd.s32 $0x8F2B, s0  }
0xbc: {  	[sflag:s0] =	ssyncadd.remote.s32 $0x1  }
0xbd: {  	_ =	sfence.sel $0xFFFF  }
0xbe: {  	[dreg:$0x0] =	wrdreg $0xFFFFFFFF;
	(pc) =	sbr.abs _section_cstart, $3  }
0xbf: {  	[dreg:$0x1] =	wrdreg $0xFFFFFFFF  }
0xc0: {  	_ =	task.clear_ibuf [dreg:s6], $0x2FFFF;
	_ =	strace $0x9FFFFFFF  }
0xc1: {  	(tm) =	ssettm $0x7FFFFFFF  }
tec
execute0_lowered:
.L_overlay_start_1:
0x0: {  	(tag) =	ssettag $0x1  }
0x1: {  	s4 =	rddreg [dreg:$0x0]  }
0x2: {  	s1 =	srdreg.scid;
	s0 =	rddreg [dreg:$0x1]  }
0x3: {  	s2 =	simm.s32 $0x0;
	s10 =	simm.s32 $0x1;
	s11 =	simm.s32 $0x7D00  }
0x4: {  	s12 =	simm.s32 $0xFA00;
	s5 =	sand.u32 $0x1, s1;
	s1 =	stileid.u32  }
0x5: {  	s13 =	simm.s32 $0x12180;
	s3 =	sshll.u32 s5, $0x4;
	s6 =	smul.u32 $0xFA0, s1  }
0x6: {  	v0 =	vimm.f32 $0.0e+00;
	s8 =	ssub.s32 $0x2, s5;
	s9 =	smul.u32 $0xF800, s5;
	s3 =	sor.u32 s1, s3  }
0x7: {  	vm0 =	vcmask $0x704;
	vm1 =	vcmask $0xB08;
	vm14 =	vcmask $0x3F3C;
	[smem:$0x7FF] =	sst s2;
	s31 =	sshrl.u32 s8, $0x1;
	s7 =	smul.u32 $0x4F0, s3  }
0x8: {  	vm2 =	vcmask $0xF0C;
	vm3 =	vcmask $0x1310;
	vm4 =	vcmask $0x1714;
	s6 =	sadd.s32 s6, s4;
	s3 =	sadd.s32 $0x2800, s4;
	s8 =	ssub.s32 s8, s31  }
0x9: {  	vm5 =	vcmask $0x1B18;
	vm6 =	vcmask $0x1F1C;
	vm7 =	vcmask $0x2320;
	s5 =	sadd.s32 $0x87E00, s6;
	s7 =	sadd.s32 s7, s4;
	s4 =	sadd.s32 $0x78400, s6  }
0xa: {  	vm8 =	vcmask $0x2724;
	vm9 =	vcmask $0x2B28;
	vm10 =	vcmask $0x2F2C;
	s6 =	sadd.s32 $0x2E00, s7;
	s7 =	smax.u32 s8, $0x1;
	s8 =	sshrl.u32 s9, $0x2  }
0xb: {  	vm11 =	vcmask $0x3330;
	vm12 =	vcmask $0x3734;
	vm13 =	vcmask $0x3B38;
	s14 =	simm.s32 $0x0;
	_ =	strace $0x8000004D;
	s9 =	sadd.s32 $0x7D00, s8  }
.LBB2_1:
0xc: {  	[tilespmem:s2], [sflag:$0x1] =	stream.linear.gather [hbm4b:s4+s2], $0x7D00, $0x38;
	[tilespmem:$0x14900] =	vst v63  }
0xd: {  	_ =	swait.ge [sflag:s10], $0x7D00  }
0xe: {  	[sflag:s10] =	ssyncset.done $0x0  }
0xf: {  	[sflag:s10] =	ssyncadd.s32 $0xFFFF8300  }
0x10: {  	[tilespmem:s11], [sflag:$0x1] =	stream.linear.gather [hbm4b:s5+s2], $0x7D00, $0x38;
	[tilespmem:$0x14900] =	vst v63  }
0x11: {  	_ =	swait.ge [sflag:s10], $0x7D00  }
0x12: {  	[sflag:s10] =	ssyncset.done $0x0  }
0x13: {  	[sflag:s10] =	ssyncadd.s32 $0xFFFF8300  }
0x14: {  	[tilespmem:s12], [sflag:$0x1] =	stream.linear.gather [hbm4b:s3+s2], $0x2780, $0x38;
	[tilespmem:$0x14900] =	vst v63  }
0x15: {  	_ =	swait.ge [sflag:s10], $0x2780  }
0x16: {  	[sflag:s10] =	ssyncset.done $0x0  }
0x17: {  	s15 =	simm.s32 $0x40;
	s16 =	simm.s32 $0x0;
	[sflag:s10] =	ssyncadd.s32 $0xFFFFD880  }
.LBB2_2:
0x18: {  	p0 =	sne.s32 s15, $0x9C00;
	[tilespmem:s16+$0x12180] =	vst v0;
	s16 =	smov.u32 s15;
	s15 =	sadd.s32 $0x40, s15  }
.Ltmp0:
0x19: {  	(pc) =	sbr.rel @p0 .LBB2_2-.Ltmp0, $2  }
0x1a: {  	_ =	sdelay $0x2  }
0x1b: {  	s16 =	sshra.s32 s16, $0x2  }
0x1c: {  	[tilespmem:s16+$0x12180] =	vst v0;
	s15 =	simm.s32 $0x0;
	s16 =	smov.u32 s9;
	s17 =	smov.u32 s8  }
.LBB2_4:
0x1d: {  	v1 =	vmov s17;
	_ =	sdelay $0x3  }
0x1e: {  	s18 =	simm.s32 $0x0  }
0x1f: {  	v2 =	vmov s16;
	v4 =	vld.idx.msk [tilespmem:v1+s18+$0x0 ss:$0x1], $0xffff;
	_ =	sdelay $0x4  }
0x20: {  	v3 =	vld.idx.msk [tilespmem:v2+s18+$0x0 ss:$0x1], $0xffff;
	_ =	sdelay $0x2  }
0x21: {  	v4 =	vld.idx.msk [tilespmem:v4+s12+$0x0], $0xffff;
	_ =	sdelay $0x4  }
0x22: {  	[tilespmem:v3+s13+$0x0] =	vst.idx.add.f32.msk $0x1, v4  }
0x23: {  	[tilespmem:v3+s13+$0x0] =	vst.idx.add.f32.msk vm0, v4  }
0x24: {  	[tilespmem:v3+s13+$0x0] =	vst.idx.add.f32.msk vm1, v4  }
0x25: {  	[tilespmem:v3+s13+$0x0] =	vst.idx.add.f32.msk vm2, v4  }
0x26: {  	[tilespmem:v3+s13+$0x0] =	vst.idx.add.f32.msk vm3, v4  }
0x27: {  	[tilespmem:v3+s13+$0x0] =	vst.idx.add.f32.msk vm4, v4  }
0x28: {  	[tilespmem:v3+s13+$0x0] =	vst.idx.add.f32.msk vm5, v4  }
0x29: {  	[tilespmem:v3+s13+$0x0] =	vst.idx.add.f32.msk vm6, v4  }
0x2a: {  	[tilespmem:v3+s13+$0x0] =	vst.idx.add.f32.msk vm7, v4  }
0x2b: {  	[tilespmem:v3+s13+$0x0] =	vst.idx.add.f32.msk vm8, v4  }
0x2c: {  	[tilespmem:v3+s13+$0x0] =	vst.idx.add.f32.msk vm9, v4  }
0x2d: {  	[tilespmem:v3+s13+$0x0] =	vst.idx.add.f32.msk vm10, v4  }
0x2e: {  	[tilespmem:v3+s13+$0x0] =	vst.idx.add.f32.msk vm11, v4  }
0x2f: {  	[tilespmem:v3+s13+$0x0] =	vst.idx.add.f32.msk vm12, v4  }
0x30: {  	s19 =	simm.s32 $0x80;
	s18 =	simm.s32 $0x40;
	[tilespmem:v3+s13+$0x0] =	vst.idx.add.f32.msk vm13, v4  }
.LBB2_5:
0x31: {  	p0 =	sne.s32 s19, $0x240  }
0x32: {  	s20 =	sshra.s32 s18, $0x2;
	[tilespmem:v3+s13+$0x0] =	vst.idx.add.f32.msk vm14, v4;
	s18 =	smov.u32 s19;
	s19 =	sadd.s32 $0x40, s19  }
0x33: {  	v4 =	vld.idx.msk [tilespmem:v1+s20+$0x0 ss:$0x1], $0xffff;
	_ =	sdelay $0x5  }
0x34: {  	v3 =	vld.idx.msk [tilespmem:v2+s20+$0x0 ss:$0x1], $0xffff;
	_ =	sdelay $0x1  }
0x35: {  	v4 =	vld.idx.msk [tilespmem:v4+s12+$0x0], $0xffff;
	_ =	sdelay $0x5  }
0x36: {  	[tilespmem:v3+s13+$0x0] =	vst.idx.add.f32.msk $0x1, v4  }
0x37: {  	[tilespmem:v3+s13+$0x0] =	vst.idx.add.f32.msk vm0, v4  }
0x38: {  	[tilespmem:v3+s13+$0x0] =	vst.idx.add.f32.msk vm1, v4  }
0x39: {  	[tilespmem:v3+s13+$0x0] =	vst.idx.add.f32.msk vm2, v4  }
0x3a: {  	[tilespmem:v3+s13+$0x0] =	vst.idx.add.f32.msk vm3, v4  }
0x3b: {  	[tilespmem:v3+s13+$0x0] =	vst.idx.add.f32.msk vm4, v4  }
0x3c: {  	[tilespmem:v3+s13+$0x0] =	vst.idx.add.f32.msk vm5, v4  }
0x3d: {  	[tilespmem:v3+s13+$0x0] =	vst.idx.add.f32.msk vm6, v4  }
0x3e: {  	[tilespmem:v3+s13+$0x0] =	vst.idx.add.f32.msk vm7, v4  }
0x3f: {  	[tilespmem:v3+s13+$0x0] =	vst.idx.add.f32.msk vm8, v4  }
.Ltmp1:
0x40: {  	[tilespmem:v3+s13+$0x0] =	vst.idx.add.f32.msk vm9, v4;
	(pc) =	sbr.rel @p0 .LBB2_5-.Ltmp1, $4  }
0x41: {  	[tilespmem:v3+s13+$0x0] =	vst.idx.add.f32.msk vm10, v4  }
0x42: {  	[tilespmem:v3+s13+$0x0] =	vst.idx.add.f32.msk vm11, v4  }
0x43: {  	[tilespmem:v3+s13+$0x0] =	vst.idx.add.f32.msk vm12, v4  }
0x44: {  	[tilespmem:v3+s13+$0x0] =	vst.idx.add.f32.msk vm13, v4  }
0x45: {  	_ =	sdelay $0x4  }
0x46: {  	s18 =	sshra.s32 s18, $0x2;
	[tilespmem:v3+s13+$0x0] =	vst.idx.add.f32.msk vm14, v4  }
0x47: {  	v1 =	vld.idx.msk [tilespmem:v1+s18+$0x0 ss:$0x1], $0xffff;
	_ =	sdelay $0x4  }
0x48: {  	v2 =	vld.idx.msk [tilespmem:v2+s18+$0x0 ss:$0x1], $0xffff;
	_ =	sdelay $0x2  }
0x49: {  	v1 =	vld.idx.msk [tilespmem:v1+s12+$0x0], $0xffff;
	_ =	sdelay $0x4  }
0x4a: {  	[tilespmem:v2+s13+$0x0] =	vst.idx.add.f32.msk $0x1, v1  }
0x4b: {  	[tilespmem:v2+s13+$0x0] =	vst.idx.add.f32.msk vm0, v1  }
0x4c: {  	[tilespmem:v2+s13+$0x0] =	vst.idx.add.f32.msk vm1, v1  }
0x4d: {  	[tilespmem:v2+s13+$0x0] =	vst.idx.add.f32.msk vm2, v1  }
0x4e: {  	[tilespmem:v2+s13+$0x0] =	vst.idx.add.f32.msk vm3, v1  }
0x4f: {  	[tilespmem:v2+s13+$0x0] =	vst.idx.add.f32.msk vm4, v1  }
0x50: {  	[tilespmem:v2+s13+$0x0] =	vst.idx.add.f32.msk vm5, v1  }
0x51: {  	[tilespmem:v2+s13+$0x0] =	vst.idx.add.f32.msk vm6, v1  }
0x52: {  	[tilespmem:v2+s13+$0x0] =	vst.idx.add.f32.msk vm7, v1  }
0x53: {  	s15 =	sadd.s32 $0x1, s15;
	[tilespmem:v2+s13+$0x0] =	vst.idx.add.f32.msk vm8, v1  }
0x54: {  	p0 =	sne.s32 s15, $0x3E;
	[tilespmem:v2+s13+$0x0] =	vst.idx.add.f32.msk vm9, v1  }
.Ltmp2:
0x55: {  	[tilespmem:v2+s13+$0x0] =	vst.idx.add.f32.msk vm10, v1;
	(pc) =	sbr.rel @p0 .LBB2_4-.Ltmp2, $4  }
0x56: {  	[tilespmem:v2+s13+$0x0] =	vst.idx.add.f32.msk vm11, v1  }
0x57: {  	[tilespmem:v2+s13+$0x0] =	vst.idx.add.f32.msk vm12, v1  }
0x58: {  	[tilespmem:v2+s13+$0x0] =	vst.idx.add.f32.msk vm13, v1  }
0x59: {  	s17 =	sadd.s32 $0x100, s17;
	s16 =	sadd.s32 $0x100, s16;
	[tilespmem:v2+s13+$0x0] =	vst.idx.add.f32.msk vm14, v1  }
0x5a: {  	s14 =	sadd.s32 $0x1, s14  }
0x5b: {  	p0 =	sne.s32 s14, s7  }
.Ltmp3:
0x5c: {  	_ = 	snop;
	(pc) =	sbr.rel @p0 .LBB2_1-.Ltmp3, $4  }
0x5d: {  	[hbm4b:s6+s2] =	stream.linear.scatter [tilespmem:s13], [sflag:$0x1], $0x2780, $0x38;
	[tilespmem:$0x14900] =	vst v63  }
0x5e: {  	_ =	swait.ge [sflag:s10], $0x2780  }
0x5f: {  	[sflag:s10] =	ssyncset.done $0x0  }
0x60: {  	[sflag:s10] =	ssyncadd.s32 $0xFFFFD880  }
0x61: {  	_ =	sfence.sel $0x180000  }
0x62: {  	[bflag:$0x0] =	sbarrier.arrive $0xFFFF  }
0x63: {  	p0 =	sne.s32 s1, $0x0;
	_ =	strace $0x9000004D  }
0x64: {  	s0 =	sadd.s32 @!p0 $0x100000, s0;
	[bflag:$0x2] =	sbarrier.arrive $0xFFFF  }
0x65: {  	[sflag:s0] =	ssyncadd.tile.s32 @!p0 $0x1;
	_ =	shalt  }
.Lfunc_end2:
_tile_overlayer_lowered:
.L_overlay_start_2:
0x66: {  	(tag) =	ssettag $0x2  }
0x67: {  	s0 =	rddreg [dreg:$0x0];
	s2 =	stileid.u32  }
0x68: {  	s1 =	rddreg [dreg:$0x1];
	p0 =	sne.s32 s2, $0x0  }
0x69: {  	s3 =	rddreg [dreg:$0x2];
	[bflag:$0x3] =	sbarrier.arrive $0xFFFF;
	s2 =	simm.s32 @!p0 $0x1C02  }
0x6a: {  	[timem:s3], [sflag:s2] =	dma.local @!p0 [hbm:s0], s1  }
0x6b: {  	s0 =	simm.s32 @!p0 $0x2  }
0x6c: {  	_ =	swait.ge @!p0 [sflag:s0], s1  }
0x6d: {  	s1 =	ssub.s32 @!p0 $0x0, s1;
	[sflag:s0] =	ssyncset.done @!p0 $0x0  }
0x6e: {  	[sflag:s0] =	ssyncadd.s32 @!p0 s1  }
0x6f: {  	[bflag:$0x3] =	sbarrier.arrive $0xFFFF  }
0x70: {  	_ =	shalt  }

// kernel: _gcn.9.cloned.1.call-start
scs
__scs_entry_jumppad:
0x0: {  	(pc) =	sbr.rel $0x88, $3  }
0x1: {  	(tag) =	ssettag $0x0;
	lr =	simm.s32 $0x1  }
0x2: {  	[smem:$0x3F9B] =	sst lr;
	_ =	strace $0xD0000000  }
0x3: {  	_ = 	snop  }
0x4: {  	_ = 	snop  }
0x5: {  	_ = 	snop  }
0x6: {  	_ = 	snop  }
0x7: {  	_ = 	snop  }
__scs_overlays_trampoline_lowered:
0x8: {  	[smem:$0x3FAA] =	sst s0  }
0x9: {  	[smem:$0x3FAB] =	sst s1  }
0xa: {  	[smem:$0x3FAC] =	sst s2  }
0xb: {  	[smem:$0x3FAD] =	sst s3  }
0xc: {  	[smem:$0x3FAE] =	sst s4  }
0xd: {  	[smem:$0x3FAF] =	sst s5  }
0xe: {  	[smem:$0x3FB0] =	sst s6  }
0xf: {  	[smem:$0x3FB1] =	sst s7  }
0x10: {  	[smem:$0x3FB2] =	sst s8  }
0x11: {  	[smem:$0x3FB3] =	sst s9;
	s0 =	simm.s32 @!p0 $0x0  }
0x12: {  	s1 =	sld [smem:$0x3F99];
	s0 =	simm.s32 @p0 $0x1  }
0x13: {  	[smem:$0x3FB4] =	sst s0;
	s0 =	simm.s32 @!p1 $0x0  }
0x14: {  	s2 =	sld [smem:$0x3F98];
	s0 =	simm.s32 @p1 $0x1  }
0x15: {  	[smem:$0x3FB5] =	sst s0;
	s0 =	simm.s32 @!p2 $0x0  }
0x16: {  	s3 =	sld [smem:$0x3FDB];
	s0 =	simm.s32 @p2 $0x1  }
0x17: {  	s4 =	simm.s32 $0x1BF5;
	[smem:$0x3FB7] =	sst s0  }
0x18: {  	s0 =	sld [smem:$0x3F9A];
	_ =	swait.ge [sflag:s4], $0x0  }
0x19: {  	s7 =	sld [smem:$0x3F9B]  }
0x1a: {  	s8 =	sadd.s32 $0xFFFFE003, lr  }
0x1b: {  	s9 =	sadd.s32 $0xFFFFFEF7, lr;
	s5 =	simm.s32 $0xFFFFFFFF;
	p2 =	slt.u32 s8, $0xFFFFF086  }
0x1c: {  	p1 =	slt.u32 s9, $0xF7A;
	s5 =	simm.s32 @!p2 $0x0  }
0x1d: {  	s5 =	simm.s32 @p1 $0x1;
	p0 =	seq.s32 s7, s2  }
0x1e: {  	s7 =	smul.u32 @!p0 $0xF7A, s2;
	p2 =	seq.s32 @!p0 s5, $0x0  }
0x1f: {  	s9 =	smul.u32 $0xF7A, s1;
	s8 =	simm.s32 @!p0 $0x1BF5;
	p2 =	por !p2, p0  }
0x20: {  	[sflag:s8] =	ssyncset.s32 @!p0 $0xFFFFF086;
	s6 =	sadd.s32 @!p0 s3, s7;
	s7 =	simm.s32 @!p0 $0x108  }
0x21: {  	s3 =	sadd.s32 s3, s9;
	s6 =	sadd.s32 @!p0 $0x88, s6;
	s7 =	simm.s32 @p2 $0x1082  }
0x22: {  	[simem:s7], [sflag:s8] =	dma.local @!p0 [hbm:s6], $0xF7A  }
0x23: {  	s9 =	sor.u32 $0xD0000000, s2;
	s6 =	simm.s32 $0x108;
	_ =	swait.ge @!p0 [sflag:s8], $0x0  }
0x24: {  	s3 =	sadd.s32 $0x88, s3;
	s6 =	simm.s32 @!p1 $0x1082;
	[sflag:s4] =	ssyncset.s32 $0xFFFFF086  }
0x25: {  	[simem:s6], [sflag:s4] =	dma.local [hbm:s3], $0xF7A  }
0x26: {  	[smem:$0x3F9B] =	sst s1;
	(tag) =	ssettag s2;
	_ =	strace s9  }
0x27: {  	s1 =	sld [smem:$0x3FAB]  }
0x28: {  	s2 =	sld [smem:$0x3FAC]  }
0x29: {  	s4 =	sld [smem:$0x3FAE]  }
0x2a: {  	p0 =	seq.s32 s5, $0x0;
	s5 =	sld [smem:$0x3FAF]  }
0x2b: {  	s6 =	sld [smem:$0x3FB0]  }
0x2c: {  	s7 =	sld [smem:$0x3FB1]  }
0x2d: {  	s3 =	simm.s32 $0x108;
	s8 =	sld [smem:$0x3FB2]  }
0x2e: {  	s3 =	simm.s32 @!p0 $0x1082;
	s9 =	sld [smem:$0x3FB3]  }
0x2f: {  	lr =	sadd.s32 s0, s3;
	s0 =	sld [smem:$0x3FAA]  }
0x30: {  	s3 =	sld [smem:$0x3FAD]  }
0x31: {  	[smem:$0x3FB6] =	sst s10  }
0x32: {  	s10 =	sld [smem:$0x3FB4];
	_ =	sdelay $0x3  }
0x33: {  	p0 =	seq.s32 s10, $0x1;
	s10 =	sld [smem:$0x3FB6];
	_ =	sdelay $0x3  }
0x34: {  	[smem:$0x3FB6] =	sst s10  }
0x35: {  	s10 =	sld [smem:$0x3FB5];
	_ =	sdelay $0x3  }
0x36: {  	p1 =	seq.s32 s10, $0x1;
	s10 =	sld [smem:$0x3FB6];
	_ =	sdelay $0x3  }
0x37: {  	[smem:$0x3FB6] =	sst s10  }
0x38: {  	s10 =	sld [smem:$0x3FB7]  }
0x39: {  	_ = 	snop;
	(pc) =	sbr.ind lr, $3  }
0x3a: {  	_ = 	snop  }
0x3b: {  	_ = 	snop  }
0x3c: {  	p2 =	seq.s32 s10, $0x1;
	s10 =	sld [smem:$0x3FB6]  }
0x3d: {  	_ =	shalt  }
0x3e: {  	_ =	shalt  }
0x3f: {  	_ =	shalt  }
0x40: {  	_ =	shalt  }
0x41: {  	_ =	shalt  }
0x42: {  	_ =	shalt  }
0x43: {  	_ =	shalt  }
0x44: {  	_ =	shalt  }
0x45: {  	_ =	shalt  }
0x46: {  	_ =	shalt  }
0x47: {  	_ =	shalt  }
0x48: {  	_ =	shalt  }
0x49: {  	_ =	shalt  }
0x4a: {  	_ =	shalt  }
0x4b: {  	_ =	shalt  }
0x4c: {  	_ =	shalt  }
0x4d: {  	_ =	shalt  }
0x4e: {  	_ =	shalt  }
0x4f: {  	_ =	shalt  }
0x50: {  	_ =	shalt  }
0x51: {  	_ =	shalt  }
0x52: {  	_ =	shalt  }
0x53: {  	_ =	shalt  }
0x54: {  	_ =	shalt  }
0x55: {  	_ =	shalt  }
0x56: {  	_ =	shalt  }
0x57: {  	_ =	shalt  }
0x58: {  	_ =	shalt  }
0x59: {  	_ =	shalt  }
0x5a: {  	_ =	shalt  }
0x5b: {  	_ =	shalt  }
0x5c: {  	_ =	shalt  }
0x5d: {  	_ =	shalt  }
0x5e: {  	_ =	shalt  }
0x5f: {  	_ =	shalt  }
0x60: {  	_ =	shalt  }
0x61: {  	_ =	shalt  }
0x62: {  	_ =	shalt  }
0x63: {  	_ =	shalt  }
0x64: {  	_ =	shalt  }
0x65: {  	_ =	shalt  }
0x66: {  	_ =	shalt  }
0x67: {  	_ =	shalt  }
0x68: {  	_ =	shalt  }
0x69: {  	_ =	shalt  }
0x6a: {  	_ =	shalt  }
0x6b: {  	_ =	shalt  }
0x6c: {  	_ =	shalt  }
0x6d: {  	_ =	shalt  }
0x6e: {  	_ =	shalt  }
0x6f: {  	_ =	shalt  }
0x70: {  	_ =	shalt  }
0x71: {  	_ =	shalt  }
0x72: {  	_ =	shalt  }
0x73: {  	_ =	shalt  }
0x74: {  	_ =	shalt  }
0x75: {  	_ =	shalt  }
0x76: {  	_ =	shalt  }
0x77: {  	_ =	shalt  }
0x78: {  	_ =	shalt  }
0x79: {  	_ =	shalt  }
0x7a: {  	_ =	shalt  }
0x7b: {  	_ =	shalt  }
0x7c: {  	_ =	shalt  }
0x7d: {  	_ =	shalt  }
0x7e: {  	_ =	shalt  }
0x7f: {  	_ =	shalt  }
0x80: {  	_ =	shalt  }
0x81: {  	_ =	shalt  }
0x82: {  	_ =	shalt  }
0x83: {  	_ =	shalt  }
0x84: {  	_ =	shalt  }
0x85: {  	_ =	shalt  }
0x86: {  	_ =	shalt  }
0x87: {  	_ =	shalt  }
.Lfunc_end0:
.L_simem_size_0:
called_computation_lowered:
.L_overlay_start_0:
0x88: {  	s2 =	sld [smem:$0x3FD9]  }
0x89: {  	s3 =	sld [smem:$0x3FFE];
	_ =	sdelay $0x1  }
0x8a: {  	s1 =	srdreg.scid  }
0x8b: {  	s0 =	sand.u32 $0x1, s1  }
0x8c: {  	s16 =	sshll.u32 s0, $0xA;
	s2 =	sadd.s32 s3, s2  }
0x8d: {  	s2 =	sadd.s32 s2, s16  }
0x8e: {  	[smem:$0x3FC2] =	sst s2  }
0x8f: {  	_ = 	snop  }
0x90: {  	(tm) =	ssettm $0x1  }
0x91: {  	s17 =	sld [smem:$0x3FFB];
	_ =	sdelay $0x3  }
0x92: {  	_ =	strace s17  }
0x93: {  	s2 =	sld [smem:$0x3FFC];
	_ =	sdelay $0x3  }
0x94: {  	_ =	strace s2  }
0x95: {  	s2 =	sld [smem:$0x3FFD];
	_ =	sdelay $0x3  }
0x96: {  	_ =	strace s2  }
0x97: {  	_ =	strace $0x8FFFFFFF  }
0x98: {  	s18 =	sld [smem:$0x3FDB];
	_ =	sdelay $0x1  }
0x99: {  	s19 =	simm.s32 $_scs_section_size  }
0x9a: {  	s4 =	simm.s32 $_size__tile_overlayer_lowered;
	s5 =	simm.s32 $_tile_overlayer_lowered  }
0x9b: {  	s22 =	simm.s32 $0x1BFF;
	s21 =	sshll.u32 s5, $0x1;
	s2 =	sadd.s32 s19, s18  }
0x9c: {  	s6 =	simm.s32 $0x0;
	s20 =	sshll.u32 s4, $0x1;
	s4 =	sadd.s32 s21, s2  }
0x9d: {  	[timem:s6], [sflag:s22] =	dma.local [hbm:s4], s20  }
0x9e: {  	_ =	swait.ge [sflag:s22], s20  }
0x9f: {  	s3 =	ssub.s32 $0x0, s20;
	[sflag:s22] =	ssyncset.done $0x0  }
0xa0: {  	[sflag:s22] =	ssyncadd.s32 s3;
	_ =	sdelay $0x1  }
0xa1: {  	s23 =	simm.s32 $0x1B8B  }
0xa2: {  	_ =	swait.ge [sflag:s23], $0x1  }
0xa3: {  	[sflag:s23] =	ssyncset.done $0x0  }
0xa4: {  	s25 =	simm.s32 $0x1B8E;
	s24 =	sld [smem:$0x3FFE];
	[sflag:s23] =	ssyncadd.s32 $0xFFFFFFFF  }
0xa5: {  	s26 =	simm.s32 $execute0_lowered;
	[smem:$0x3FD2] =	sst s25  }
0xa6: {  	s4 =	sshll.u32 s26, $0x1;
	_ =	strace $0x80000046;
	[dreg:$0x1] =	wrdreg $0xFFFFFFFF  }
0xa7: {  	s28 =	simm.s32 $_size_execute0_lowered;
	s2 =	sadd.s32 s2, s4;
	[dreg:$0x0] =	wrdreg $0x0  }
0xa8: {  	s4 =	sshll.u32 s28, $0x1;
	[dreg:$0x2] =	wrdreg s2  }
0xa9: {  	[dreg:$0x3] =	wrdreg s4  }
0xaa: {  	[dreg:$0x4] =	wrdreg $0xC0  }
0xab: {  	_ =	task [dreg:s6], $0x5FFFF  }
0xac: {  	[dreg:$0x1] =	wrdreg $0xFFFFFFFF  }
0xad: {  	[dreg:$0x0] =	wrdreg $0x60  }
0xae: {  	[dreg:$0x2] =	wrdreg s24  }
0xaf: {  	[dreg:$0x3] =	wrdreg $0x9  }
0xb0: {  	_ =	task.clear_ibuf [dreg:s6], $0x4FFFF;
	_ =	strace $0x90000046  }
0xb1: {  	s29 =	simm.s32 $0x9;
	_ =	strace $0x80000048  }
0xb2: {  	_ =	swait.ge [sflag:s29], $0x1  }
0xb3: {  	[sflag:s29] =	ssyncadd.s32 $0xFFFFFFFF  }
0xb4: {  	_ =	strace $0x90000048  }
0xb5: {  	_ =	sfence  }
0xb6: {  	s30 =	sld [smem:$0x0];
	_ =	sdelay $0x2  }
0xb7: {  	s31 =	sshll.u32 s1, $0xD;
	s1 =	sshrl.u32 s1, $0x2  }
0xb8: {  	s3 =	sand.u32 $0x4000, s31;
	s1 =	sadd.s32 s1, s30  }
0xb9: {  	s0 =	sor.u32 s3, s0;
	s1 =	sshll.u32 s1, $0x11  }
0xba: {  	s0 =	sor.u32 s1, s0  }
0xbb: {  	s0 =	sadd.s32 $0x8F2B, s0  }
0xbc: {  	[sflag:s0] =	ssyncadd.remote.s32 $0x1  }
0xbd: {  	_ =	sfence.sel $0xFFFF  }
0xbe: {  	[dreg:$0x0] =	wrdreg $0xFFFFFFFF;
	(pc) =	sbr.abs _section_cstart, $3  }
0xbf: {  	[dreg:$0x1] =	wrdreg $0xFFFFFFFF  }
0xc0: {  	_ =	task.clear_ibuf [dreg:s6], $0x2FFFF;
	_ =	strace $0x9FFFFFFF  }
0xc1: {  	(tm) =	ssettm $0x7FFFFFFF  }
tec
execute0_lowered:
.L_overlay_start_1:
0x0: {  	(tag) =	ssettag $0x1  }
0x1: {  	s0 =	srdreg.scid;
	s4 =	rddreg [dreg:$0x0];
	s2 =	simm.s32 $0x0  }
0x2: {  	s9 =	simm.s32 $0x3200;
	s10 =	simm.s32 $0x6400;
	s3 =	sand.u32 $0x1, s0  }
0x3: {  	s11 =	simm.s32 $0x8B80;
	s0 =	stileid.u32;
	s1 =	sshll.u32 s3, $0x4  }
0x4: {  	v0 =	vimm.f32 $0.0e+00;
	v1 =	vimm.f32 $1.000000000e+00;
	s12 =	simm.s32 $0x0;
	s3 =	ssub.s32 $0x2, s3;
	s5 =	sor.u32 s0, s1  }
0x5: {  	vm0 =	vcmask $0x704;
	vm1 =	vcmask $0xB08;
	vm14 =	vcmask $0x3F3C;
	[smem:$0x7FF] =	sst s2;
	s7 =	sshrl.u32 s3, $0x1;
	s6 =	smul.u32 $0x640, s5  }
0x6: {  	vm2 =	vcmask $0xF0C;
	vm3 =	vcmask $0x1310;
	vm4 =	vcmask $0x1714;
	s1 =	rddreg [dreg:$0x1];
	s5 =	smul.u32 $0x4F0, s5;
	s7 =	ssub.s32 s3, s7  }
0x7: {  	vm5 =	vcmask $0x1B18;
	vm6 =	vcmask $0x1F1C;
	vm7 =	vcmask $0x2320;
	_ =	strace $0x80000047;
	s7 =	smax.u32 s7, $0x1;
	s6 =	sadd.s32 s6, s4  }
0x8: {  	vm8 =	vcmask $0x2724;
	vm9 =	vcmask $0x2B28;
	vm10 =	vcmask $0x2F2C;
	s8 =	sadd.s32 s5, s4;
	s3 =	sadd.s32 $0x16400, s6;
	s4 =	sadd.s32 $0x22C00, s6  }
0x9: {  	vm11 =	vcmask $0x3330;
	vm12 =	vcmask $0x3734;
	vm13 =	vcmask $0x3B38;
	s5 =	sadd.s32 $0x2F400, s8;
	s6 =	sadd.s32 $0x39200, s8;
	s8 =	simm.s32 $0x1  }
.LBB2_1:
0xa: {  	[tilespmem:s2], [sflag:$0x1] =	stream.linear.gather [hbm4b:s3+s2], $0x3200, $0x38;
	[tilespmem:$0xB300] =	vst v63  }
0xb: {  	_ =	swait.ge [sflag:s8], $0x3200  }
0xc: {  	[sflag:s8] =	ssyncset.done $0x0  }
0xd: {  	[sflag:s8] =	ssyncadd.s32 $0xFFFFCE00  }
0xe: {  	[tilespmem:s9], [sflag:$0x1] =	stream.linear.gather [hbm4b:s4+s2], $0x3200, $0x38;
	[tilespmem:$0xB300] =	vst v63  }
0xf: {  	_ =	swait.ge [sflag:s8], $0x3200  }
0x10: {  	[sflag:s8] =	ssyncset.done $0x0  }
0x11: {  	s13 =	simm.s32 $0x0;
	[sflag:s8] =	ssyncadd.s32 $0xFFFFCE00  }
.LBB2_2:
0x12: {  	p0 =	sne.s32 s13, $0x9C00  }
.Ltmp0:
0x13: {  	_ = 	snop;
	(pc) =	sbr.rel @p0 .LBB2_2-.Ltmp0, $4  }
0x14: {  	_ = 	snop  }
0x15: {  	s14 =	sshra.s32 s13, $0x2  }
0x16: {  	[tilespmem:s14+$0x6400] =	vst v0  }
0x17: {  	s13 =	sadd.s32 $0x40, s13;
	[tilespmem:s14+$0x8B80] =	vst v0  }
0x18: {  	s13 =	simm.s32 $0x0;
	s14 =	simm.s32 $0x3200;
	s15 =	simm.s32 $0x0  }
.LBB2_4:
0x19: {  	v2 =	vmov s13  }
0x1a: {  	v3 =	vmov s14;
	_ =	sdelay $0x2  }
0x1b: {  	s16 =	simm.s32 $0x0  }
0x1c: {  	v5 =	vld.idx.msk [tilespmem:v2+s16+$0x0 ss:$0x1], $0xffff  }
0x1d: {  	v4 =	vld.idx.msk [tilespmem:v3+s16+$0x0 ss:$0x1], $0xffff;
	_ =	sdelay $0x6  }
0x1e: {  	[tilespmem:v5+s10+$0x0] =	vst.idx.add.f32.msk $0x1, v1  }
0x1f: {  	[tilespmem:v4+s11+$0x0] =	vst.idx.add.f32.msk $0x1, v1  }
0x20: {  	[tilespmem:v5+s10+$0x0] =	vst.idx.add.f32.msk vm0, v1  }
0x21: {  	[tilespmem:v4+s11+$0x0] =	vst.idx.add.f32.msk vm0, v1  }
0x22: {  	[tilespmem:v5+s10+$0x0] =	vst.idx.add.f32.msk vm1, v1  }
0x23: {  	[tilespmem:v4+s11+$0x0] =	vst.idx.add.f32.msk vm1, v1  }
0x24: {  	[tilespmem:v5+s10+$0x0] =	vst.idx.add.f32.msk vm2, v1  }
0x25: {  	[tilespmem:v4+s11+$0x0] =	vst.idx.add.f32.msk vm2, v1  }
0x26: {  	[tilespmem:v5+s10+$0x0] =	vst.idx.add.f32.msk vm3, v1  }
0x27: {  	[tilespmem:v4+s11+$0x0] =	vst.idx.add.f32.msk vm3, v1  }
0x28: {  	[tilespmem:v5+s10+$0x0] =	vst.idx.add.f32.msk vm4, v1  }
0x29: {  	[tilespmem:v4+s11+$0x0] =	vst.idx.add.f32.msk vm4, v1  }
0x2a: {  	[tilespmem:v5+s10+$0x0] =	vst.idx.add.f32.msk vm5, v1  }
0x2b: {  	[tilespmem:v4+s11+$0x0] =	vst.idx.add.f32.msk vm5, v1  }
0x2c: {  	[tilespmem:v5+s10+$0x0] =	vst.idx.add.f32.msk vm6, v1  }
0x2d: {  	[tilespmem:v4+s11+$0x0] =	vst.idx.add.f32.msk vm6, v1  }
0x2e: {  	[tilespmem:v5+s10+$0x0] =	vst.idx.add.f32.msk vm7, v1  }
0x2f: {  	[tilespmem:v4+s11+$0x0] =	vst.idx.add.f32.msk vm7, v1  }
0x30: {  	[tilespmem:v5+s10+$0x0] =	vst.idx.add.f32.msk vm8, v1  }
0x31: {  	[tilespmem:v4+s11+$0x0] =	vst.idx.add.f32.msk vm8, v1  }
0x32: {  	[tilespmem:v5+s10+$0x0] =	vst.idx.add.f32.msk vm9, v1  }
0x33: {  	[tilespmem:v4+s11+$0x0] =	vst.idx.add.f32.msk vm9, v1  }
0x34: {  	[tilespmem:v5+s10+$0x0] =	vst.idx.add.f32.msk vm10, v1  }
0x35: {  	[tilespmem:v4+s11+$0x0] =	vst.idx.add.f32.msk vm10, v1  }
0x36: {  	[tilespmem:v5+s10+$0x0] =	vst.idx.add.f32.msk vm11, v1  }
0x37: {  	[tilespmem:v4+s11+$0x0] =	vst.idx.add.f32.msk vm11, v1  }
0x38: {  	[tilespmem:v5+s10+$0x0] =	vst.idx.add.f32.msk vm12, v1  }
0x39: {  	[tilespmem:v4+s11+$0x0] =	vst.idx.add.f32.msk vm12, v1  }
0x3a: {  	[tilespmem:v5+s10+$0x0] =	vst.idx.add.f32.msk vm13, v1  }
0x3b: {  	[tilespmem:v4+s11+$0x0] =	vst.idx.add.f32.msk vm13, v1  }
0x3c: {  	s17 =	simm.s32 $0x80;
	s16 =	simm.s32 $0x40;
	[tilespmem:v5+s10+$0x0] =	vst.idx.add.f32.msk vm14, v1  }
.LBB2_5:
0x3d: {  	p0 =	sne.s32 s17, $0x600  }
0x3e: {  	s18 =	sshra.s32 s16, $0x2;
	[tilespmem:v4+s11+$0x0] =	vst.idx.add.f32.msk vm14, v1;
	s16 =	smov.u32 s17;
	s17 =	sadd.s32 $0x40, s17  }
0x3f: {  	v5 =	vld.idx.msk [tilespmem:v2+s18+$0x0 ss:$0x1], $0xffff  }
0x40: {  	v4 =	vld.idx.msk [tilespmem:v3+s18+$0x0 ss:$0x1], $0xffff;
	_ =	sdelay $0x6  }
0x41: {  	[tilespmem:v5+s10+$0x0] =	vst.idx.add.f32.msk $0x1, v1  }
0x42: {  	[tilespmem:v4+s11+$0x0] =	vst.idx.add.f32.msk $0x1, v1  }
0x43: {  	[tilespmem:v5+s10+$0x0] =	vst.idx.add.f32.msk vm0, v1  }
0x44: {  	[tilespmem:v4+s11+$0x0] =	vst.idx.add.f32.msk vm0, v1  }
0x45: {  	[tilespmem:v5+s10+$0x0] =	vst.idx.add.f32.msk vm1, v1  }
0x46: {  	[tilespmem:v4+s11+$0x0] =	vst.idx.add.f32.msk vm1, v1  }
0x47: {  	[tilespmem:v5+s10+$0x0] =	vst.idx.add.f32.msk vm2, v1  }
0x48: {  	[tilespmem:v4+s11+$0x0] =	vst.idx.add.f32.msk vm2, v1  }
0x49: {  	[tilespmem:v5+s10+$0x0] =	vst.idx.add.f32.msk vm3, v1  }
0x4a: {  	[tilespmem:v4+s11+$0x0] =	vst.idx.add.f32.msk vm3, v1  }
0x4b: {  	[tilespmem:v5+s10+$0x0] =	vst.idx.add.f32.msk vm4, v1  }
0x4c: {  	[tilespmem:v4+s11+$0x0] =	vst.idx.add.f32.msk vm4, v1  }
0x4d: {  	[tilespmem:v5+s10+$0x0] =	vst.idx.add.f32.msk vm5, v1  }
0x4e: {  	[tilespmem:v4+s11+$0x0] =	vst.idx.add.f32.msk vm5, v1  }
0x4f: {  	[tilespmem:v5+s10+$0x0] =	vst.idx.add.f32.msk vm6, v1  }
0x50: {  	[tilespmem:v4+s11+$0x0] =	vst.idx.add.f32.msk vm6, v1  }
0x51: {  	[tilespmem:v5+s10+$0x0] =	vst.idx.add.f32.msk vm7, v1  }
0x52: {  	[tilespmem:v4+s11+$0x0] =	vst.idx.add.f32.msk vm7, v1  }
0x53: {  	[tilespmem:v5+s10+$0x0] =	vst.idx.add.f32.msk vm8, v1  }
0x54: {  	[tilespmem:v4+s11+$0x0] =	vst.idx.add.f32.msk vm8, v1  }
0x55: {  	[tilespmem:v5+s10+$0x0] =	vst.idx.add.f32.msk vm9, v1  }
0x56: {  	[tilespmem:v4+s11+$0x0] =	vst.idx.add.f32.msk vm9, v1  }
0x57: {  	[tilespmem:v5+s10+$0x0] =	vst.idx.add.f32.msk vm10, v1  }
0x58: {  	[tilespmem:v4+s11+$0x0] =	vst.idx.add.f32.msk vm10, v1  }
0x59: {  	[tilespmem:v5+s10+$0x0] =	vst.idx.add.f32.msk vm11, v1  }
0x5a: {  	[tilespmem:v4+s11+$0x0] =	vst.idx.add.f32.msk vm11, v1  }
.Ltmp1:
0x5b: {  	[tilespmem:v5+s10+$0x0] =	vst.idx.add.f32.msk vm12, v1;
	(pc) =	sbr.rel @p0 .LBB2_5-.Ltmp1, $4  }
0x5c: {  	[tilespmem:v4+s11+$0x0] =	vst.idx.add.f32.msk vm12, v1  }
0x5d: {  	[tilespmem:v5+s10+$0x0] =	vst.idx.add.f32.msk vm13, v1  }
0x5e: {  	[tilespmem:v4+s11+$0x0] =	vst.idx.add.f32.msk vm13, v1  }
0x5f: {  	[tilespmem:v5+s10+$0x0] =	vst.idx.add.f32.msk vm14, v1  }
0x60: {  	_ =	sdelay $0x4  }
0x61: {  	s16 =	sshra.s32 s16, $0x2;
	[tilespmem:v4+s11+$0x0] =	vst.idx.add.f32.msk vm14, v1  }
0x62: {  	v2 =	vld.idx.msk [tilespmem:v2+s16+$0x0 ss:$0x1], $0xffff  }
0x63: {  	v3 =	vld.idx.msk [tilespmem:v3+s16+$0x0 ss:$0x1], $0xffff;
	_ =	sdelay $0x6  }
0x64: {  	[tilespmem:v2+s10+$0x0] =	vst.idx.add.f32.msk $0x1, v1  }
0x65: {  	[tilespmem:v3+s11+$0x0] =	vst.idx.add.f32.msk $0x1, v1  }
0x66: {  	[tilespmem:v2+s10+$0x0] =	vst.idx.add.f32.msk vm0, v1  }
0x67: {  	[tilespmem:v3+s11+$0x0] =	vst.idx.add.f32.msk vm0, v1  }
0x68: {  	[tilespmem:v2+s10+$0x0] =	vst.idx.add.f32.msk vm1, v1  }
0x69: {  	[tilespmem:v3+s11+$0x0] =	vst.idx.add.f32.msk vm1, v1  }
0x6a: {  	[tilespmem:v2+s10+$0x0] =	vst.idx.add.f32.msk vm2, v1  }
0x6b: {  	[tilespmem:v3+s11+$0x0] =	vst.idx.add.f32.msk vm2, v1  }
0x6c: {  	[tilespmem:v2+s10+$0x0] =	vst.idx.add.f32.msk vm3, v1  }
0x6d: {  	[tilespmem:v3+s11+$0x0] =	vst.idx.add.f32.msk vm3, v1  }
0x6e: {  	[tilespmem:v2+s10+$0x0] =	vst.idx.add.f32.msk vm4, v1  }
0x6f: {  	[tilespmem:v3+s11+$0x0] =	vst.idx.add.f32.msk vm4, v1  }
0x70: {  	[tilespmem:v2+s10+$0x0] =	vst.idx.add.f32.msk vm5, v1  }
0x71: {  	[tilespmem:v3+s11+$0x0] =	vst.idx.add.f32.msk vm5, v1  }
0x72: {  	[tilespmem:v2+s10+$0x0] =	vst.idx.add.f32.msk vm6, v1  }
0x73: {  	[tilespmem:v3+s11+$0x0] =	vst.idx.add.f32.msk vm6, v1  }
0x74: {  	[tilespmem:v2+s10+$0x0] =	vst.idx.add.f32.msk vm7, v1  }
0x75: {  	[tilespmem:v3+s11+$0x0] =	vst.idx.add.f32.msk vm7, v1  }
0x76: {  	[tilespmem:v2+s10+$0x0] =	vst.idx.add.f32.msk vm8, v1  }
0x77: {  	[tilespmem:v3+s11+$0x0] =	vst.idx.add.f32.msk vm8, v1  }
0x78: {  	[tilespmem:v2+s10+$0x0] =	vst.idx.add.f32.msk vm9, v1  }
0x79: {  	[tilespmem:v3+s11+$0x0] =	vst.idx.add.f32.msk vm9, v1  }
0x7a: {  	[tilespmem:v2+s10+$0x0] =	vst.idx.add.f32.msk vm10, v1  }
0x7b: {  	[tilespmem:v3+s11+$0x0] =	vst.idx.add.f32.msk vm10, v1  }
0x7c: {  	[tilespmem:v2+s10+$0x0] =	vst.idx.add.f32.msk vm11, v1  }
0x7d: {  	s15 =	sadd.s32 $0x1, s15;
	[tilespmem:v3+s11+$0x0] =	vst.idx.add.f32.msk vm11, v1  }
0x7e: {  	p0 =	sne.s32 s15, $0x19;
	[tilespmem:v2+s10+$0x0] =	vst.idx.add.f32.msk vm12, v1  }
.Ltmp2:
0x7f: {  	[tilespmem:v3+s11+$0x0] =	vst.idx.add.f32.msk vm12, v1;
	(pc) =	sbr.rel @p0 .LBB2_4-.Ltmp2, $4  }
0x80: {  	[tilespmem:v2+s10+$0x0] =	vst.idx.add.f32.msk vm13, v1  }
0x81: {  	[tilespmem:v3+s11+$0x0] =	vst.idx.add.f32.msk vm13, v1  }
0x82: {  	[tilespmem:v2+s10+$0x0] =	vst.idx.add.f32.msk vm14, v1  }
0x83: {  	s13 =	sadd.s32 $0x200, s13;
	s14 =	sadd.s32 $0x200, s14;
	[tilespmem:v3+s11+$0x0] =	vst.idx.add.f32.msk vm14, v1  }
0x84: {  	[hbm4b:s5+s2] =	stream.linear.scatter [tilespmem:s10], [sflag:$0x1], $0x2780, $0x38;
	[tilespmem:$0xB300] =	vst v63  }
0x85: {  	s12 =	sadd.s32 $0x1, s12;
	_ =	swait.ge [sflag:s8], $0x2780  }
0x86: {  	p0 =	sne.s32 s12, s7;
	[sflag:s8] =	ssyncset.done $0x0  }
.Ltmp3:
0x87: {  	[sflag:s8] =	ssyncadd.s32 $0xFFFFD880;
	(pc) =	sbr.rel @p0 .LBB2_1-.Ltmp3, $4  }
0x88: {  	[hbm4b:s6+s2] =	stream.linear.scatter [tilespmem:s11], [sflag:$0x1], $0x2780, $0x38;
	[tilespmem:$0xB300] =	vst v63  }
0x89: {  	_ =	swait.ge [sflag:s8], $0x2780  }
0x8a: {  	[sflag:s8] =	ssyncset.done $0x0  }
0x8b: {  	[sflag:s8] =	ssyncadd.s32 $0xFFFFD880  }
0x8c: {  	_ =	sfence.sel $0x180000  }
0x8d: {  	[bflag:$0x0] =	sbarrier.arrive $0xFFFF  }
0x8e: {  	p0 =	sne.s32 s0, $0x0;
	_ =	strace $0x90000047  }
0x8f: {  	s0 =	sadd.s32 @!p0 $0x100000, s1;
	[bflag:$0x2] =	sbarrier.arrive $0xFFFF  }
0x90: {  	[sflag:s0] =	ssyncadd.tile.s32 @!p0 $0x1;
	_ =	shalt  }
.Lfunc_end2:
_tile_overlayer_lowered:
.L_overlay_start_2:
0x91: {  	(tag) =	ssettag $0x2  }
0x92: {  	s0 =	rddreg [dreg:$0x0];
	s2 =	stileid.u32  }
0x93: {  	s1 =	rddreg [dreg:$0x1];
	p0 =	sne.s32 s2, $0x0  }
0x94: {  	s3 =	rddreg [dreg:$0x2];
	[bflag:$0x3] =	sbarrier.arrive $0xFFFF;
	s2 =	simm.s32 @!p0 $0x1C02  }
0x95: {  	[timem:s3], [sflag:s2] =	dma.local @!p0 [hbm:s0], s1  }
0x96: {  	s0 =	simm.s32 @!p0 $0x2  }
0x97: {  	_ =	swait.ge @!p0 [sflag:s0], s1  }
0x98: {  	s1 =	ssub.s32 @!p0 $0x0, s1;
	[sflag:s0] =	ssyncset.done @!p0 $0x0  }
0x99: {  	[sflag:s0] =	ssyncadd.s32 @!p0 s1  }
0x9a: {  	[bflag:$0x3] =	sbarrier.arrive $0xFFFF  }
0x9b: {  	_ =	shalt  }

</sc_bundles>
